<compile_context>
chip_gen: v7x
topology: tpu7x:2x2x1
jax: 0.10.2.dev20260603
libtpu: 0.0.44.dev20260713+nightly
codegen_flags: <defaults>
</compile_context>

<pallas_src>
import functools

import jax
import jax.numpy as jnp
from jax import lax
from jax.experimental import pallas as pl
from jax.experimental.pallas import tpu as pltpu
from jax.experimental.pallas import tpu_sc as plsc

N = 100000
E = 3200000
G = 1024
D = 16
NC = 2
NS = 16
NW = NC * NS
EW = E // NW
SUP = 2000
SUB = 80
NSUB = SUP // SUB
NSUPER = EW // SUP
NGRP = SUP // 16
NP = 100352
ROWS_W = NP // NS

DA = 8
RB = 1000
NBLK = N // RB


def _edge_sc_kernel(x_hbm, src_hbm, dst_hbm, ea0_hbm, ea1_hbm, ea2_hbm,
                    we_hbm, be_hbm, zeros_hbm, out_hbm,
                    src_v, dst_v, ea0_v, ea1_v, ea2_v, rows_v, msg_v, we_v,
                    be_v, aggr_sh, sem):
    c = lax.axis_index("c")
    s = lax.axis_index("s")
    wid = s * NC + c

    pltpu.sync_copy(zeros_hbm.at[pl.ds(s * ROWS_W, ROWS_W)],
                    aggr_sh.at[pl.ds(s * ROWS_W, ROWS_W)])
    pltpu.sync_copy(zeros_hbm.at[pl.ds(0, SUP)], msg_v)
    pltpu.sync_copy(we_hbm, we_v)
    pltpu.sync_copy(be_hbm, be_v)
    plsc.subcore_barrier()

    wrows = [we_v[k] for k in range(3)]
    brow = be_v[...]
    w = [[wrows[k][f] for f in range(5)] for k in range(3)]
    b = [brow[f] for f in range(5)]
    iota16 = lax.broadcasted_iota(jnp.int32, (16,), 0)
    cols = [jnp.full((16,), f, jnp.int32) for f in range(5)]

    def super_body(sc, carry):
        base = wid * EW + sc * SUP
        pltpu.sync_copy(src_hbm.at[pl.ds(base, SUP)], src_v)
        pltpu.sync_copy(dst_hbm.at[pl.ds(wid * (EW // SUB) + sc * NSUB, NSUB)],
                        dst_v)
        pltpu.sync_copy(ea0_hbm.at[pl.ds(base, SUP)], ea0_v)
        pltpu.sync_copy(ea1_hbm.at[pl.ds(base, SUP)], ea1_v)
        pltpu.sync_copy(ea2_hbm.at[pl.ds(base, SUP)], ea2_v)
        descs = []
        for j in range(NSUB):
            descs.append(pltpu.async_copy(
                x_hbm.at[src_v.at[pl.ds(j * SUB, SUB)]],
                rows_v.at[pl.ds(j * SUB, SUB)], sem))
        for d in descs:
            d.wait()

        def group_body(g, carry2):
            ridx = iota16 + g * 16
            ea0 = ea0_v[pl.ds(g * 16, 16)]
            ea1 = ea1_v[pl.ds(g * 16, 16)]
            ea2 = ea2_v[pl.ds(g * 16, 16)]
            for f in range(5):
                xg = plsc.load_gather(rows_v, [ridx, cols[f]])
                m = xg + ea0 * w[0][f] + ea1 * w[1][f] + ea2 * w[2][f] + b[f]
                plsc.store_scatter(msg_v, [ridx, cols[f]],
                                   jnp.maximum(m, 0.0))
            return carry2

        lax.fori_loop(0, NGRP, group_body, 0)

        for j in range(NSUB):
            pltpu.sync_copy(msg_v.at[pl.ds(j * SUB, SUB)],
                            aggr_sh.at[dst_v.at[j]], add=True)
        return carry

    lax.fori_loop(0, NSUPER, super_body, 0)
    plsc.subcore_barrier()
    pltpu.sync_copy(aggr_sh.at[pl.ds(s * ROWS_W, ROWS_W)],
                    out_hbm.at[c, pl.ds(s * ROWS_W, ROWS_W)])


def _make_edge_kernel():
    mesh = plsc.VectorSubcoreMesh(core_axis_name="c", subcore_axis_name="s",
                                  num_cores=NC, num_subcores=NS)
    return pl.kernel(
        _edge_sc_kernel,
        out_type=jax.ShapeDtypeStruct((NC, NP, DA), jnp.float32),
        mesh=mesh,
        scratch_types=[
            pltpu.VMEM((SUP,), jnp.int32),
            pltpu.VMEM((NSUB, SUB), jnp.int32),
            pltpu.VMEM((SUP,), jnp.float32),
            pltpu.VMEM((SUP,), jnp.float32),
            pltpu.VMEM((SUP,), jnp.float32),
            pltpu.VMEM((SUP, D), jnp.float32),
            pltpu.VMEM((SUP, DA), jnp.float32),
            pltpu.VMEM((3, D), jnp.float32),
            pltpu.VMEM((D,), jnp.float32),
            pltpu.VMEM_SHARED((NP, DA), jnp.float32),
            pltpu.SemaphoreType.DMA,
        ],
        compiler_params=pltpu.CompilerParams(use_tc_tiling_on_sc=False,
                                             needs_layout_passes=False),
    )


def _tc_body(xp_ref, a0_ref, a1_ref, batch_ref, w1_ref, b1_ref, w2_ref,
             b2_ref, wf1_ref, bf1_ref, wf2_ref, bf2_ref, out_ref, acc_ref):
    i = pl.program_id(0)

    @pl.when(i == 0)
    def _():
        acc_ref[...] = jnp.zeros_like(acc_ref)

    def _bf(v):
        return v.astype(jnp.bfloat16).astype(jnp.float32)

    hin = xp_ref[...] + a0_ref[0] + a1_ref[0]
    t = jnp.maximum(
        lax.dot_general(_bf(hin), w1_ref[...], (((1,), (0,)), ((), ()))) +
        b1_ref[...], 0.0)
    h = lax.dot_general(_bf(t), w2_ref[...], (((1,), (0,)), ((), ()))) + b2_ref[...]
    gids = lax.broadcasted_iota(jnp.int32, (G, RB), 0)
    onehot = (gids == batch_ref[0]).astype(jnp.float32)
    acc_ref[...] += lax.dot_general(onehot, h, (((1,), (0,)), ((), ())),
                                    precision=lax.Precision.HIGHEST)

    @pl.when(i == NBLK - 1)
    def _():
        sums = acc_ref[...]
        cnt = jnp.maximum(sums[:, DA - 1:DA], 1.0)
        mean = sums / cnt
        z = jnp.maximum(
            lax.dot_general(_bf(mean), wf1_ref[...], (((1,), (0,)), ((), ()))) +
            bf1_ref[...], 0.0)
        o = lax.dot_general(_bf(z), wf2_ref[...], (((1,), (0,)), ((), ()))) + bf2_ref[...]
        out_ref[...] = jax.nn.sigmoid(o)


def _pad2(a, rows, cols):
    return jnp.zeros((rows, cols), a.dtype).at[:a.shape[0], :a.shape[1]].set(a)


def kernel(x, edge_index, edge_attr, batch, W_e, b_e, W1, b1, W2, b2,
           Wf1, bf1, Wf2, bf2):
    src = edge_index[0].astype(jnp.int32)
    dst = edge_index[1].astype(jnp.int32)
    xp = jnp.zeros((NP, D), jnp.float32).at[:N, :5].set(x)
    eab = edge_attr.astype(jnp.bfloat16).astype(jnp.float32)
    ea0 = eab[:, 0]
    ea1 = eab[:, 1]
    ea2 = eab[:, 2]
    wep = _pad2(W_e, 3, D).astype(jnp.bfloat16).astype(jnp.float32)
    bep = jnp.zeros((D,), jnp.float32).at[:5].set(b_e)
    zeros = jnp.zeros((NP, DA), jnp.float32)

    aggr = _make_edge_kernel()(xp, src, dst.reshape(E // SUB, SUB),
                               ea0, ea1, ea2, wep, bep, zeros)
    aggr = aggr[:, :N, :]
    xpn = jnp.zeros((N, DA), jnp.float32).at[:, :5].set(x)

    rbf = lambda a: a.astype(jnp.bfloat16).astype(jnp.float32)
    w1p = rbf(_pad2(W1, DA, 128))
    b1p = b1.reshape(1, 128)
    w2p = rbf(_pad2(W2, 128, DA))
    b2p = jnp.zeros((1, DA), jnp.float32).at[0, :5].set(b2).at[0, DA - 1].set(1.0)
    wf1p = rbf(_pad2(Wf1, DA, 128))
    bf1p = jnp.zeros((1, 128), jnp.float32).at[0, :32].set(bf1)
    wf2p = rbf(_pad2(Wf2, 128, 128))
    bf2p = jnp.zeros((1, 128), jnp.float32).at[0, :1].set(bf2)
    batch3d = batch.astype(jnp.int32).reshape(NBLK, 1, RB)

    full = lambda shape: pl.BlockSpec(shape, lambda i: tuple(0 for _ in shape))
    out = pl.pallas_call(
        _tc_body,
        grid=(NBLK,),
        in_specs=[
            pl.BlockSpec((RB, DA), lambda i: (i, 0)),
            pl.BlockSpec((1, RB, DA), lambda i: (0, i, 0)),
            pl.BlockSpec((1, RB, DA), lambda i: (1, i, 0)),
            pl.BlockSpec((1, 1, RB), lambda i: (i, 0, 0)),
            full((DA, 128)), full((1, 128)), full((128, DA)), full((1, DA)),
            full((DA, 128)), full((1, 128)), full((128, 128)), full((1, 128)),
        ],
        out_specs=pl.BlockSpec((G, 128), lambda i: (0, 0)),
        out_shape=jax.ShapeDtypeStruct((G, 128), jnp.float32),
        scratch_shapes=[pltpu.VMEM((G, DA), jnp.float32)],
    )(xpn, aggr, aggr, batch3d, w1p, b1p, w2p, b2p, wf1p, bf1p, wf2p, bf2p)

    return out[:, :1]

# --- scband reference (transcript-rebuilt; emitter-appended) ---
"""Pipeline reference for scband-gnn-70016556859576 (READ-ONLY COPY).

The authoritative reference and input builder live on the scoring server;
editing this copy changes nothing except your own understanding.
"""

import jax, jax.numpy as jnp
import numpy as np

N = 100000
E = 3200000
G = 1024

def setup_inputs(seed: int = 0) -> dict:
    key = jax.random.key(seed)
    ks = jax.random.split(key, 16)
    x = jax.random.normal(ks[0], (N, 5), dtype=jnp.float32)
    edge_index = jax.random.randint(ks[1], (2, E), 0, N, dtype=jnp.int64)
    edge_attr = jax.random.normal(ks[2], (E, 3), dtype=jnp.float32)
    batch = jnp.sort(jax.random.randint(ks[3], (N,), 0, G, dtype=jnp.int64))
    # GINEConv internal edge lin: Linear(3 -> 5)
    W_e = jax.random.normal(ks[4], (3, 5), dtype=jnp.float32) * (1.0 / np.sqrt(3))
    b_e = jnp.zeros((5,), dtype=jnp.float32)
    # GIN nn: Linear(5,128) -> ReLU -> Linear(128,5)
    W1 = jax.random.normal(ks[5], (5, 128), dtype=jnp.float32) * (1.0 / np.sqrt(5))
    b1 = jnp.zeros((128,), dtype=jnp.float32)
    W2 = jax.random.normal(ks[6], (128, 5), dtype=jnp.float32) * (1.0 / np.sqrt(128))
    b2 = jnp.zeros((5,), dtype=jnp.float32)
    # fc head: Linear(5,32) -> ReLU -> Linear(32,1) -> Sigmoid
    Wf1 = jax.random.normal(ks[7], (5, 32), dtype=jnp.float32) * (1.0 / np.sqrt(5))
    bf1 = jnp.zeros((32,), dtype=jnp.float32)
    Wf2 = jax.random.normal(ks[8], (32, 1), dtype=jnp.float32) * (1.0 / np.sqrt(32))
    bf2 = jnp.zeros((1,), dtype=jnp.float32)
    return {"x": x, "edge_index": edge_index, "edge_attr": edge_attr, "batch": batch,
            "W_e": W_e, "b_e": b_e, "W1": W1, "b1": b1, "W2": W2, "b2": b2,
            "Wf1": Wf1, "bf1": bf1, "Wf2": Wf2, "bf2": bf2}


def reference(x, edge_index, edge_attr, batch, W_e, b_e, W1, b1, W2, b2, Wf1, bf1, Wf2, bf2):
    src = edge_index[0]
    dst = edge_index[1]
    # GINEConv: edge_attr projected to node dim, message = relu(x_j + e), sum-aggregated at dst
    e = edge_attr @ W_e + b_e
    msg = jax.nn.relu(jnp.take(x, src, axis=0) + e)
    aggr = jax.ops.segment_sum(msg, dst, num_segments=x.shape[0])
    h = (1.0 + 0.0) * x + aggr  # eps = 0
    h = jax.nn.relu(h @ W1 + b1) @ W2 + b2
    # global_mean_pool over batch ids
    sums = jax.ops.segment_sum(h, batch, num_segments=G)
    cnt = jax.ops.segment_sum(jnp.ones((x.shape[0],), dtype=h.dtype), batch, num_segments=G)
    pooled = sums / jnp.maximum(cnt, 1.0)[:, None]
    out = jax.nn.sigmoid(jax.nn.relu(pooled @ Wf1 + bf1) @ Wf2 + bf2)
    return out

if __name__ == "__main__":
    import jax
    _d = setup_inputs()
    print(jax.jit(kernel)(*tuple(_d.values())))

</pallas_src>

<mosaic_0001>
#map = affine_map<(d0, d1) -> (0, 0)>
#map1 = affine_map<(d0, d1) -> (0)>
#map2 = affine_map<(d0, d1) -> (0, 0, 0)>
module attributes {stable_mosaic.version = 14 : i64} {
  func.func @_edge_sc_kernel(%arg0: i32, %arg1: i32, %arg2: memref<100352x16xf32, #tpu.memory_space<hbm>>, %arg3: memref<3200000xi32, #tpu.memory_space<hbm>>, %arg4: memref<40000x80xi32, #tpu.memory_space<hbm>>, %arg5: memref<3200000xf32, #tpu.memory_space<hbm>>, %arg6: memref<3200000xf32, #tpu.memory_space<hbm>>, %arg7: memref<3200000xf32, #tpu.memory_space<hbm>>, %arg8: memref<3x16xf32, #tpu.memory_space<hbm>>, %arg9: memref<16xf32, #tpu.memory_space<hbm>>, %arg10: memref<100352x8xf32, #tpu.memory_space<hbm>>, %arg11: memref<2x100352x8xf32, #tpu.memory_space<hbm>>, %arg12: memref<2000xi32, #tpu.memory_space<vmem>>, %arg13: memref<25x80xi32, #tpu.memory_space<vmem>>, %arg14: memref<2000xf32, #tpu.memory_space<vmem>>, %arg15: memref<2000xf32, #tpu.memory_space<vmem>>, %arg16: memref<2000xf32, #tpu.memory_space<vmem>>, %arg17: memref<2000x16xf32, #tpu.memory_space<vmem>>, %arg18: memref<2000x8xf32, #tpu.memory_space<vmem>>, %arg19: memref<3x16xf32, #tpu.memory_space<vmem>>, %arg20: memref<16xf32, #tpu.memory_space<vmem>>, %arg21: memref<100352x8xf32, #tpu.memory_space<vmem_shared>>, %arg22: memref<!tpu.dma_semaphore, #tpu.memory_space<semaphore_mem>>) attributes {dimension_semantics = [#tpu.dimension_semantics<core_parallel>, #tpu.dimension_semantics<subcore_parallel>], iteration_bounds = array<i64: 2, 16>, scalar_prefetch = 0 : i64, scratch_operands = 11 : i64, tpu.core_type = #tpu.core_type<sc_vector_subcore>, window_params = [{transform_indices = #map}, {transform_indices = #map1}, {transform_indices = #map}, {transform_indices = #map1}, {transform_indices = #map1}, {transform_indices = #map1}, {transform_indices = #map}, {transform_indices = #map1}, {transform_indices = #map}, {transform_indices = #map2}]} {
    %mul3A = arith.constant 2 : i32
    %mul3A_0 = arith.muli %arg1, %mul3A : i32
    %add3A = arith.addi %mul3A_0, %arg0 : i32
    %mul3A_1 = arith.constant 6272 : i32
    %mul3A_2 = arith.muli %arg1, %mul3A_1 : i32
    %mul3A_3 = arith.constant 6272 : i32
    %mul3A_4 = arith.muli %arg1, %mul3A_3 : i32
    "tpu.region"() ({
      %run_scoped3A = tpu.sem_alloc : memref<!tpu.dma_semaphore, #tpu.memory_space<semaphore_mem>>
      %dma_start3A = arith.constant 0 : i32
      %dma_start3A_75 = tpu.memref_slice %arg21[%mul3A_4, %dma_start3A] : memref<100352x8xf32, #tpu.memory_space<vmem_shared>> -> memref<6272x8xf32, #tpu.memory_space<vmem_shared>>
      %dma_start3A_76 = arith.constant 0 : i32
      %dma_start3A_77 = tpu.memref_slice %arg10[%mul3A_2, %dma_start3A_76] : memref<100352x8xf32, #tpu.memory_space<hbm>> -> memref<6272x8xf32, #tpu.memory_space<hbm>>
      tpu.enqueue_dma source(%dma_start3A_77 : memref<6272x8xf32, #tpu.memory_space<hbm>>) target(%dma_start3A_75 : memref<6272x8xf32, #tpu.memory_space<vmem_shared>>) target_semaphore(%run_scoped3A : memref<!tpu.dma_semaphore, #tpu.memory_space<semaphore_mem>>)
      %dma_wait3A = arith.constant 0 : i32
      %dma_wait3A_78 = tpu.memref_slice %arg21[%mul3A_4, %dma_wait3A] : memref<100352x8xf32, #tpu.memory_space<vmem_shared>> -> memref<6272x8xf32, #tpu.memory_space<vmem_shared>>
      %dma_wait3A_79 = arith.constant 0 : i32
      %dma_wait3A_80 = tpu.memref_slice %arg10[%mul3A_2, %dma_wait3A_79] : memref<100352x8xf32, #tpu.memory_space<hbm>> -> memref<6272x8xf32, #tpu.memory_space<hbm>>
      tpu.wait_dma2 semaphore(%run_scoped3A : memref<!tpu.dma_semaphore, #tpu.memory_space<semaphore_mem>>) src(%dma_wait3A_80 : memref<6272x8xf32, #tpu.memory_space<hbm>>) dst(%dma_wait3A_78 : memref<6272x8xf32, #tpu.memory_space<vmem_shared>>)
      tpu.yield
    }) : () -> ()
    "tpu.region"() ({
      %run_scoped3A = tpu.sem_alloc : memref<!tpu.dma_semaphore, #tpu.memory_space<semaphore_mem>>
      %dma_start3A = arith.constant 0 : i32
      %dma_start3A_75 = arith.constant 0 : i32
      %dma_start3A_76 = tpu.memref_slice %arg10[%dma_start3A, %dma_start3A_75] : memref<100352x8xf32, #tpu.memory_space<hbm>> -> memref<2000x8xf32, #tpu.memory_space<hbm>>
      %dma_start3A_77 = arith.constant 0 : i32
      %dma_start3A_78 = arith.constant 0 : i32
      %dma_start3A_79 = tpu.memref_slice %arg10[%dma_start3A_77, %dma_start3A_78] : memref<100352x8xf32, #tpu.memory_space<hbm>> -> memref<2000x8xf32, #tpu.memory_space<hbm>>
      tpu.enqueue_dma source(%dma_start3A_79 : memref<2000x8xf32, #tpu.memory_space<hbm>>) target(%arg18 : memref<2000x8xf32, #tpu.memory_space<vmem>>) target_semaphore(%run_scoped3A : memref<!tpu.dma_semaphore, #tpu.memory_space<semaphore_mem>>)
      %dma_wait3A = arith.constant 0 : i32
      %dma_wait3A_80 = arith.constant 0 : i32
      %dma_wait3A_81 = tpu.memref_slice %arg10[%dma_wait3A, %dma_wait3A_80] : memref<100352x8xf32, #tpu.memory_space<hbm>> -> memref<2000x8xf32, #tpu.memory_space<hbm>>
      %dma_wait3A_82 = arith.constant 0 : i32
      %dma_wait3A_83 = arith.constant 0 : i32
      %dma_wait3A_84 = tpu.memref_slice %arg10[%dma_wait3A_82, %dma_wait3A_83] : memref<100352x8xf32, #tpu.memory_space<hbm>> -> memref<2000x8xf32, #tpu.memory_space<hbm>>
      tpu.wait_dma2 semaphore(%run_scoped3A : memref<!tpu.dma_semaphore, #tpu.memory_space<semaphore_mem>>) src(%dma_wait3A_84 : memref<2000x8xf32, #tpu.memory_space<hbm>>) dst(%arg18 : memref<2000x8xf32, #tpu.memory_space<vmem>>)
      tpu.yield
    }) : () -> ()
    "tpu.region"() ({
      %run_scoped3A = tpu.sem_alloc : memref<!tpu.dma_semaphore, #tpu.memory_space<semaphore_mem>>
      tpu.enqueue_dma source(%arg8 : memref<3x16xf32, #tpu.memory_space<hbm>>) target(%arg19 : memref<3x16xf32, #tpu.memory_space<vmem>>) target_semaphore(%run_scoped3A : memref<!tpu.dma_semaphore, #tpu.memory_space<semaphore_mem>>)
      tpu.wait_dma2 semaphore(%run_scoped3A : memref<!tpu.dma_semaphore, #tpu.memory_space<semaphore_mem>>) src(%arg8 : memref<3x16xf32, #tpu.memory_space<hbm>>) dst(%arg19 : memref<3x16xf32, #tpu.memory_space<vmem>>)
      tpu.yield
    }) : () -> ()
    "tpu.region"() ({
      %run_scoped3A = tpu.sem_alloc : memref<!tpu.dma_semaphore, #tpu.memory_space<semaphore_mem>>
      tpu.enqueue_dma source(%arg9 : memref<16xf32, #tpu.memory_space<hbm>>) target(%arg20 : memref<16xf32, #tpu.memory_space<vmem>>) target_semaphore(%run_scoped3A : memref<!tpu.dma_semaphore, #tpu.memory_space<semaphore_mem>>)
      tpu.wait_dma2 semaphore(%run_scoped3A : memref<!tpu.dma_semaphore, #tpu.memory_space<semaphore_mem>>) src(%arg9 : memref<16xf32, #tpu.memory_space<hbm>>) dst(%arg20 : memref<16xf32, #tpu.memory_space<vmem>>)
      tpu.yield
    }) : () -> ()
    %barrier3A = arith.constant 0 : index
    tpu.barrier barrier_id(%barrier3A)
    %get3A = arith.constant 0 : i32
    %get3A_5 = arith.index_cast %get3A : i32 to index
    %get3A_6 = arith.constant 0 : index
    %get3A_7 = tpu.vector_load %arg19[%get3A_5, %get3A_6] {strides = array<i32>} : memref<3x16xf32, #tpu.memory_space<vmem>>, vector<16xf32>,
    %get3A_8 = arith.constant 1 : i32
    %get3A_9 = arith.index_cast %get3A_8 : i32 to index
    %get3A_10 = arith.constant 0 : index
    %get3A_11 = tpu.vector_load %arg19[%get3A_9, %get3A_10] {strides = array<i32>} : memref<3x16xf32, #tpu.memory_space<vmem>>, vector<16xf32>,
    %get3A_12 = arith.constant 2 : i32
    %get3A_13 = arith.index_cast %get3A_12 : i32 to index
    %get3A_14 = arith.constant 0 : index
    %get3A_15 = tpu.vector_load %arg19[%get3A_13, %get3A_14] {strides = array<i32>} : memref<3x16xf32, #tpu.memory_space<vmem>>, vector<16xf32>,
    %get3A_16 = arith.constant 0 : index
    %get3A_17 = tpu.vector_load %arg20[%get3A_16] {strides = array<i32>} : memref<16xf32, #tpu.memory_space<vmem>>, vector<16xf32>,
    %slice3A = vector.extract_strided_slice %get3A_7 {offsets = [0], sizes = [1], strides = [1]} : vector<16xf32> to vector<1xf32>
    %squeeze3A = vector.extract %slice3A[0] : f32 from vector<1xf32>
    %slice3A_18 = vector.extract_strided_slice %get3A_7 {offsets = [1], sizes = [1], strides = [1]} : vector<16xf32> to vector<1xf32>
    %squeeze3A_19 = vector.extract %slice3A_18[0] : f32 from vector<1xf32>
    %slice3A_20 = vector.extract_strided_slice %get3A_7 {offsets = [2], sizes = [1], strides = [1]} : vector<16xf32> to vector<1xf32>
    %squeeze3A_21 = vector.extract %slice3A_20[0] : f32 from vector<1xf32>
    %slice3A_22 = vector.extract_strided_slice %get3A_7 {offsets = [3], sizes = [1], strides = [1]} : vector<16xf32> to vector<1xf32>
    %squeeze3A_23 = vector.extract %slice3A_22[0] : f32 from vector<1xf32>
    %slice3A_24 = vector.extract_strided_slice %get3A_7 {offsets = [4], sizes = [1], strides = [1]} : vector<16xf32> to vector<1xf32>
    %squeeze3A_25 = vector.extract %slice3A_24[0] : f32 from vector<1xf32>
    %slice3A_26 = vector.extract_strided_slice %get3A_11 {offsets = [0], sizes = [1], strides = [1]} : vector<16xf32> to vector<1xf32>
    %squeeze3A_27 = vector.extract %slice3A_26[0] : f32 from vector<1xf32>
    %slice3A_28 = vector.extract_strided_slice %get3A_11 {offsets = [1], sizes = [1], strides = [1]} : vector<16xf32> to vector<1xf32>
    %squeeze3A_29 = vector.extract %slice3A_28[0] : f32 from vector<1xf32>
    %slice3A_30 = vector.extract_strided_slice %get3A_11 {offsets = [2], sizes = [1], strides = [1]} : vector<16xf32> to vector<1xf32>
    %squeeze3A_31 = vector.extract %slice3A_30[0] : f32 from vector<1xf32>
    %slice3A_32 = vector.extract_strided_slice %get3A_11 {offsets = [3], sizes = [1], strides = [1]} : vector<16xf32> to vector<1xf32>
    %squeeze3A_33 = vector.extract %slice3A_32[0] : f32 from vector<1xf32>
    %slice3A_34 = vector.extract_strided_slice %get3A_11 {offsets = [4], sizes = [1], strides = [1]} : vector<16xf32> to vector<1xf32>
    %squeeze3A_35 = vector.extract %slice3A_34[0] : f32 from vector<1xf32>
    %slice3A_36 = vector.extract_strided_slice %get3A_15 {offsets = [0], sizes = [1], strides = [1]} : vector<16xf32> to vector<1xf32>
    %squeeze3A_37 = vector.extract %slice3A_36[0] : f32 from vector<1xf32>
    %slice3A_38 = vector.extract_strided_slice %get3A_15 {offsets = [1], sizes = [1], strides = [1]} : vector<16xf32> to vector<1xf32>
    %squeeze3A_39 = vector.extract %slice3A_38[0] : f32 from vector<1xf32>
    %slice3A_40 = vector.extract_strided_slice %get3A_15 {offsets = [2], sizes = [1], strides = [1]} : vector<16xf32> to vector<1xf32>
    %squeeze3A_41 = vector.extract %slice3A_40[0] : f32 from vector<1xf32>
    %slice3A_42 = vector.extract_strided_slice %get3A_15 {offsets = [3], sizes = [1], strides = [1]} : vector<16xf32> to vector<1xf32>
    %squeeze3A_43 = vector.extract %slice3A_42[0] : f32 from vector<1xf32>
    %slice3A_44 = vector.extract_strided_slice %get3A_15 {offsets = [4], sizes = [1], strides = [1]} : vector<16xf32> to vector<1xf32>
    %squeeze3A_45 = vector.extract %slice3A_44[0] : f32 from vector<1xf32>
    %slice3A_46 = vector.extract_strided_slice %get3A_17 {offsets = [0], sizes = [1], strides = [1]} : vector<16xf32> to vector<1xf32>
    %squeeze3A_47 = vector.extract %slice3A_46[0] : f32 from vector<1xf32>
    %slice3A_48 = vector.extract_strided_slice %get3A_17 {offsets = [1], sizes = [1], strides = [1]} : vector<16xf32> to vector<1xf32>
    %squeeze3A_49 = vector.extract %slice3A_48[0] : f32 from vector<1xf32>
    %slice3A_50 = vector.extract_strided_slice %get3A_17 {offsets = [2], sizes = [1], strides = [1]} : vector<16xf32> to vector<1xf32>
    %squeeze3A_51 = vector.extract %slice3A_50[0] : f32 from vector<1xf32>
    %slice3A_52 = vector.extract_strided_slice %get3A_17 {offsets = [3], sizes = [1], strides = [1]} : vector<16xf32> to vector<1xf32>
    %squeeze3A_53 = vector.extract %slice3A_52[0] : f32 from vector<1xf32>
    %slice3A_54 = vector.extract_strided_slice %get3A_17 {offsets = [4], sizes = [1], strides = [1]} : vector<16xf32> to vector<1xf32>
    %squeeze3A_55 = vector.extract %slice3A_54[0] : f32 from vector<1xf32>
    %iota3A = tpu.iota {dimensions = array<i32: 0>} : vector<16xi32>
    %broadcast_in_dim3A = arith.constant 0 : i32
    %broadcast_in_dim3A_56 = vector.broadcast %broadcast_in_dim3A : i32 to vector<16xi32>
    %broadcast_in_dim3A_57 = arith.constant 1 : i32
    %broadcast_in_dim3A_58 = vector.broadcast %broadcast_in_dim3A_57 : i32 to vector<16xi32>
    %broadcast_in_dim3A_59 = arith.constant 2 : i32
    %broadcast_in_dim3A_60 = vector.broadcast %broadcast_in_dim3A_59 : i32 to vector<16xi32>
    %broadcast_in_dim3A_61 = arith.constant 3 : i32
    %broadcast_in_dim3A_62 = vector.broadcast %broadcast_in_dim3A_61 : i32 to vector<16xi32>
    %broadcast_in_dim3A_63 = arith.constant 4 : i32
    %broadcast_in_dim3A_64 = vector.broadcast %broadcast_in_dim3A_63 : i32 to vector<16xi32>
    %scan3A = arith.constant 0 : i32
    %scan3A_65 = arith.constant 0 : i32
    %scan3A_66 = arith.constant 50 : i32
    %scan3A_67 = arith.addi %scan3A_65, %scan3A_66 : i32
    %scan3A_68 = arith.constant 1 : i32
    scf.for %scan3A_75 = %scan3A_65 to %scan3A_67 step %scan3A_68  : i32 {
      %mul3A_76 = arith.constant 100000 : i32
      %mul3A_77 = arith.muli %add3A, %mul3A_76 : i32
      %mul3A_78 = arith.constant 2000 : i32
      %mul3A_79 = arith.muli %scan3A_75, %mul3A_78 : i32
      %add3A_80 = arith.addi %mul3A_77, %mul3A_79 : i32
      "tpu.region"() ({
        %run_scoped3A_514 = tpu.sem_alloc : memref<!tpu.dma_semaphore, #tpu.memory_space<semaphore_mem>>
        %dma_start3A_515 = tpu.memref_slice %arg3[%add3A_80] : memref<3200000xi32, #tpu.memory_space<hbm>> -> memref<2000xi32, #tpu.memory_space<hbm>>
        %dma_start3A_516 = tpu.memref_slice %arg3[%add3A_80] : memref<3200000xi32, #tpu.memory_space<hbm>> -> memref<2000xi32, #tpu.memory_space<hbm>>
        tpu.enqueue_dma source(%dma_start3A_516 : memref<2000xi32, #tpu.memory_space<hbm>>) target(%arg12 : memref<2000xi32, #tpu.memory_space<vmem>>) target_semaphore(%run_scoped3A_514 : memref<!tpu.dma_semaphore, #tpu.memory_space<semaphore_mem>>)
        %dma_wait3A_517 = tpu.memref_slice %arg3[%add3A_80] : memref<3200000xi32, #tpu.memory_space<hbm>> -> memref<2000xi32, #tpu.memory_space<hbm>>
        %dma_wait3A_518 = tpu.memref_slice %arg3[%add3A_80] : memref<3200000xi32, #tpu.memory_space<hbm>> -> memref<2000xi32, #tpu.memory_space<hbm>>
        tpu.wait_dma2 semaphore(%run_scoped3A_514 : memref<!tpu.dma_semaphore, #tpu.memory_space<semaphore_mem>>) src(%dma_wait3A_518 : memref<2000xi32, #tpu.memory_space<hbm>>) dst(%arg12 : memref<2000xi32, #tpu.memory_space<vmem>>)
        tpu.yield
      }) : () -> ()
      %mul3A_81 = arith.constant 1250 : i32
      %mul3A_82 = arith.muli %add3A, %mul3A_81 : i32
      %mul3A_83 = arith.constant 25 : i32
      %mul3A_84 = arith.muli %scan3A_75, %mul3A_83 : i32
      %add3A_85 = arith.addi %mul3A_82, %mul3A_84 : i32
      "tpu.region"() ({
        %run_scoped3A_514 = tpu.sem_alloc : memref<!tpu.dma_semaphore, #tpu.memory_space<semaphore_mem>>
        %dma_start3A_515 = arith.constant 0 : i32
        %dma_start3A_516 = tpu.memref_slice %arg4[%add3A_85, %dma_start3A_515] : memref<40000x80xi32, #tpu.memory_space<hbm>> -> memref<25x80xi32, #tpu.memory_space<hbm>>
        %dma_start3A_517 = arith.constant 0 : i32
        %dma_start3A_518 = tpu.memref_slice %arg4[%add3A_85, %dma_start3A_517] : memref<40000x80xi32, #tpu.memory_space<hbm>> -> memref<25x80xi32, #tpu.memory_space<hbm>>
        tpu.enqueue_dma source(%dma_start3A_518 : memref<25x80xi32, #tpu.memory_space<hbm>>) target(%arg13 : memref<25x80xi32, #tpu.memory_space<vmem>>) target_semaphore(%run_scoped3A_514 : memref<!tpu.dma_semaphore, #tpu.memory_space<semaphore_mem>>)
        %dma_wait3A_519 = arith.constant 0 : i32
        %dma_wait3A_520 = tpu.memref_slice %arg4[%add3A_85, %dma_wait3A_519] : memref<40000x80xi32, #tpu.memory_space<hbm>> -> memref<25x80xi32, #tpu.memory_space<hbm>>
        %dma_wait3A_521 = arith.constant 0 : i32
        %dma_wait3A_522 = tpu.memref_slice %arg4[%add3A_85, %dma_wait3A_521] : memref<40000x80xi32, #tpu.memory_space<hbm>> -> memref<25x80xi32, #tpu.memory_space<hbm>>
        tpu.wait_dma2 semaphore(%run_scoped3A_514 : memref<!tpu.dma_semaphore, #tpu.memory_space<semaphore_mem>>) src(%dma_wait3A_522 : memref<25x80xi32, #tpu.memory_space<hbm>>) dst(%arg13 : memref<25x80xi32, #tpu.memory_space<vmem>>)
        tpu.yield
      }) : () -> ()
      "tpu.region"() ({
        %run_scoped3A_514 = tpu.sem_alloc : memref<!tpu.dma_semaphore, #tpu.memory_space<semaphore_mem>>
        %dma_start3A_515 = tpu.memref_slice %arg5[%add3A_80] : memref<3200000xf32, #tpu.memory_space<hbm>> -> memref<2000xf32, #tpu.memory_space<hbm>>
        %dma_start3A_516 = tpu.memref_slice %arg5[%add3A_80] : memref<3200000xf32, #tpu.memory_space<hbm>> -> memref<2000xf32, #tpu.memory_space<hbm>>
        tpu.enqueue_dma source(%dma_start3A_516 : memref<2000xf32, #tpu.memory_space<hbm>>) target(%arg14 : memref<2000xf32, #tpu.memory_space<vmem>>) target_semaphore(%run_scoped3A_514 : memref<!tpu.dma_semaphore, #tpu.memory_space<semaphore_mem>>)
        %dma_wait3A_517 = tpu.memref_slice %arg5[%add3A_80] : memref<3200000xf32, #tpu.memory_space<hbm>> -> memref<2000xf32, #tpu.memory_space<hbm>>
        %dma_wait3A_518 = tpu.memref_slice %arg5[%add3A_80] : memref<3200000xf32, #tpu.memory_space<hbm>> -> memref<2000xf32, #tpu.memory_space<hbm>>
        tpu.wait_dma2 semaphore(%run_scoped3A_514 : memref<!tpu.dma_semaphore, #tpu.memory_space<semaphore_mem>>) src(%dma_wait3A_518 : memref<2000xf32, #tpu.memory_space<hbm>>) dst(%arg14 : memref<2000xf32, #tpu.memory_space<vmem>>)
        tpu.yield
      }) : () -> ()
      "tpu.region"() ({
        %run_scoped3A_514 = tpu.sem_alloc : memref<!tpu.dma_semaphore, #tpu.memory_space<semaphore_mem>>
        %dma_start3A_515 = tpu.memref_slice %arg6[%add3A_80] : memref<3200000xf32, #tpu.memory_space<hbm>> -> memref<2000xf32, #tpu.memory_space<hbm>>
        %dma_start3A_516 = tpu.memref_slice %arg6[%add3A_80] : memref<3200000xf32, #tpu.memory_space<hbm>> -> memref<2000xf32, #tpu.memory_space<hbm>>
        tpu.enqueue_dma source(%dma_start3A_516 : memref<2000xf32, #tpu.memory_space<hbm>>) target(%arg15 : memref<2000xf32, #tpu.memory_space<vmem>>) target_semaphore(%run_scoped3A_514 : memref<!tpu.dma_semaphore, #tpu.memory_space<semaphore_mem>>)
        %dma_wait3A_517 = tpu.memref_slice %arg6[%add3A_80] : memref<3200000xf32, #tpu.memory_space<hbm>> -> memref<2000xf32, #tpu.memory_space<hbm>>
        %dma_wait3A_518 = tpu.memref_slice %arg6[%add3A_80] : memref<3200000xf32, #tpu.memory_space<hbm>> -> memref<2000xf32, #tpu.memory_space<hbm>>
        tpu.wait_dma2 semaphore(%run_scoped3A_514 : memref<!tpu.dma_semaphore, #tpu.memory_space<semaphore_mem>>) src(%dma_wait3A_518 : memref<2000xf32, #tpu.memory_space<hbm>>) dst(%arg15 : memref<2000xf32, #tpu.memory_space<vmem>>)
        tpu.yield
      }) : () -> ()
      "tpu.region"() ({
        %run_scoped3A_514 = tpu.sem_alloc : memref<!tpu.dma_semaphore, #tpu.memory_space<semaphore_mem>>
        %dma_start3A_515 = tpu.memref_slice %arg7[%add3A_80] : memref<3200000xf32, #tpu.memory_space<hbm>> -> memref<2000xf32, #tpu.memory_space<hbm>>
        %dma_start3A_516 = tpu.memref_slice %arg7[%add3A_80] : memref<3200000xf32, #tpu.memory_space<hbm>> -> memref<2000xf32, #tpu.memory_space<hbm>>
        tpu.enqueue_dma source(%dma_start3A_516 : memref<2000xf32, #tpu.memory_space<hbm>>) target(%arg16 : memref<2000xf32, #tpu.memory_space<vmem>>) target_semaphore(%run_scoped3A_514 : memref<!tpu.dma_semaphore, #tpu.memory_space<semaphore_mem>>)
        %dma_wait3A_517 = tpu.memref_slice %arg7[%add3A_80] : memref<3200000xf32, #tpu.memory_space<hbm>> -> memref<2000xf32, #tpu.memory_space<hbm>>
        %dma_wait3A_518 = tpu.memref_slice %arg7[%add3A_80] : memref<3200000xf32, #tpu.memory_space<hbm>> -> memref<2000xf32, #tpu.memory_space<hbm>>
        tpu.wait_dma2 semaphore(%run_scoped3A_514 : memref<!tpu.dma_semaphore, #tpu.memory_space<semaphore_mem>>) src(%dma_wait3A_518 : memref<2000xf32, #tpu.memory_space<hbm>>) dst(%arg16 : memref<2000xf32, #tpu.memory_space<vmem>>)
        tpu.yield
      }) : () -> ()
      %dma_start3A = arith.constant 0 : i32
      %dma_start3A_86 = arith.constant 0 : i32
      %dma_start3A_87 = tpu.memref_slice %arg17[%dma_start3A, %dma_start3A_86] : memref<2000x16xf32, #tpu.memory_space<vmem>> -> memref<80x16xf32, #tpu.memory_space<vmem>>
      %dma_start3A_88 = arith.constant 0 : i32
      %dma_start3A_89 = tpu.memref_slice %arg12[%dma_start3A_88] : memref<2000xi32, #tpu.memory_space<vmem>> -> memref<80xi32, #tpu.memory_space<vmem>>
      %dma_start3A_90 = arith.constant 0 : i32
      %dma_start3A_91 = arith.constant 0 : i32
      %dma_start3A_92 = tpu.memref_slice %arg2[%dma_start3A_90, %dma_start3A_91] : memref<100352x16xf32, #tpu.memory_space<hbm>> -> memref<100352x16xf32, #tpu.memory_space<hbm>>
      tpu.enqueue_indirect_dma source(%dma_start3A_92 : memref<100352x16xf32, #tpu.memory_space<hbm>>) target(%dma_start3A_87 : memref<80x16xf32, #tpu.memory_space<vmem>>) offsets(%dma_start3A_89 : memref<80xi32, #tpu.memory_space<vmem>>) semaphore(%arg22 : memref<!tpu.dma_semaphore, #tpu.memory_space<semaphore_mem>>)
      %dma_start3A_93 = arith.constant 80 : i32
      %dma_start3A_94 = arith.constant 0 : i32
      %dma_start3A_95 = tpu.memref_slice %arg17[%dma_start3A_93, %dma_start3A_94] : memref<2000x16xf32, #tpu.memory_space<vmem>> -> memref<80x16xf32, #tpu.memory_space<vmem>>
      %dma_start3A_96 = arith.constant 80 : i32
      %dma_start3A_97 = tpu.memref_slice %arg12[%dma_start3A_96] : memref<2000xi32, #tpu.memory_space<vmem>> -> memref<80xi32, #tpu.memory_space<vmem>>
      %dma_start3A_98 = arith.constant 0 : i32
      %dma_start3A_99 = arith.constant 0 : i32
      %dma_start3A_100 = tpu.memref_slice %arg2[%dma_start3A_98, %dma_start3A_99] : memref<100352x16xf32, #tpu.memory_space<hbm>> -> memref<100352x16xf32, #tpu.memory_space<hbm>>
      tpu.enqueue_indirect_dma source(%dma_start3A_100 : memref<100352x16xf32, #tpu.memory_space<hbm>>) target(%dma_start3A_95 : memref<80x16xf32, #tpu.memory_space<vmem>>) offsets(%dma_start3A_97 : memref<80xi32, #tpu.memory_space<vmem>>) semaphore(%arg22 : memref<!tpu.dma_semaphore, #tpu.memory_space<semaphore_mem>>)
      %dma_start3A_101 = arith.constant 160 : i32
      %dma_start3A_102 = arith.constant 0 : i32
      %dma_start3A_103 = tpu.memref_slice %arg17[%dma_start3A_101, %dma_start3A_102] : memref<2000x16xf32, #tpu.memory_space<vmem>> -> memref<80x16xf32, #tpu.memory_space<vmem>>
      %dma_start3A_104 = arith.constant 160 : i32
      %dma_start3A_105 = tpu.memref_slice %arg12[%dma_start3A_104] : memref<2000xi32, #tpu.memory_space<vmem>> -> memref<80xi32, #tpu.memory_space<vmem>>
      %dma_start3A_106 = arith.constant 0 : i32
      %dma_start3A_107 = arith.constant 0 : i32
      %dma_start3A_108 = tpu.memref_slice %arg2[%dma_start3A_106, %dma_start3A_107] : memref<100352x16xf32, #tpu.memory_space<hbm>> -> memref<100352x16xf32, #tpu.memory_space<hbm>>
      tpu.enqueue_indirect_dma source(%dma_start3A_108 : memref<100352x16xf32, #tpu.memory_space<hbm>>) target(%dma_start3A_103 : memref<80x16xf32, #tpu.memory_space<vmem>>) offsets(%dma_start3A_105 : memref<80xi32, #tpu.memory_space<vmem>>) semaphore(%arg22 : memref<!tpu.dma_semaphore, #tpu.memory_space<semaphore_mem>>)
      %dma_start3A_109 = arith.constant 240 : i32
      %dma_start3A_110 = arith.constant 0 : i32
      %dma_start3A_111 = tpu.memref_slice %arg17[%dma_start3A_109, %dma_start3A_110] : memref<2000x16xf32, #tpu.memory_space<vmem>> -> memref<80x16xf32, #tpu.memory_space<vmem>>
      %dma_start3A_112 = arith.constant 240 : i32
      %dma_start3A_113 = tpu.memref_slice %arg12[%dma_start3A_112] : memref<2000xi32, #tpu.memory_space<vmem>> -> memref<80xi32, #tpu.memory_space<vmem>>
      %dma_start3A_114 = arith.constant 0 : i32
      %dma_start3A_115 = arith.constant 0 : i32
      %dma_start3A_116 = tpu.memref_slice %arg2[%dma_start3A_114, %dma_start3A_115] : memref<100352x16xf32, #tpu.memory_space<hbm>> -> memref<100352x16xf32, #tpu.memory_space<hbm>>
      tpu.enqueue_indirect_dma source(%dma_start3A_116 : memref<100352x16xf32, #tpu.memory_space<hbm>>) target(%dma_start3A_111 : memref<80x16xf32, #tpu.memory_space<vmem>>) offsets(%dma_start3A_113 : memref<80xi32, #tpu.memory_space<vmem>>) semaphore(%arg22 : memref<!tpu.dma_semaphore, #tpu.memory_space<semaphore_mem>>)
      %dma_start3A_117 = arith.constant 320 : i32
      %dma_start3A_118 = arith.constant 0 : i32
      %dma_start3A_119 = tpu.memref_slice %arg17[%dma_start3A_117, %dma_start3A_118] : memref<2000x16xf32, #tpu.memory_space<vmem>> -> memref<80x16xf32, #tpu.memory_space<vmem>>
      %dma_start3A_120 = arith.constant 320 : i32
      %dma_start3A_121 = tpu.memref_slice %arg12[%dma_start3A_120] : memref<2000xi32, #tpu.memory_space<vmem>> -> memref<80xi32, #tpu.memory_space<vmem>>
      %dma_start3A_122 = arith.constant 0 : i32
      %dma_start3A_123 = arith.constant 0 : i32
      %dma_start3A_124 = tpu.memref_slice %arg2[%dma_start3A_122, %dma_start3A_123] : memref<100352x16xf32, #tpu.memory_space<hbm>> -> memref<100352x16xf32, #tpu.memory_space<hbm>>
      tpu.enqueue_indirect_dma source(%dma_start3A_124 : memref<100352x16xf32, #tpu.memory_space<hbm>>) target(%dma_start3A_119 : memref<80x16xf32, #tpu.memory_space<vmem>>) offsets(%dma_start3A_121 : memref<80xi32, #tpu.memory_space<vmem>>) semaphore(%arg22 : memref<!tpu.dma_semaphore, #tpu.memory_space<semaphore_mem>>)
      %dma_start3A_125 = arith.constant 400 : i32
      %dma_start3A_126 = arith.constant 0 : i32
      %dma_start3A_127 = tpu.memref_slice %arg17[%dma_start3A_125, %dma_start3A_126] : memref<2000x16xf32, #tpu.memory_space<vmem>> -> memref<80x16xf32, #tpu.memory_space<vmem>>
      %dma_start3A_128 = arith.constant 400 : i32
      %dma_start3A_129 = tpu.memref_slice %arg12[%dma_start3A_128] : memref<2000xi32, #tpu.memory_space<vmem>> -> memref<80xi32, #tpu.memory_space<vmem>>
      %dma_start3A_130 = arith.constant 0 : i32
      %dma_start3A_131 = arith.constant 0 : i32
      %dma_start3A_132 = tpu.memref_slice %arg2[%dma_start3A_130, %dma_start3A_131] : memref<100352x16xf32, #tpu.memory_space<hbm>> -> memref<100352x16xf32, #tpu.memory_space<hbm>>
      tpu.enqueue_indirect_dma source(%dma_start3A_132 : memref<100352x16xf32, #tpu.memory_space<hbm>>) target(%dma_start3A_127 : memref<80x16xf32, #tpu.memory_space<vmem>>) offsets(%dma_start3A_129 : memref<80xi32, #tpu.memory_space<vmem>>) semaphore(%arg22 : memref<!tpu.dma_semaphore, #tpu.memory_space<semaphore_mem>>)
      %dma_start3A_133 = arith.constant 480 : i32
      %dma_start3A_134 = arith.constant 0 : i32
      %dma_start3A_135 = tpu.memref_slice %arg17[%dma_start3A_133, %dma_start3A_134] : memref<2000x16xf32, #tpu.memory_space<vmem>> -> memref<80x16xf32, #tpu.memory_space<vmem>>
      %dma_start3A_136 = arith.constant 480 : i32
      %dma_start3A_137 = tpu.memref_slice %arg12[%dma_start3A_136] : memref<2000xi32, #tpu.memory_space<vmem>> -> memref<80xi32, #tpu.memory_space<vmem>>
      %dma_start3A_138 = arith.constant 0 : i32
      %dma_start3A_139 = arith.constant 0 : i32
      %dma_start3A_140 = tpu.memref_slice %arg2[%dma_start3A_138, %dma_start3A_139] : memref<100352x16xf32, #tpu.memory_space<hbm>> -> memref<100352x16xf32, #tpu.memory_space<hbm>>
      tpu.enqueue_indirect_dma source(%dma_start3A_140 : memref<100352x16xf32, #tpu.memory_space<hbm>>) target(%dma_start3A_135 : memref<80x16xf32, #tpu.memory_space<vmem>>) offsets(%dma_start3A_137 : memref<80xi32, #tpu.memory_space<vmem>>) semaphore(%arg22 : memref<!tpu.dma_semaphore, #tpu.memory_space<semaphore_mem>>)
      %dma_start3A_141 = arith.constant 560 : i32
      %dma_start3A_142 = arith.constant 0 : i32
      %dma_start3A_143 = tpu.memref_slice %arg17[%dma_start3A_141, %dma_start3A_142] : memref<2000x16xf32, #tpu.memory_space<vmem>> -> memref<80x16xf32, #tpu.memory_space<vmem>>
      %dma_start3A_144 = arith.constant 560 : i32
      %dma_start3A_145 = tpu.memref_slice %arg12[%dma_start3A_144] : memref<2000xi32, #tpu.memory_space<vmem>> -> memref<80xi32, #tpu.memory_space<vmem>>
      %dma_start3A_146 = arith.constant 0 : i32
      %dma_start3A_147 = arith.constant 0 : i32
      %dma_start3A_148 = tpu.memref_slice %arg2[%dma_start3A_146, %dma_start3A_147] : memref<100352x16xf32, #tpu.memory_space<hbm>> -> memref<100352x16xf32, #tpu.memory_space<hbm>>
      tpu.enqueue_indirect_dma source(%dma_start3A_148 : memref<100352x16xf32, #tpu.memory_space<hbm>>) target(%dma_start3A_143 : memref<80x16xf32, #tpu.memory_space<vmem>>) offsets(%dma_start3A_145 : memref<80xi32, #tpu.memory_space<vmem>>) semaphore(%arg22 : memref<!tpu.dma_semaphore, #tpu.memory_space<semaphore_mem>>)
      %dma_start3A_149 = arith.constant 640 : i32
      %dma_start3A_150 = arith.constant 0 : i32
      %dma_start3A_151 = tpu.memref_slice %arg17[%dma_start3A_149, %dma_start3A_150] : memref<2000x16xf32, #tpu.memory_space<vmem>> -> memref<80x16xf32, #tpu.memory_space<vmem>>
      %dma_start3A_152 = arith.constant 640 : i32
      %dma_start3A_153 = tpu.memref_slice %arg12[%dma_start3A_152] : memref<2000xi32, #tpu.memory_space<vmem>> -> memref<80xi32, #tpu.memory_space<vmem>>
      %dma_start3A_154 = arith.constant 0 : i32
      %dma_start3A_155 = arith.constant 0 : i32
      %dma_start3A_156 = tpu.memref_slice %arg2[%dma_start3A_154, %dma_start3A_155] : memref<100352x16xf32, #tpu.memory_space<hbm>> -> memref<100352x16xf32, #tpu.memory_space<hbm>>
      tpu.enqueue_indirect_dma source(%dma_start3A_156 : memref<100352x16xf32, #tpu.memory_space<hbm>>) target(%dma_start3A_151 : memref<80x16xf32, #tpu.memory_space<vmem>>) offsets(%dma_start3A_153 : memref<80xi32, #tpu.memory_space<vmem>>) semaphore(%arg22 : memref<!tpu.dma_semaphore, #tpu.memory_space<semaphore_mem>>)
      %dma_start3A_157 = arith.constant 720 : i32
      %dma_start3A_158 = arith.constant 0 : i32
      %dma_start3A_159 = tpu.memref_slice %arg17[%dma_start3A_157, %dma_start3A_158] : memref<2000x16xf32, #tpu.memory_space<vmem>> -> memref<80x16xf32, #tpu.memory_space<vmem>>
      %dma_start3A_160 = arith.constant 720 : i32
      %dma_start3A_161 = tpu.memref_slice %arg12[%dma_start3A_160] : memref<2000xi32, #tpu.memory_space<vmem>> -> memref<80xi32, #tpu.memory_space<vmem>>
      %dma_start3A_162 = arith.constant 0 : i32
      %dma_start3A_163 = arith.constant 0 : i32
      %dma_start3A_164 = tpu.memref_slice %arg2[%dma_start3A_162, %dma_start3A_163] : memref<100352x16xf32, #tpu.memory_space<hbm>> -> memref<100352x16xf32, #tpu.memory_space<hbm>>
      tpu.enqueue_indirect_dma source(%dma_start3A_164 : memref<100352x16xf32, #tpu.memory_space<hbm>>) target(%dma_start3A_159 : memref<80x16xf32, #tpu.memory_space<vmem>>) offsets(%dma_start3A_161 : memref<80xi32, #tpu.memory_space<vmem>>) semaphore(%arg22 : memref<!tpu.dma_semaphore, #tpu.memory_space<semaphore_mem>>)
      %dma_start3A_165 = arith.constant 800 : i32
      %dma_start3A_166 = arith.constant 0 : i32
      %dma_start3A_167 = tpu.memref_slice %arg17[%dma_start3A_165, %dma_start3A_166] : memref<2000x16xf32, #tpu.memory_space<vmem>> -> memref<80x16xf32, #tpu.memory_space<vmem>>
      %dma_start3A_168 = arith.constant 800 : i32
      %dma_start3A_169 = tpu.memref_slice %arg12[%dma_start3A_168] : memref<2000xi32, #tpu.memory_space<vmem>> -> memref<80xi32, #tpu.memory_space<vmem>>
      %dma_start3A_170 = arith.constant 0 : i32
      %dma_start3A_171 = arith.constant 0 : i32
      %dma_start3A_172 = tpu.memref_slice %arg2[%dma_start3A_170, %dma_start3A_171] : memref<100352x16xf32, #tpu.memory_space<hbm>> -> memref<100352x16xf32, #tpu.memory_space<hbm>>
      tpu.enqueue_indirect_dma source(%dma_start3A_172 : memref<100352x16xf32, #tpu.memory_space<hbm>>) target(%dma_start3A_167 : memref<80x16xf32, #tpu.memory_space<vmem>>) offsets(%dma_start3A_169 : memref<80xi32, #tpu.memory_space<vmem>>) semaphore(%arg22 : memref<!tpu.dma_semaphore, #tpu.memory_space<semaphore_mem>>)
      %dma_start3A_173 = arith.constant 880 : i32
      %dma_start3A_174 = arith.constant 0 : i32
      %dma_start3A_175 = tpu.memref_slice %arg17[%dma_start3A_173, %dma_start3A_174] : memref<2000x16xf32, #tpu.memory_space<vmem>> -> memref<80x16xf32, #tpu.memory_space<vmem>>
      %dma_start3A_176 = arith.constant 880 : i32
      %dma_start3A_177 = tpu.memref_slice %arg12[%dma_start3A_176] : memref<2000xi32, #tpu.memory_space<vmem>> -> memref<80xi32, #tpu.memory_space<vmem>>
      %dma_start3A_178 = arith.constant 0 : i32
      %dma_start3A_179 = arith.constant 0 : i32
      %dma_start3A_180 = tpu.memref_slice %arg2[%dma_start3A_178, %dma_start3A_179] : memref<100352x16xf32, #tpu.memory_space<hbm>> -> memref<100352x16xf32, #tpu.memory_space<hbm>>
      tpu.enqueue_indirect_dma source(%dma_start3A_180 : memref<100352x16xf32, #tpu.memory_space<hbm>>) target(%dma_start3A_175 : memref<80x16xf32, #tpu.memory_space<vmem>>) offsets(%dma_start3A_177 : memref<80xi32, #tpu.memory_space<vmem>>) semaphore(%arg22 : memref<!tpu.dma_semaphore, #tpu.memory_space<semaphore_mem>>)
      %dma_start3A_181 = arith.constant 960 : i32
      %dma_start3A_182 = arith.constant 0 : i32
      %dma_start3A_183 = tpu.memref_slice %arg17[%dma_start3A_181, %dma_start3A_182] : memref<2000x16xf32, #tpu.memory_space<vmem>> -> memref<80x16xf32, #tpu.memory_space<vmem>>
      %dma_start3A_184 = arith.constant 960 : i32
      %dma_start3A_185 = tpu.memref_slice %arg12[%dma_start3A_184] : memref<2000xi32, #tpu.memory_space<vmem>> -> memref<80xi32, #tpu.memory_space<vmem>>
      %dma_start3A_186 = arith.constant 0 : i32
      %dma_start3A_187 = arith.constant 0 : i32
      %dma_start3A_188 = tpu.memref_slice %arg2[%dma_start3A_186, %dma_start3A_187] : memref<100352x16xf32, #tpu.memory_space<hbm>> -> memref<100352x16xf32, #tpu.memory_space<hbm>>
      tpu.enqueue_indirect_dma source(%dma_start3A_188 : memref<100352x16xf32, #tpu.memory_space<hbm>>) target(%dma_start3A_183 : memref<80x16xf32, #tpu.memory_space<vmem>>) offsets(%dma_start3A_185 : memref<80xi32, #tpu.memory_space<vmem>>) semaphore(%arg22 : memref<!tpu.dma_semaphore, #tpu.memory_space<semaphore_mem>>)
      %dma_start3A_189 = arith.constant 1040 : i32
      %dma_start3A_190 = arith.constant 0 : i32
      %dma_start3A_191 = tpu.memref_slice %arg17[%dma_start3A_189, %dma_start3A_190] : memref<2000x16xf32, #tpu.memory_space<vmem>> -> memref<80x16xf32, #tpu.memory_space<vmem>>
      %dma_start3A_192 = arith.constant 1040 : i32
      %dma_start3A_193 = tpu.memref_slice %arg12[%dma_start3A_192] : memref<2000xi32, #tpu.memory_space<vmem>> -> memref<80xi32, #tpu.memory_space<vmem>>
      %dma_start3A_194 = arith.constant 0 : i32
      %dma_start3A_195 = arith.constant 0 : i32
      %dma_start3A_196 = tpu.memref_slice %arg2[%dma_start3A_194, %dma_start3A_195] : memref<100352x16xf32, #tpu.memory_space<hbm>> -> memref<100352x16xf32, #tpu.memory_space<hbm>>
      tpu.enqueue_indirect_dma source(%dma_start3A_196 : memref<100352x16xf32, #tpu.memory_space<hbm>>) target(%dma_start3A_191 : memref<80x16xf32, #tpu.memory_space<vmem>>) offsets(%dma_start3A_193 : memref<80xi32, #tpu.memory_space<vmem>>) semaphore(%arg22 : memref<!tpu.dma_semaphore, #tpu.memory_space<semaphore_mem>>)
      %dma_start3A_197 = arith.constant 1120 : i32
      %dma_start3A_198 = arith.constant 0 : i32
      %dma_start3A_199 = tpu.memref_slice %arg17[%dma_start3A_197, %dma_start3A_198] : memref<2000x16xf32, #tpu.memory_space<vmem>> -> memref<80x16xf32, #tpu.memory_space<vmem>>
      %dma_start3A_200 = arith.constant 1120 : i32
      %dma_start3A_201 = tpu.memref_slice %arg12[%dma_start3A_200] : memref<2000xi32, #tpu.memory_space<vmem>> -> memref<80xi32, #tpu.memory_space<vmem>>
      %dma_start3A_202 = arith.constant 0 : i32
      %dma_start3A_203 = arith.constant 0 : i32
      %dma_start3A_204 = tpu.memref_slice %arg2[%dma_start3A_202, %dma_start3A_203] : memref<100352x16xf32, #tpu.memory_space<hbm>> -> memref<100352x16xf32, #tpu.memory_space<hbm>>
      tpu.enqueue_indirect_dma source(%dma_start3A_204 : memref<100352x16xf32, #tpu.memory_space<hbm>>) target(%dma_start3A_199 : memref<80x16xf32, #tpu.memory_space<vmem>>) offsets(%dma_start3A_201 : memref<80xi32, #tpu.memory_space<vmem>>) semaphore(%arg22 : memref<!tpu.dma_semaphore, #tpu.memory_space<semaphore_mem>>)
      %dma_start3A_205 = arith.constant 1200 : i32
      %dma_start3A_206 = arith.constant 0 : i32
      %dma_start3A_207 = tpu.memref_slice %arg17[%dma_start3A_205, %dma_start3A_206] : memref<2000x16xf32, #tpu.memory_space<vmem>> -> memref<80x16xf32, #tpu.memory_space<vmem>>
      %dma_start3A_208 = arith.constant 1200 : i32
      %dma_start3A_209 = tpu.memref_slice %arg12[%dma_start3A_208] : memref<2000xi32, #tpu.memory_space<vmem>> -> memref<80xi32, #tpu.memory_space<vmem>>
      %dma_start3A_210 = arith.constant 0 : i32
      %dma_start3A_211 = arith.constant 0 : i32
      %dma_start3A_212 = tpu.memref_slice %arg2[%dma_start3A_210, %dma_start3A_211] : memref<100352x16xf32, #tpu.memory_space<hbm>> -> memref<100352x16xf32, #tpu.memory_space<hbm>>
      tpu.enqueue_indirect_dma source(%dma_start3A_212 : memref<100352x16xf32, #tpu.memory_space<hbm>>) target(%dma_start3A_207 : memref<80x16xf32, #tpu.memory_space<vmem>>) offsets(%dma_start3A_209 : memref<80xi32, #tpu.memory_space<vmem>>) semaphore(%arg22 : memref<!tpu.dma_semaphore, #tpu.memory_space<semaphore_mem>>)
      %dma_start3A_213 = arith.constant 1280 : i32
      %dma_start3A_214 = arith.constant 0 : i32
      %dma_start3A_215 = tpu.memref_slice %arg17[%dma_start3A_213, %dma_start3A_214] : memref<2000x16xf32, #tpu.memory_space<vmem>> -> memref<80x16xf32, #tpu.memory_space<vmem>>
      %dma_start3A_216 = arith.constant 1280 : i32
      %dma_start3A_217 = tpu.memref_slice %arg12[%dma_start3A_216] : memref<2000xi32, #tpu.memory_space<vmem>> -> memref<80xi32, #tpu.memory_space<vmem>>
      %dma_start3A_218 = arith.constant 0 : i32
      %dma_start3A_219 = arith.constant 0 : i32
      %dma_start3A_220 = tpu.memref_slice %arg2[%dma_start3A_218, %dma_start3A_219] : memref<100352x16xf32, #tpu.memory_space<hbm>> -> memref<100352x16xf32, #tpu.memory_space<hbm>>
      tpu.enqueue_indirect_dma source(%dma_start3A_220 : memref<100352x16xf32, #tpu.memory_space<hbm>>) target(%dma_start3A_215 : memref<80x16xf32, #tpu.memory_space<vmem>>) offsets(%dma_start3A_217 : memref<80xi32, #tpu.memory_space<vmem>>) semaphore(%arg22 : memref<!tpu.dma_semaphore, #tpu.memory_space<semaphore_mem>>)
      %dma_start3A_221 = arith.constant 1360 : i32
      %dma_start3A_222 = arith.constant 0 : i32
      %dma_start3A_223 = tpu.memref_slice %arg17[%dma_start3A_221, %dma_start3A_222] : memref<2000x16xf32, #tpu.memory_space<vmem>> -> memref<80x16xf32, #tpu.memory_space<vmem>>
      %dma_start3A_224 = arith.constant 1360 : i32
      %dma_start3A_225 = tpu.memref_slice %arg12[%dma_start3A_224] : memref<2000xi32, #tpu.memory_space<vmem>> -> memref<80xi32, #tpu.memory_space<vmem>>
      %dma_start3A_226 = arith.constant 0 : i32
      %dma_start3A_227 = arith.constant 0 : i32
      %dma_start3A_228 = tpu.memref_slice %arg2[%dma_start3A_226, %dma_start3A_227] : memref<100352x16xf32, #tpu.memory_space<hbm>> -> memref<100352x16xf32, #tpu.memory_space<hbm>>
      tpu.enqueue_indirect_dma source(%dma_start3A_228 : memref<100352x16xf32, #tpu.memory_space<hbm>>) target(%dma_start3A_223 : memref<80x16xf32, #tpu.memory_space<vmem>>) offsets(%dma_start3A_225 : memref<80xi32, #tpu.memory_space<vmem>>) semaphore(%arg22 : memref<!tpu.dma_semaphore, #tpu.memory_space<semaphore_mem>>)
      %dma_start3A_229 = arith.constant 1440 : i32
      %dma_start3A_230 = arith.constant 0 : i32
      %dma_start3A_231 = tpu.memref_slice %arg17[%dma_start3A_229, %dma_start3A_230] : memref<2000x16xf32, #tpu.memory_space<vmem>> -> memref<80x16xf32, #tpu.memory_space<vmem>>
      %dma_start3A_232 = arith.constant 1440 : i32
      %dma_start3A_233 = tpu.memref_slice %arg12[%dma_start3A_232] : memref<2000xi32, #tpu.memory_space<vmem>> -> memref<80xi32, #tpu.memory_space<vmem>>
      %dma_start3A_234 = arith.constant 0 : i32
      %dma_start3A_235 = arith.constant 0 : i32
      %dma_start3A_236 = tpu.memref_slice %arg2[%dma_start3A_234, %dma_start3A_235] : memref<100352x16xf32, #tpu.memory_space<hbm>> -> memref<100352x16xf32, #tpu.memory_space<hbm>>
      tpu.enqueue_indirect_dma source(%dma_start3A_236 : memref<100352x16xf32, #tpu.memory_space<hbm>>) target(%dma_start3A_231 : memref<80x16xf32, #tpu.memory_space<vmem>>) offsets(%dma_start3A_233 : memref<80xi32, #tpu.memory_space<vmem>>) semaphore(%arg22 : memref<!tpu.dma_semaphore, #tpu.memory_space<semaphore_mem>>)
      %dma_start3A_237 = arith.constant 1520 : i32
      %dma_start3A_238 = arith.constant 0 : i32
      %dma_start3A_239 = tpu.memref_slice %arg17[%dma_start3A_237, %dma_start3A_238] : memref<2000x16xf32, #tpu.memory_space<vmem>> -> memref<80x16xf32, #tpu.memory_space<vmem>>
      %dma_start3A_240 = arith.constant 1520 : i32
      %dma_start3A_241 = tpu.memref_slice %arg12[%dma_start3A_240] : memref<2000xi32, #tpu.memory_space<vmem>> -> memref<80xi32, #tpu.memory_space<vmem>>
      %dma_start3A_242 = arith.constant 0 : i32
      %dma_start3A_243 = arith.constant 0 : i32
      %dma_start3A_244 = tpu.memref_slice %arg2[%dma_start3A_242, %dma_start3A_243] : memref<100352x16xf32, #tpu.memory_space<hbm>> -> memref<100352x16xf32, #tpu.memory_space<hbm>>
      tpu.enqueue_indirect_dma source(%dma_start3A_244 : memref<100352x16xf32, #tpu.memory_space<hbm>>) target(%dma_start3A_239 : memref<80x16xf32, #tpu.memory_space<vmem>>) offsets(%dma_start3A_241 : memref<80xi32, #tpu.memory_space<vmem>>) semaphore(%arg22 : memref<!tpu.dma_semaphore, #tpu.memory_space<semaphore_mem>>)
      %dma_start3A_245 = arith.constant 1600 : i32
      %dma_start3A_246 = arith.constant 0 : i32
      %dma_start3A_247 = tpu.memref_slice %arg17[%dma_start3A_245, %dma_start3A_246] : memref<2000x16xf32, #tpu.memory_space<vmem>> -> memref<80x16xf32, #tpu.memory_space<vmem>>
      %dma_start3A_248 = arith.constant 1600 : i32
      %dma_start3A_249 = tpu.memref_slice %arg12[%dma_start3A_248] : memref<2000xi32, #tpu.memory_space<vmem>> -> memref<80xi32, #tpu.memory_space<vmem>>
      %dma_start3A_250 = arith.constant 0 : i32
      %dma_start3A_251 = arith.constant 0 : i32
      %dma_start3A_252 = tpu.memref_slice %arg2[%dma_start3A_250, %dma_start3A_251] : memref<100352x16xf32, #tpu.memory_space<hbm>> -> memref<100352x16xf32, #tpu.memory_space<hbm>>
      tpu.enqueue_indirect_dma source(%dma_start3A_252 : memref<100352x16xf32, #tpu.memory_space<hbm>>) target(%dma_start3A_247 : memref<80x16xf32, #tpu.memory_space<vmem>>) offsets(%dma_start3A_249 : memref<80xi32, #tpu.memory_space<vmem>>) semaphore(%arg22 : memref<!tpu.dma_semaphore, #tpu.memory_space<semaphore_mem>>)
      %dma_start3A_253 = arith.constant 1680 : i32
      %dma_start3A_254 = arith.constant 0 : i32
      %dma_start3A_255 = tpu.memref_slice %arg17[%dma_start3A_253, %dma_start3A_254] : memref<2000x16xf32, #tpu.memory_space<vmem>> -> memref<80x16xf32, #tpu.memory_space<vmem>>
      %dma_start3A_256 = arith.constant 1680 : i32
      %dma_start3A_257 = tpu.memref_slice %arg12[%dma_start3A_256] : memref<2000xi32, #tpu.memory_space<vmem>> -> memref<80xi32, #tpu.memory_space<vmem>>
      %dma_start3A_258 = arith.constant 0 : i32
      %dma_start3A_259 = arith.constant 0 : i32
      %dma_start3A_260 = tpu.memref_slice %arg2[%dma_start3A_258, %dma_start3A_259] : memref<100352x16xf32, #tpu.memory_space<hbm>> -> memref<100352x16xf32, #tpu.memory_space<hbm>>
      tpu.enqueue_indirect_dma source(%dma_start3A_260 : memref<100352x16xf32, #tpu.memory_space<hbm>>) target(%dma_start3A_255 : memref<80x16xf32, #tpu.memory_space<vmem>>) offsets(%dma_start3A_257 : memref<80xi32, #tpu.memory_space<vmem>>) semaphore(%arg22 : memref<!tpu.dma_semaphore, #tpu.memory_space<semaphore_mem>>)
      %dma_start3A_261 = arith.constant 1760 : i32
      %dma_start3A_262 = arith.constant 0 : i32
      %dma_start3A_263 = tpu.memref_slice %arg17[%dma_start3A_261, %dma_start3A_262] : memref<2000x16xf32, #tpu.memory_space<vmem>> -> memref<80x16xf32, #tpu.memory_space<vmem>>
      %dma_start3A_264 = arith.constant 1760 : i32
      %dma_start3A_265 = tpu.memref_slice %arg12[%dma_start3A_264] : memref<2000xi32, #tpu.memory_space<vmem>> -> memref<80xi32, #tpu.memory_space<vmem>>
      %dma_start3A_266 = arith.constant 0 : i32
      %dma_start3A_267 = arith.constant 0 : i32
      %dma_start3A_268 = tpu.memref_slice %arg2[%dma_start3A_266, %dma_start3A_267] : memref<100352x16xf32, #tpu.memory_space<hbm>> -> memref<100352x16xf32, #tpu.memory_space<hbm>>
      tpu.enqueue_indirect_dma source(%dma_start3A_268 : memref<100352x16xf32, #tpu.memory_space<hbm>>) target(%dma_start3A_263 : memref<80x16xf32, #tpu.memory_space<vmem>>) offsets(%dma_start3A_265 : memref<80xi32, #tpu.memory_space<vmem>>) semaphore(%arg22 : memref<!tpu.dma_semaphore, #tpu.memory_space<semaphore_mem>>)
      %dma_start3A_269 = arith.constant 1840 : i32
      %dma_start3A_270 = arith.constant 0 : i32
      %dma_start3A_271 = tpu.memref_slice %arg17[%dma_start3A_269, %dma_start3A_270] : memref<2000x16xf32, #tpu.memory_space<vmem>> -> memref<80x16xf32, #tpu.memory_space<vmem>>
      %dma_start3A_272 = arith.constant 1840 : i32
      %dma_start3A_273 = tpu.memref_slice %arg12[%dma_start3A_272] : memref<2000xi32, #tpu.memory_space<vmem>> -> memref<80xi32, #tpu.memory_space<vmem>>
      %dma_start3A_274 = arith.constant 0 : i32
      %dma_start3A_275 = arith.constant 0 : i32
      %dma_start3A_276 = tpu.memref_slice %arg2[%dma_start3A_274, %dma_start3A_275] : memref<100352x16xf32, #tpu.memory_space<hbm>> -> memref<100352x16xf32, #tpu.memory_space<hbm>>
      tpu.enqueue_indirect_dma source(%dma_start3A_276 : memref<100352x16xf32, #tpu.memory_space<hbm>>) target(%dma_start3A_271 : memref<80x16xf32, #tpu.memory_space<vmem>>) offsets(%dma_start3A_273 : memref<80xi32, #tpu.memory_space<vmem>>) semaphore(%arg22 : memref<!tpu.dma_semaphore, #tpu.memory_space<semaphore_mem>>)
      %dma_start3A_277 = arith.constant 1920 : i32
      %dma_start3A_278 = arith.constant 0 : i32
      %dma_start3A_279 = tpu.memref_slice %arg17[%dma_start3A_277, %dma_start3A_278] : memref<2000x16xf32, #tpu.memory_space<vmem>> -> memref<80x16xf32, #tpu.memory_space<vmem>>
      %dma_start3A_280 = arith.constant 1920 : i32
      %dma_start3A_281 = tpu.memref_slice %arg12[%dma_start3A_280] : memref<2000xi32, #tpu.memory_space<vmem>> -> memref<80xi32, #tpu.memory_space<vmem>>
      %dma_start3A_282 = arith.constant 0 : i32
      %dma_start3A_283 = arith.constant 0 : i32
      %dma_start3A_284 = tpu.memref_slice %arg2[%dma_start3A_282, %dma_start3A_283] : memref<100352x16xf32, #tpu.memory_space<hbm>> -> memref<100352x16xf32, #tpu.memory_space<hbm>>
      tpu.enqueue_indirect_dma source(%dma_start3A_284 : memref<100352x16xf32, #tpu.memory_space<hbm>>) target(%dma_start3A_279 : memref<80x16xf32, #tpu.memory_space<vmem>>) offsets(%dma_start3A_281 : memref<80xi32, #tpu.memory_space<vmem>>) semaphore(%arg22 : memref<!tpu.dma_semaphore, #tpu.memory_space<semaphore_mem>>)
      %dma_wait3A = arith.constant 0 : i32
      %dma_wait3A_285 = arith.constant 0 : i32
      %dma_wait3A_286 = tpu.memref_slice %arg17[%dma_wait3A, %dma_wait3A_285] : memref<2000x16xf32, #tpu.memory_space<vmem>> -> memref<80x16xf32, #tpu.memory_space<vmem>>
      %dma_wait3A_287 = arith.constant 0 : i32
      %dma_wait3A_288 = tpu.memref_slice %arg12[%dma_wait3A_287] : memref<2000xi32, #tpu.memory_space<vmem>> -> memref<80xi32, #tpu.memory_space<vmem>>
      %dma_wait3A_289 = arith.constant 0 : i32
      %dma_wait3A_290 = arith.constant 0 : i32
      %dma_wait3A_291 = tpu.memref_slice %arg2[%dma_wait3A_289, %dma_wait3A_290] : memref<100352x16xf32, #tpu.memory_space<hbm>> -> memref<100352x16xf32, #tpu.memory_space<hbm>>
      tpu.wait_indirect_dma semaphore(%arg22 : memref<!tpu.dma_semaphore, #tpu.memory_space<semaphore_mem>>) src(%dma_wait3A_291 : memref<100352x16xf32, #tpu.memory_space<hbm>>) dst(%dma_wait3A_286 : memref<80x16xf32, #tpu.memory_space<vmem>>)
      %dma_wait3A_292 = arith.constant 80 : i32
      %dma_wait3A_293 = arith.constant 0 : i32
      %dma_wait3A_294 = tpu.memref_slice %arg17[%dma_wait3A_292, %dma_wait3A_293] : memref<2000x16xf32, #tpu.memory_space<vmem>> -> memref<80x16xf32, #tpu.memory_space<vmem>>
      %dma_wait3A_295 = arith.constant 80 : i32
      %dma_wait3A_296 = tpu.memref_slice %arg12[%dma_wait3A_295] : memref<2000xi32, #tpu.memory_space<vmem>> -> memref<80xi32, #tpu.memory_space<vmem>>
      %dma_wait3A_297 = arith.constant 0 : i32
      %dma_wait3A_298 = arith.constant 0 : i32
      %dma_wait3A_299 = tpu.memref_slice %arg2[%dma_wait3A_297, %dma_wait3A_298] : memref<100352x16xf32, #tpu.memory_space<hbm>> -> memref<100352x16xf32, #tpu.memory_space<hbm>>
      tpu.wait_indirect_dma semaphore(%arg22 : memref<!tpu.dma_semaphore, #tpu.memory_space<semaphore_mem>>) src(%dma_wait3A_299 : memref<100352x16xf32, #tpu.memory_space<hbm>>) dst(%dma_wait3A_294 : memref<80x16xf32, #tpu.memory_space<vmem>>)
      %dma_wait3A_300 = arith.constant 160 : i32
      %dma_wait3A_301 = arith.constant 0 : i32
      %dma_wait3A_302 = tpu.memref_slice %arg17[%dma_wait3A_300, %dma_wait3A_301] : memref<2000x16xf32, #tpu.memory_space<vmem>> -> memref<80x16xf32, #tpu.memory_space<vmem>>
      %dma_wait3A_303 = arith.constant 160 : i32
      %dma_wait3A_304 = tpu.memref_slice %arg12[%dma_wait3A_303] : memref<2000xi32, #tpu.memory_space<vmem>> -> memref<80xi32, #tpu.memory_space<vmem>>
      %dma_wait3A_305 = arith.constant 0 : i32
      %dma_wait3A_306 = arith.constant 0 : i32
      %dma_wait3A_307 = tpu.memref_slice %arg2[%dma_wait3A_305, %dma_wait3A_306] : memref<100352x16xf32, #tpu.memory_space<hbm>> -> memref<100352x16xf32, #tpu.memory_space<hbm>>
      tpu.wait_indirect_dma semaphore(%arg22 : memref<!tpu.dma_semaphore, #tpu.memory_space<semaphore_mem>>) src(%dma_wait3A_307 : memref<100352x16xf32, #tpu.memory_space<hbm>>) dst(%dma_wait3A_302 : memref<80x16xf32, #tpu.memory_space<vmem>>)
      %dma_wait3A_308 = arith.constant 240 : i32
      %dma_wait3A_309 = arith.constant 0 : i32
      %dma_wait3A_310 = tpu.memref_slice %arg17[%dma_wait3A_308, %dma_wait3A_309] : memref<2000x16xf32, #tpu.memory_space<vmem>> -> memref<80x16xf32, #tpu.memory_space<vmem>>
      %dma_wait3A_311 = arith.constant 240 : i32
      %dma_wait3A_312 = tpu.memref_slice %arg12[%dma_wait3A_311] : memref<2000xi32, #tpu.memory_space<vmem>> -> memref<80xi32, #tpu.memory_space<vmem>>
      %dma_wait3A_313 = arith.constant 0 : i32
      %dma_wait3A_314 = arith.constant 0 : i32
      %dma_wait3A_315 = tpu.memref_slice %arg2[%dma_wait3A_313, %dma_wait3A_314] : memref<100352x16xf32, #tpu.memory_space<hbm>> -> memref<100352x16xf32, #tpu.memory_space<hbm>>
      tpu.wait_indirect_dma semaphore(%arg22 : memref<!tpu.dma_semaphore, #tpu.memory_space<semaphore_mem>>) src(%dma_wait3A_315 : memref<100352x16xf32, #tpu.memory_space<hbm>>) dst(%dma_wait3A_310 : memref<80x16xf32, #tpu.memory_space<vmem>>)
      %dma_wait3A_316 = arith.constant 320 : i32
      %dma_wait3A_317 = arith.constant 0 : i32
      %dma_wait3A_318 = tpu.memref_slice %arg17[%dma_wait3A_316, %dma_wait3A_317] : memref<2000x16xf32, #tpu.memory_space<vmem>> -> memref<80x16xf32, #tpu.memory_space<vmem>>
      %dma_wait3A_319 = arith.constant 320 : i32
      %dma_wait3A_320 = tpu.memref_slice %arg12[%dma_wait3A_319] : memref<2000xi32, #tpu.memory_space<vmem>> -> memref<80xi32, #tpu.memory_space<vmem>>
      %dma_wait3A_321 = arith.constant 0 : i32
      %dma_wait3A_322 = arith.constant 0 : i32
      %dma_wait3A_323 = tpu.memref_slice %arg2[%dma_wait3A_321, %dma_wait3A_322] : memref<100352x16xf32, #tpu.memory_space<hbm>> -> memref<100352x16xf32, #tpu.memory_space<hbm>>
      tpu.wait_indirect_dma semaphore(%arg22 : memref<!tpu.dma_semaphore, #tpu.memory_space<semaphore_mem>>) src(%dma_wait3A_323 : memref<100352x16xf32, #tpu.memory_space<hbm>>) dst(%dma_wait3A_318 : memref<80x16xf32, #tpu.memory_space<vmem>>)
      %dma_wait3A_324 = arith.constant 400 : i32
      %dma_wait3A_325 = arith.constant 0 : i32
      %dma_wait3A_326 = tpu.memref_slice %arg17[%dma_wait3A_324, %dma_wait3A_325] : memref<2000x16xf32, #tpu.memory_space<vmem>> -> memref<80x16xf32, #tpu.memory_space<vmem>>
      %dma_wait3A_327 = arith.constant 400 : i32
      %dma_wait3A_328 = tpu.memref_slice %arg12[%dma_wait3A_327] : memref<2000xi32, #tpu.memory_space<vmem>> -> memref<80xi32, #tpu.memory_space<vmem>>
      %dma_wait3A_329 = arith.constant 0 : i32
      %dma_wait3A_330 = arith.constant 0 : i32
      %dma_wait3A_331 = tpu.memref_slice %arg2[%dma_wait3A_329, %dma_wait3A_330] : memref<100352x16xf32, #tpu.memory_space<hbm>> -> memref<100352x16xf32, #tpu.memory_space<hbm>>
      tpu.wait_indirect_dma semaphore(%arg22 : memref<!tpu.dma_semaphore, #tpu.memory_space<semaphore_mem>>) src(%dma_wait3A_331 : memref<100352x16xf32, #tpu.memory_space<hbm>>) dst(%dma_wait3A_326 : memref<80x16xf32, #tpu.memory_space<vmem>>)
      %dma_wait3A_332 = arith.constant 480 : i32
      %dma_wait3A_333 = arith.constant 0 : i32
      %dma_wait3A_334 = tpu.memref_slice %arg17[%dma_wait3A_332, %dma_wait3A_333] : memref<2000x16xf32, #tpu.memory_space<vmem>> -> memref<80x16xf32, #tpu.memory_space<vmem>>
      %dma_wait3A_335 = arith.constant 480 : i32
      %dma_wait3A_336 = tpu.memref_slice %arg12[%dma_wait3A_335] : memref<2000xi32, #tpu.memory_space<vmem>> -> memref<80xi32, #tpu.memory_space<vmem>>
      %dma_wait3A_337 = arith.constant 0 : i32
      %dma_wait3A_338 = arith.constant 0 : i32
      %dma_wait3A_339 = tpu.memref_slice %arg2[%dma_wait3A_337, %dma_wait3A_338] : memref<100352x16xf32, #tpu.memory_space<hbm>> -> memref<100352x16xf32, #tpu.memory_space<hbm>>
      tpu.wait_indirect_dma semaphore(%arg22 : memref<!tpu.dma_semaphore, #tpu.memory_space<semaphore_mem>>) src(%dma_wait3A_339 : memref<100352x16xf32, #tpu.memory_space<hbm>>) dst(%dma_wait3A_334 : memref<80x16xf32, #tpu.memory_space<vmem>>)
      %dma_wait3A_340 = arith.constant 560 : i32
      %dma_wait3A_341 = arith.constant 0 : i32
      %dma_wait3A_342 = tpu.memref_slice %arg17[%dma_wait3A_340, %dma_wait3A_341] : memref<2000x16xf32, #tpu.memory_space<vmem>> -> memref<80x16xf32, #tpu.memory_space<vmem>>
      %dma_wait3A_343 = arith.constant 560 : i32
      %dma_wait3A_344 = tpu.memref_slice %arg12[%dma_wait3A_343] : memref<2000xi32, #tpu.memory_space<vmem>> -> memref<80xi32, #tpu.memory_space<vmem>>
      %dma_wait3A_345 = arith.constant 0 : i32
      %dma_wait3A_346 = arith.constant 0 : i32
      %dma_wait3A_347 = tpu.memref_slice %arg2[%dma_wait3A_345, %dma_wait3A_346] : memref<100352x16xf32, #tpu.memory_space<hbm>> -> memref<100352x16xf32, #tpu.memory_space<hbm>>
      tpu.wait_indirect_dma semaphore(%arg22 : memref<!tpu.dma_semaphore, #tpu.memory_space<semaphore_mem>>) src(%dma_wait3A_347 : memref<100352x16xf32, #tpu.memory_space<hbm>>) dst(%dma_wait3A_342 : memref<80x16xf32, #tpu.memory_space<vmem>>)
      %dma_wait3A_348 = arith.constant 640 : i32
      %dma_wait3A_349 = arith.constant 0 : i32
      %dma_wait3A_350 = tpu.memref_slice %arg17[%dma_wait3A_348, %dma_wait3A_349] : memref<2000x16xf32, #tpu.memory_space<vmem>> -> memref<80x16xf32, #tpu.memory_space<vmem>>
      %dma_wait3A_351 = arith.constant 640 : i32
      %dma_wait3A_352 = tpu.memref_slice %arg12[%dma_wait3A_351] : memref<2000xi32, #tpu.memory_space<vmem>> -> memref<80xi32, #tpu.memory_space<vmem>>
      %dma_wait3A_353 = arith.constant 0 : i32
      %dma_wait3A_354 = arith.constant 0 : i32
      %dma_wait3A_355 = tpu.memref_slice %arg2[%dma_wait3A_353, %dma_wait3A_354] : memref<100352x16xf32, #tpu.memory_space<hbm>> -> memref<100352x16xf32, #tpu.memory_space<hbm>>
      tpu.wait_indirect_dma semaphore(%arg22 : memref<!tpu.dma_semaphore, #tpu.memory_space<semaphore_mem>>) src(%dma_wait3A_355 : memref<100352x16xf32, #tpu.memory_space<hbm>>) dst(%dma_wait3A_350 : memref<80x16xf32, #tpu.memory_space<vmem>>)
      %dma_wait3A_356 = arith.constant 720 : i32
      %dma_wait3A_357 = arith.constant 0 : i32
      %dma_wait3A_358 = tpu.memref_slice %arg17[%dma_wait3A_356, %dma_wait3A_357] : memref<2000x16xf32, #tpu.memory_space<vmem>> -> memref<80x16xf32, #tpu.memory_space<vmem>>
      %dma_wait3A_359 = arith.constant 720 : i32
      %dma_wait3A_360 = tpu.memref_slice %arg12[%dma_wait3A_359] : memref<2000xi32, #tpu.memory_space<vmem>> -> memref<80xi32, #tpu.memory_space<vmem>>
      %dma_wait3A_361 = arith.constant 0 : i32
      %dma_wait3A_362 = arith.constant 0 : i32
      %dma_wait3A_363 = tpu.memref_slice %arg2[%dma_wait3A_361, %dma_wait3A_362] : memref<100352x16xf32, #tpu.memory_space<hbm>> -> memref<100352x16xf32, #tpu.memory_space<hbm>>
      tpu.wait_indirect_dma semaphore(%arg22 : memref<!tpu.dma_semaphore, #tpu.memory_space<semaphore_mem>>) src(%dma_wait3A_363 : memref<100352x16xf32, #tpu.memory_space<hbm>>) dst(%dma_wait3A_358 : memref<80x16xf32, #tpu.memory_space<vmem>>)
      %dma_wait3A_364 = arith.constant 800 : i32
      %dma_wait3A_365 = arith.constant 0 : i32
      %dma_wait3A_366 = tpu.memref_slice %arg17[%dma_wait3A_364, %dma_wait3A_365] : memref<2000x16xf32, #tpu.memory_space<vmem>> -> memref<80x16xf32, #tpu.memory_space<vmem>>
      %dma_wait3A_367 = arith.constant 800 : i32
      %dma_wait3A_368 = tpu.memref_slice %arg12[%dma_wait3A_367] : memref<2000xi32, #tpu.memory_space<vmem>> -> memref<80xi32, #tpu.memory_space<vmem>>
      %dma_wait3A_369 = arith.constant 0 : i32
      %dma_wait3A_370 = arith.constant 0 : i32
      %dma_wait3A_371 = tpu.memref_slice %arg2[%dma_wait3A_369, %dma_wait3A_370] : memref<100352x16xf32, #tpu.memory_space<hbm>> -> memref<100352x16xf32, #tpu.memory_space<hbm>>
      tpu.wait_indirect_dma semaphore(%arg22 : memref<!tpu.dma_semaphore, #tpu.memory_space<semaphore_mem>>) src(%dma_wait3A_371 : memref<100352x16xf32, #tpu.memory_space<hbm>>) dst(%dma_wait3A_366 : memref<80x16xf32, #tpu.memory_space<vmem>>)
      %dma_wait3A_372 = arith.constant 880 : i32
      %dma_wait3A_373 = arith.constant 0 : i32
      %dma_wait3A_374 = tpu.memref_slice %arg17[%dma_wait3A_372, %dma_wait3A_373] : memref<2000x16xf32, #tpu.memory_space<vmem>> -> memref<80x16xf32, #tpu.memory_space<vmem>>
      %dma_wait3A_375 = arith.constant 880 : i32
      %dma_wait3A_376 = tpu.memref_slice %arg12[%dma_wait3A_375] : memref<2000xi32, #tpu.memory_space<vmem>> -> memref<80xi32, #tpu.memory_space<vmem>>
      %dma_wait3A_377 = arith.constant 0 : i32
      %dma_wait3A_378 = arith.constant 0 : i32
      %dma_wait3A_379 = tpu.memref_slice %arg2[%dma_wait3A_377, %dma_wait3A_378] : memref<100352x16xf32, #tpu.memory_space<hbm>> -> memref<100352x16xf32, #tpu.memory_space<hbm>>
      tpu.wait_indirect_dma semaphore(%arg22 : memref<!tpu.dma_semaphore, #tpu.memory_space<semaphore_mem>>) src(%dma_wait3A_379 : memref<100352x16xf32, #tpu.memory_space<hbm>>) dst(%dma_wait3A_374 : memref<80x16xf32, #tpu.memory_space<vmem>>)
      %dma_wait3A_380 = arith.constant 960 : i32
      %dma_wait3A_381 = arith.constant 0 : i32
      %dma_wait3A_382 = tpu.memref_slice %arg17[%dma_wait3A_380, %dma_wait3A_381] : memref<2000x16xf32, #tpu.memory_space<vmem>> -> memref<80x16xf32, #tpu.memory_space<vmem>>
      %dma_wait3A_383 = arith.constant 960 : i32
      %dma_wait3A_384 = tpu.memref_slice %arg12[%dma_wait3A_383] : memref<2000xi32, #tpu.memory_space<vmem>> -> memref<80xi32, #tpu.memory_space<vmem>>
      %dma_wait3A_385 = arith.constant 0 : i32
      %dma_wait3A_386 = arith.constant 0 : i32
      %dma_wait3A_387 = tpu.memref_slice %arg2[%dma_wait3A_385, %dma_wait3A_386] : memref<100352x16xf32, #tpu.memory_space<hbm>> -> memref<100352x16xf32, #tpu.memory_space<hbm>>
      tpu.wait_indirect_dma semaphore(%arg22 : memref<!tpu.dma_semaphore, #tpu.memory_space<semaphore_mem>>) src(%dma_wait3A_387 : memref<100352x16xf32, #tpu.memory_space<hbm>>) dst(%dma_wait3A_382 : memref<80x16xf32, #tpu.memory_space<vmem>>)
      %dma_wait3A_388 = arith.constant 1040 : i32
      %dma_wait3A_389 = arith.constant 0 : i32
      %dma_wait3A_390 = tpu.memref_slice %arg17[%dma_wait3A_388, %dma_wait3A_389] : memref<2000x16xf32, #tpu.memory_space<vmem>> -> memref<80x16xf32, #tpu.memory_space<vmem>>
      %dma_wait3A_391 = arith.constant 1040 : i32
      %dma_wait3A_392 = tpu.memref_slice %arg12[%dma_wait3A_391] : memref<2000xi32, #tpu.memory_space<vmem>> -> memref<80xi32, #tpu.memory_space<vmem>>
      %dma_wait3A_393 = arith.constant 0 : i32
      %dma_wait3A_394 = arith.constant 0 : i32
      %dma_wait3A_395 = tpu.memref_slice %arg2[%dma_wait3A_393, %dma_wait3A_394] : memref<100352x16xf32, #tpu.memory_space<hbm>> -> memref<100352x16xf32, #tpu.memory_space<hbm>>
      tpu.wait_indirect_dma semaphore(%arg22 : memref<!tpu.dma_semaphore, #tpu.memory_space<semaphore_mem>>) src(%dma_wait3A_395 : memref<100352x16xf32, #tpu.memory_space<hbm>>) dst(%dma_wait3A_390 : memref<80x16xf32, #tpu.memory_space<vmem>>)
      %dma_wait3A_396 = arith.constant 1120 : i32
      %dma_wait3A_397 = arith.constant 0 : i32
      %dma_wait3A_398 = tpu.memref_slice %arg17[%dma_wait3A_396, %dma_wait3A_397] : memref<2000x16xf32, #tpu.memory_space<vmem>> -> memref<80x16xf32, #tpu.memory_space<vmem>>
      %dma_wait3A_399 = arith.constant 1120 : i32
      %dma_wait3A_400 = tpu.memref_slice %arg12[%dma_wait3A_399] : memref<2000xi32, #tpu.memory_space<vmem>> -> memref<80xi32, #tpu.memory_space<vmem>>
      %dma_wait3A_401 = arith.constant 0 : i32
      %dma_wait3A_402 = arith.constant 0 : i32
      %dma_wait3A_403 = tpu.memref_slice %arg2[%dma_wait3A_401, %dma_wait3A_402] : memref<100352x16xf32, #tpu.memory_space<hbm>> -> memref<100352x16xf32, #tpu.memory_space<hbm>>
      tpu.wait_indirect_dma semaphore(%arg22 : memref<!tpu.dma_semaphore, #tpu.memory_space<semaphore_mem>>) src(%dma_wait3A_403 : memref<100352x16xf32, #tpu.memory_space<hbm>>) dst(%dma_wait3A_398 : memref<80x16xf32, #tpu.memory_space<vmem>>)
      %dma_wait3A_404 = arith.constant 1200 : i32
      %dma_wait3A_405 = arith.constant 0 : i32
      %dma_wait3A_406 = tpu.memref_slice %arg17[%dma_wait3A_404, %dma_wait3A_405] : memref<2000x16xf32, #tpu.memory_space<vmem>> -> memref<80x16xf32, #tpu.memory_space<vmem>>
      %dma_wait3A_407 = arith.constant 1200 : i32
      %dma_wait3A_408 = tpu.memref_slice %arg12[%dma_wait3A_407] : memref<2000xi32, #tpu.memory_space<vmem>> -> memref<80xi32, #tpu.memory_space<vmem>>
      %dma_wait3A_409 = arith.constant 0 : i32
      %dma_wait3A_410 = arith.constant 0 : i32
      %dma_wait3A_411 = tpu.memref_slice %arg2[%dma_wait3A_409, %dma_wait3A_410] : memref<100352x16xf32, #tpu.memory_space<hbm>> -> memref<100352x16xf32, #tpu.memory_space<hbm>>
      tpu.wait_indirect_dma semaphore(%arg22 : memref<!tpu.dma_semaphore, #tpu.memory_space<semaphore_mem>>) src(%dma_wait3A_411 : memref<100352x16xf32, #tpu.memory_space<hbm>>) dst(%dma_wait3A_406 : memref<80x16xf32, #tpu.memory_space<vmem>>)
      %dma_wait3A_412 = arith.constant 1280 : i32
      %dma_wait3A_413 = arith.constant 0 : i32
      %dma_wait3A_414 = tpu.memref_slice %arg17[%dma_wait3A_412, %dma_wait3A_413] : memref<2000x16xf32, #tpu.memory_space<vmem>> -> memref<80x16xf32, #tpu.memory_space<vmem>>
      %dma_wait3A_415 = arith.constant 1280 : i32
      %dma_wait3A_416 = tpu.memref_slice %arg12[%dma_wait3A_415] : memref<2000xi32, #tpu.memory_space<vmem>> -> memref<80xi32, #tpu.memory_space<vmem>>
      %dma_wait3A_417 = arith.constant 0 : i32
      %dma_wait3A_418 = arith.constant 0 : i32
      %dma_wait3A_419 = tpu.memref_slice %arg2[%dma_wait3A_417, %dma_wait3A_418] : memref<100352x16xf32, #tpu.memory_space<hbm>> -> memref<100352x16xf32, #tpu.memory_space<hbm>>
      tpu.wait_indirect_dma semaphore(%arg22 : memref<!tpu.dma_semaphore, #tpu.memory_space<semaphore_mem>>) src(%dma_wait3A_419 : memref<100352x16xf32, #tpu.memory_space<hbm>>) dst(%dma_wait3A_414 : memref<80x16xf32, #tpu.memory_space<vmem>>)
      %dma_wait3A_420 = arith.constant 1360 : i32
      %dma_wait3A_421 = arith.constant 0 : i32
      %dma_wait3A_422 = tpu.memref_slice %arg17[%dma_wait3A_420, %dma_wait3A_421] : memref<2000x16xf32, #tpu.memory_space<vmem>> -> memref<80x16xf32, #tpu.memory_space<vmem>>
      %dma_wait3A_423 = arith.constant 1360 : i32
      %dma_wait3A_424 = tpu.memref_slice %arg12[%dma_wait3A_423] : memref<2000xi32, #tpu.memory_space<vmem>> -> memref<80xi32, #tpu.memory_space<vmem>>
      %dma_wait3A_425 = arith.constant 0 : i32
      %dma_wait3A_426 = arith.constant 0 : i32
      %dma_wait3A_427 = tpu.memref_slice %arg2[%dma_wait3A_425, %dma_wait3A_426] : memref<100352x16xf32, #tpu.memory_space<hbm>> -> memref<100352x16xf32, #tpu.memory_space<hbm>>
      tpu.wait_indirect_dma semaphore(%arg22 : memref<!tpu.dma_semaphore, #tpu.memory_space<semaphore_mem>>) src(%dma_wait3A_427 : memref<100352x16xf32, #tpu.memory_space<hbm>>) dst(%dma_wait3A_422 : memref<80x16xf32, #tpu.memory_space<vmem>>)
      %dma_wait3A_428 = arith.constant 1440 : i32
      %dma_wait3A_429 = arith.constant 0 : i32
      %dma_wait3A_430 = tpu.memref_slice %arg17[%dma_wait3A_428, %dma_wait3A_429] : memref<2000x16xf32, #tpu.memory_space<vmem>> -> memref<80x16xf32, #tpu.memory_space<vmem>>
      %dma_wait3A_431 = arith.constant 1440 : i32
      %dma_wait3A_432 = tpu.memref_slice %arg12[%dma_wait3A_431] : memref<2000xi32, #tpu.memory_space<vmem>> -> memref<80xi32, #tpu.memory_space<vmem>>
      %dma_wait3A_433 = arith.constant 0 : i32
      %dma_wait3A_434 = arith.constant 0 : i32
      %dma_wait3A_435 = tpu.memref_slice %arg2[%dma_wait3A_433, %dma_wait3A_434] : memref<100352x16xf32, #tpu.memory_space<hbm>> -> memref<100352x16xf32, #tpu.memory_space<hbm>>
      tpu.wait_indirect_dma semaphore(%arg22 : memref<!tpu.dma_semaphore, #tpu.memory_space<semaphore_mem>>) src(%dma_wait3A_435 : memref<100352x16xf32, #tpu.memory_space<hbm>>) dst(%dma_wait3A_430 : memref<80x16xf32, #tpu.memory_space<vmem>>)
      %dma_wait3A_436 = arith.constant 1520 : i32
      %dma_wait3A_437 = arith.constant 0 : i32
      %dma_wait3A_438 = tpu.memref_slice %arg17[%dma_wait3A_436, %dma_wait3A_437] : memref<2000x16xf32, #tpu.memory_space<vmem>> -> memref<80x16xf32, #tpu.memory_space<vmem>>
      %dma_wait3A_439 = arith.constant 1520 : i32
      %dma_wait3A_440 = tpu.memref_slice %arg12[%dma_wait3A_439] : memref<2000xi32, #tpu.memory_space<vmem>> -> memref<80xi32, #tpu.memory_space<vmem>>
      %dma_wait3A_441 = arith.constant 0 : i32
      %dma_wait3A_442 = arith.constant 0 : i32
      %dma_wait3A_443 = tpu.memref_slice %arg2[%dma_wait3A_441, %dma_wait3A_442] : memref<100352x16xf32, #tpu.memory_space<hbm>> -> memref<100352x16xf32, #tpu.memory_space<hbm>>
      tpu.wait_indirect_dma semaphore(%arg22 : memref<!tpu.dma_semaphore, #tpu.memory_space<semaphore_mem>>) src(%dma_wait3A_443 : memref<100352x16xf32, #tpu.memory_space<hbm>>) dst(%dma_wait3A_438 : memref<80x16xf32, #tpu.memory_space<vmem>>)
      %dma_wait3A_444 = arith.constant 1600 : i32
      %dma_wait3A_445 = arith.constant 0 : i32
      %dma_wait3A_446 = tpu.memref_slice %arg17[%dma_wait3A_444, %dma_wait3A_445] : memref<2000x16xf32, #tpu.memory_space<vmem>> -> memref<80x16xf32, #tpu.memory_space<vmem>>
      %dma_wait3A_447 = arith.constant 1600 : i32
      %dma_wait3A_448 = tpu.memref_slice %arg12[%dma_wait3A_447] : memref<2000xi32, #tpu.memory_space<vmem>> -> memref<80xi32, #tpu.memory_space<vmem>>
      %dma_wait3A_449 = arith.constant 0 : i32
      %dma_wait3A_450 = arith.constant 0 : i32
      %dma_wait3A_451 = tpu.memref_slice %arg2[%dma_wait3A_449, %dma_wait3A_450] : memref<100352x16xf32, #tpu.memory_space<hbm>> -> memref<100352x16xf32, #tpu.memory_space<hbm>>
      tpu.wait_indirect_dma semaphore(%arg22 : memref<!tpu.dma_semaphore, #tpu.memory_space<semaphore_mem>>) src(%dma_wait3A_451 : memref<100352x16xf32, #tpu.memory_space<hbm>>) dst(%dma_wait3A_446 : memref<80x16xf32, #tpu.memory_space<vmem>>)
      %dma_wait3A_452 = arith.constant 1680 : i32
      %dma_wait3A_453 = arith.constant 0 : i32
      %dma_wait3A_454 = tpu.memref_slice %arg17[%dma_wait3A_452, %dma_wait3A_453] : memref<2000x16xf32, #tpu.memory_space<vmem>> -> memref<80x16xf32, #tpu.memory_space<vmem>>
      %dma_wait3A_455 = arith.constant 1680 : i32
      %dma_wait3A_456 = tpu.memref_slice %arg12[%dma_wait3A_455] : memref<2000xi32, #tpu.memory_space<vmem>> -> memref<80xi32, #tpu.memory_space<vmem>>
      %dma_wait3A_457 = arith.constant 0 : i32
      %dma_wait3A_458 = arith.constant 0 : i32
      %dma_wait3A_459 = tpu.memref_slice %arg2[%dma_wait3A_457, %dma_wait3A_458] : memref<100352x16xf32, #tpu.memory_space<hbm>> -> memref<100352x16xf32, #tpu.memory_space<hbm>>
      tpu.wait_indirect_dma semaphore(%arg22 : memref<!tpu.dma_semaphore, #tpu.memory_space<semaphore_mem>>) src(%dma_wait3A_459 : memref<100352x16xf32, #tpu.memory_space<hbm>>) dst(%dma_wait3A_454 : memref<80x16xf32, #tpu.memory_space<vmem>>)
      %dma_wait3A_460 = arith.constant 1760 : i32
      %dma_wait3A_461 = arith.constant 0 : i32
      %dma_wait3A_462 = tpu.memref_slice %arg17[%dma_wait3A_460, %dma_wait3A_461] : memref<2000x16xf32, #tpu.memory_space<vmem>> -> memref<80x16xf32, #tpu.memory_space<vmem>>
      %dma_wait3A_463 = arith.constant 1760 : i32
      %dma_wait3A_464 = tpu.memref_slice %arg12[%dma_wait3A_463] : memref<2000xi32, #tpu.memory_space<vmem>> -> memref<80xi32, #tpu.memory_space<vmem>>
      %dma_wait3A_465 = arith.constant 0 : i32
      %dma_wait3A_466 = arith.constant 0 : i32
      %dma_wait3A_467 = tpu.memref_slice %arg2[%dma_wait3A_465, %dma_wait3A_466] : memref<100352x16xf32, #tpu.memory_space<hbm>> -> memref<100352x16xf32, #tpu.memory_space<hbm>>
      tpu.wait_indirect_dma semaphore(%arg22 : memref<!tpu.dma_semaphore, #tpu.memory_space<semaphore_mem>>) src(%dma_wait3A_467 : memref<100352x16xf32, #tpu.memory_space<hbm>>) dst(%dma_wait3A_462 : memref<80x16xf32, #tpu.memory_space<vmem>>)
      %dma_wait3A_468 = arith.constant 1840 : i32
      %dma_wait3A_469 = arith.constant 0 : i32
      %dma_wait3A_470 = tpu.memref_slice %arg17[%dma_wait3A_468, %dma_wait3A_469] : memref<2000x16xf32, #tpu.memory_space<vmem>> -> memref<80x16xf32, #tpu.memory_space<vmem>>
      %dma_wait3A_471 = arith.constant 1840 : i32
      %dma_wait3A_472 = tpu.memref_slice %arg12[%dma_wait3A_471] : memref<2000xi32, #tpu.memory_space<vmem>> -> memref<80xi32, #tpu.memory_space<vmem>>
      %dma_wait3A_473 = arith.constant 0 : i32
      %dma_wait3A_474 = arith.constant 0 : i32
      %dma_wait3A_475 = tpu.memref_slice %arg2[%dma_wait3A_473, %dma_wait3A_474] : memref<100352x16xf32, #tpu.memory_space<hbm>> -> memref<100352x16xf32, #tpu.memory_space<hbm>>
      tpu.wait_indirect_dma semaphore(%arg22 : memref<!tpu.dma_semaphore, #tpu.memory_space<semaphore_mem>>) src(%dma_wait3A_475 : memref<100352x16xf32, #tpu.memory_space<hbm>>) dst(%dma_wait3A_470 : memref<80x16xf32, #tpu.memory_space<vmem>>)
      %dma_wait3A_476 = arith.constant 1920 : i32
      %dma_wait3A_477 = arith.constant 0 : i32
      %dma_wait3A_478 = tpu.memref_slice %arg17[%dma_wait3A_476, %dma_wait3A_477] : memref<2000x16xf32, #tpu.memory_space<vmem>> -> memref<80x16xf32, #tpu.memory_space<vmem>>
      %dma_wait3A_479 = arith.constant 1920 : i32
      %dma_wait3A_480 = tpu.memref_slice %arg12[%dma_wait3A_479] : memref<2000xi32, #tpu.memory_space<vmem>> -> memref<80xi32, #tpu.memory_space<vmem>>
      %dma_wait3A_481 = arith.constant 0 : i32
      %dma_wait3A_482 = arith.constant 0 : i32
      %dma_wait3A_483 = tpu.memref_slice %arg2[%dma_wait3A_481, %dma_wait3A_482] : memref<100352x16xf32, #tpu.memory_space<hbm>> -> memref<100352x16xf32, #tpu.memory_space<hbm>>
      tpu.wait_indirect_dma semaphore(%arg22 : memref<!tpu.dma_semaphore, #tpu.memory_space<semaphore_mem>>) src(%dma_wait3A_483 : memref<100352x16xf32, #tpu.memory_space<hbm>>) dst(%dma_wait3A_478 : memref<80x16xf32, #tpu.memory_space<vmem>>)
      %scan3A_484 = arith.constant 0 : i32
      %scan3A_485 = arith.constant 0 : i32
      %scan3A_486 = arith.constant 125 : i32
      %scan3A_487 = arith.addi %scan3A_485, %scan3A_486 : i32
      %scan3A_488 = arith.constant 1 : i32
      scf.for %scan3A_514 = %scan3A_485 to %scan3A_487 step %scan3A_488  : i32 {
        %mul3A_515 = arith.constant 16 : i32
        %mul3A_516 = arith.muli %scan3A_514, %mul3A_515 : i32
        %add3A_517 = vector.broadcast %mul3A_516 : i32 to vector<16xi32>
        %add3A_518 = arith.addi %iota3A, %add3A_517 : vector<16xi32>
        %mul3A_519 = arith.constant 16 : i32
        %mul3A_520 = arith.muli %scan3A_514, %mul3A_519 : i32
        %get3A_521 = arith.index_cast %mul3A_520 : i32 to index
        %get3A_522 = tpu.vector_load %arg14[%get3A_521] {strides = array<i32>} : memref<2000xf32, #tpu.memory_space<vmem>>, vector<16xf32>,
        %mul3A_523 = arith.constant 16 : i32
        %mul3A_524 = arith.muli %scan3A_514, %mul3A_523 : i32
        %get3A_525 = arith.index_cast %mul3A_524 : i32 to index
        %get3A_526 = tpu.vector_load %arg15[%get3A_525] {strides = array<i32>} : memref<2000xf32, #tpu.memory_space<vmem>>, vector<16xf32>,
        %mul3A_527 = arith.constant 16 : i32
        %mul3A_528 = arith.muli %scan3A_514, %mul3A_527 : i32
        %get3A_529 = arith.index_cast %mul3A_528 : i32 to index
        %get3A_530 = tpu.vector_load %arg16[%get3A_529] {strides = array<i32>} : memref<2000xf32, #tpu.memory_space<vmem>>, vector<16xf32>,
        %gather3A = tpu.vector_load_idx %arg17[%add3A_518, %broadcast_in_dim3A_56] : memref<2000x16xf32, #tpu.memory_space<vmem>>[vector<16xi32>, vector<16xi32>], vector<16xf32>,
        %mul3A_531 = vector.broadcast %squeeze3A : f32 to vector<16xf32>
        %mul3A_532 = arith.mulf %get3A_522, %mul3A_531 : vector<16xf32>
        %add3A_533 = arith.addf %gather3A, %mul3A_532 : vector<16xf32>
        %mul3A_534 = vector.broadcast %squeeze3A_27 : f32 to vector<16xf32>
        %mul3A_535 = arith.mulf %get3A_526, %mul3A_534 : vector<16xf32>
        %add3A_536 = arith.addf %add3A_533, %mul3A_535 : vector<16xf32>
        %mul3A_537 = vector.broadcast %squeeze3A_37 : f32 to vector<16xf32>
        %mul3A_538 = arith.mulf %get3A_530, %mul3A_537 : vector<16xf32>
        %add3A_539 = arith.addf %add3A_536, %mul3A_538 : vector<16xf32>
        %add3A_540 = vector.broadcast %squeeze3A_47 : f32 to vector<16xf32>
        %add3A_541 = arith.addf %add3A_539, %add3A_540 : vector<16xf32>
        %max3A = arith.constant 0.000000e+00 : f32
        %max3A_542 = vector.broadcast %max3A : f32 to vector<16xf32>
        %max3A_543 = arith.maximumf %add3A_541, %max3A_542 : vector<16xf32>
        tpu.vector_store_idx %arg18[%add3A_518, %broadcast_in_dim3A_56], %max3A_543 : memref<2000x8xf32, #tpu.memory_space<vmem>>[vector<16xi32>, vector<16xi32>], vector<16xf32>,
        %gather3A_544 = tpu.vector_load_idx %arg17[%add3A_518, %broadcast_in_dim3A_58] : memref<2000x16xf32, #tpu.memory_space<vmem>>[vector<16xi32>, vector<16xi32>], vector<16xf32>,
        %mul3A_545 = vector.broadcast %squeeze3A_19 : f32 to vector<16xf32>
        %mul3A_546 = arith.mulf %get3A_522, %mul3A_545 : vector<16xf32>
        %add3A_547 = arith.addf %gather3A_544, %mul3A_546 : vector<16xf32>
        %mul3A_548 = vector.broadcast %squeeze3A_29 : f32 to vector<16xf32>
        %mul3A_549 = arith.mulf %get3A_526, %mul3A_548 : vector<16xf32>
        %add3A_550 = arith.addf %add3A_547, %mul3A_549 : vector<16xf32>
        %mul3A_551 = vector.broadcast %squeeze3A_39 : f32 to vector<16xf32>
        %mul3A_552 = arith.mulf %get3A_530, %mul3A_551 : vector<16xf32>
        %add3A_553 = arith.addf %add3A_550, %mul3A_552 : vector<16xf32>
        %add3A_554 = vector.broadcast %squeeze3A_49 : f32 to vector<16xf32>
        %add3A_555 = arith.addf %add3A_553, %add3A_554 : vector<16xf32>
        %max3A_556 = arith.constant 0.000000e+00 : f32
        %max3A_557 = vector.broadcast %max3A_556 : f32 to vector<16xf32>
        %max3A_558 = arith.maximumf %add3A_555, %max3A_557 : vector<16xf32>
        tpu.vector_store_idx %arg18[%add3A_518, %broadcast_in_dim3A_58], %max3A_558 : memref<2000x8xf32, #tpu.memory_space<vmem>>[vector<16xi32>, vector<16xi32>], vector<16xf32>,
        %gather3A_559 = tpu.vector_load_idx %arg17[%add3A_518, %broadcast_in_dim3A_60] : memref<2000x16xf32, #tpu.memory_space<vmem>>[vector<16xi32>, vector<16xi32>], vector<16xf32>,
        %mul3A_560 = vector.broadcast %squeeze3A_21 : f32 to vector<16xf32>
        %mul3A_561 = arith.mulf %get3A_522, %mul3A_560 : vector<16xf32>
        %add3A_562 = arith.addf %gather3A_559, %mul3A_561 : vector<16xf32>
        %mul3A_563 = vector.broadcast %squeeze3A_31 : f32 to vector<16xf32>
        %mul3A_564 = arith.mulf %get3A_526, %mul3A_563 : vector<16xf32>
        %add3A_565 = arith.addf %add3A_562, %mul3A_564 : vector<16xf32>
        %mul3A_566 = vector.broadcast %squeeze3A_41 : f32 to vector<16xf32>
        %mul3A_567 = arith.mulf %get3A_530, %mul3A_566 : vector<16xf32>
        %add3A_568 = arith.addf %add3A_565, %mul3A_567 : vector<16xf32>
        %add3A_569 = vector.broadcast %squeeze3A_51 : f32 to vector<16xf32>
        %add3A_570 = arith.addf %add3A_568, %add3A_569 : vector<16xf32>
        %max3A_571 = arith.constant 0.000000e+00 : f32
        %max3A_572 = vector.broadcast %max3A_571 : f32 to vector<16xf32>
        %max3A_573 = arith.maximumf %add3A_570, %max3A_572 : vector<16xf32>
        tpu.vector_store_idx %arg18[%add3A_518, %broadcast_in_dim3A_60], %max3A_573 : memref<2000x8xf32, #tpu.memory_space<vmem>>[vector<16xi32>, vector<16xi32>], vector<16xf32>,
        %gather3A_574 = tpu.vector_load_idx %arg17[%add3A_518, %broadcast_in_dim3A_62] : memref<2000x16xf32, #tpu.memory_space<vmem>>[vector<16xi32>, vector<16xi32>], vector<16xf32>,
        %mul3A_575 = vector.broadcast %squeeze3A_23 : f32 to vector<16xf32>
        %mul3A_576 = arith.mulf %get3A_522, %mul3A_575 : vector<16xf32>
        %add3A_577 = arith.addf %gather3A_574, %mul3A_576 : vector<16xf32>
        %mul3A_578 = vector.broadcast %squeeze3A_33 : f32 to vector<16xf32>
        %mul3A_579 = arith.mulf %get3A_526, %mul3A_578 : vector<16xf32>
        %add3A_580 = arith.addf %add3A_577, %mul3A_579 : vector<16xf32>
        %mul3A_581 = vector.broadcast %squeeze3A_43 : f32 to vector<16xf32>
        %mul3A_582 = arith.mulf %get3A_530, %mul3A_581 : vector<16xf32>
        %add3A_583 = arith.addf %add3A_580, %mul3A_582 : vector<16xf32>
        %add3A_584 = vector.broadcast %squeeze3A_53 : f32 to vector<16xf32>
        %add3A_585 = arith.addf %add3A_583, %add3A_584 : vector<16xf32>
        %max3A_586 = arith.constant 0.000000e+00 : f32
        %max3A_587 = vector.broadcast %max3A_586 : f32 to vector<16xf32>
        %max3A_588 = arith.maximumf %add3A_585, %max3A_587 : vector<16xf32>
        tpu.vector_store_idx %arg18[%add3A_518, %broadcast_in_dim3A_62], %max3A_588 : memref<2000x8xf32, #tpu.memory_space<vmem>>[vector<16xi32>, vector<16xi32>], vector<16xf32>,
        %gather3A_589 = tpu.vector_load_idx %arg17[%add3A_518, %broadcast_in_dim3A_64] : memref<2000x16xf32, #tpu.memory_space<vmem>>[vector<16xi32>, vector<16xi32>], vector<16xf32>,
        %mul3A_590 = vector.broadcast %squeeze3A_25 : f32 to vector<16xf32>
        %mul3A_591 = arith.mulf %get3A_522, %mul3A_590 : vector<16xf32>
        %add3A_592 = arith.addf %gather3A_589, %mul3A_591 : vector<16xf32>
        %mul3A_593 = vector.broadcast %squeeze3A_35 : f32 to vector<16xf32>
        %mul3A_594 = arith.mulf %get3A_526, %mul3A_593 : vector<16xf32>
        %add3A_595 = arith.addf %add3A_592, %mul3A_594 : vector<16xf32>
        %mul3A_596 = vector.broadcast %squeeze3A_45 : f32 to vector<16xf32>
        %mul3A_597 = arith.mulf %get3A_530, %mul3A_596 : vector<16xf32>
        %add3A_598 = arith.addf %add3A_595, %mul3A_597 : vector<16xf32>
        %add3A_599 = vector.broadcast %squeeze3A_55 : f32 to vector<16xf32>
        %add3A_600 = arith.addf %add3A_598, %add3A_599 : vector<16xf32>
        %max3A_601 = arith.constant 0.000000e+00 : f32
        %max3A_602 = vector.broadcast %max3A_601 : f32 to vector<16xf32>
        %max3A_603 = arith.maximumf %add3A_600, %max3A_602 : vector<16xf32>
        tpu.vector_store_idx %arg18[%add3A_518, %broadcast_in_dim3A_64], %max3A_603 : memref<2000x8xf32, #tpu.memory_space<vmem>>[vector<16xi32>, vector<16xi32>], vector<16xf32>,
      }
      %scan3A_489 = arith.constant 125 : i32
      %run_scoped3A = arith.constant 0 : i32
      "tpu.region"() ({
        %run_scoped3A_514 = tpu.sem_alloc : memref<!tpu.dma_semaphore, #tpu.memory_space<semaphore_mem>>
        %dma_start3A_515 = arith.constant 0 : i32
        %dma_start3A_516 = arith.constant 0 : i32
        %dma_start3A_517 = tpu.memref_slice %arg18[%dma_start3A_515, %dma_start3A_516] : memref<2000x8xf32, #tpu.memory_space<vmem>> -> memref<80x8xf32, #tpu.memory_space<vmem>>
        %dma_start3A_518 = arith.constant 0 : i32
        %dma_start3A_519 = tpu.memref_slice %arg13[%run_scoped3A, %dma_start3A_518] : memref<25x80xi32, #tpu.memory_space<vmem>> -> memref<1x80xi32, #tpu.memory_space<vmem>>
        %dma_start3A_520 = tpu.memref_squeeze %dma_start3A_519 : memref<1x80xi32, #tpu.memory_space<vmem>> -> memref<80xi32, #tpu.memory_space<vmem>>
        %dma_start3A_521 = arith.constant 0 : i32
        %dma_start3A_522 = arith.constant 0 : i32
        %dma_start3A_523 = tpu.memref_slice %arg21[%dma_start3A_521, %dma_start3A_522] : memref<100352x8xf32, #tpu.memory_space<vmem_shared>> -> memref<100352x8xf32, #tpu.memory_space<vmem_shared>>
        tpu.enqueue_indirect_dma source(%dma_start3A_517 : memref<80x8xf32, #tpu.memory_space<vmem>>) target(%dma_start3A_523 : memref<100352x8xf32, #tpu.memory_space<vmem_shared>>) offsets(%dma_start3A_520 : memref<80xi32, #tpu.memory_space<vmem>>) semaphore(%run_scoped3A_514 : memref<!tpu.dma_semaphore, #tpu.memory_space<semaphore_mem>>) {add = true}
        %dma_wait3A_524 = arith.constant 0 : i32
        %dma_wait3A_525 = arith.constant 0 : i32
        %dma_wait3A_526 = tpu.memref_slice %arg18[%dma_wait3A_524, %dma_wait3A_525] : memref<2000x8xf32, #tpu.memory_space<vmem>> -> memref<80x8xf32, #tpu.memory_space<vmem>>
        %dma_wait3A_527 = arith.constant 0 : i32
        %dma_wait3A_528 = tpu.memref_slice %arg13[%run_scoped3A, %dma_wait3A_527] : memref<25x80xi32, #tpu.memory_space<vmem>> -> memref<1x80xi32, #tpu.memory_space<vmem>>
        %dma_wait3A_529 = tpu.memref_squeeze %dma_wait3A_528 : memref<1x80xi32, #tpu.memory_space<vmem>> -> memref<80xi32, #tpu.memory_space<vmem>>
        %dma_wait3A_530 = arith.constant 0 : i32
        %dma_wait3A_531 = arith.constant 0 : i32
        %dma_wait3A_532 = tpu.memref_slice %arg21[%dma_wait3A_530, %dma_wait3A_531] : memref<100352x8xf32, #tpu.memory_space<vmem_shared>> -> memref<100352x8xf32, #tpu.memory_space<vmem_shared>>
        tpu.wait_indirect_dma semaphore(%run_scoped3A_514 : memref<!tpu.dma_semaphore, #tpu.memory_space<semaphore_mem>>) src(%dma_wait3A_526 : memref<80x8xf32, #tpu.memory_space<vmem>>) dst(%dma_wait3A_532 : memref<100352x8xf32, #tpu.memory_space<vmem_shared>>)
        tpu.yield
      }) : () -> ()
      %run_scoped3A_490 = arith.constant 1 : i32
      "tpu.region"() ({
        %run_scoped3A_514 = tpu.sem_alloc : memref<!tpu.dma_semaphore, #tpu.memory_space<semaphore_mem>>
        %dma_start3A_515 = arith.constant 80 : i32
        %dma_start3A_516 = arith.constant 0 : i32
        %dma_start3A_517 = tpu.memref_slice %arg18[%dma_start3A_515, %dma_start3A_516] : memref<2000x8xf32, #tpu.memory_space<vmem>> -> memref<80x8xf32, #tpu.memory_space<vmem>>
        %dma_start3A_518 = arith.constant 0 : i32
        %dma_start3A_519 = tpu.memref_slice %arg13[%run_scoped3A_490, %dma_start3A_518] : memref<25x80xi32, #tpu.memory_space<vmem>> -> memref<1x80xi32, #tpu.memory_space<vmem>>
        %dma_start3A_520 = tpu.memref_squeeze %dma_start3A_519 : memref<1x80xi32, #tpu.memory_space<vmem>> -> memref<80xi32, #tpu.memory_space<vmem>>
        %dma_start3A_521 = arith.constant 0 : i32
        %dma_start3A_522 = arith.constant 0 : i32
        %dma_start3A_523 = tpu.memref_slice %arg21[%dma_start3A_521, %dma_start3A_522] : memref<100352x8xf32, #tpu.memory_space<vmem_shared>> -> memref<100352x8xf32, #tpu.memory_space<vmem_shared>>
        tpu.enqueue_indirect_dma source(%dma_start3A_517 : memref<80x8xf32, #tpu.memory_space<vmem>>) target(%dma_start3A_523 : memref<100352x8xf32, #tpu.memory_space<vmem_shared>>) offsets(%dma_start3A_520 : memref<80xi32, #tpu.memory_space<vmem>>) semaphore(%run_scoped3A_514 : memref<!tpu.dma_semaphore, #tpu.memory_space<semaphore_mem>>) {add = true}
        %dma_wait3A_524 = arith.constant 80 : i32
        %dma_wait3A_525 = arith.constant 0 : i32
        %dma_wait3A_526 = tpu.memref_slice %arg18[%dma_wait3A_524, %dma_wait3A_525] : memref<2000x8xf32, #tpu.memory_space<vmem>> -> memref<80x8xf32, #tpu.memory_space<vmem>>
        %dma_wait3A_527 = arith.constant 0 : i32
        %dma_wait3A_528 = tpu.memref_slice %arg13[%run_scoped3A_490, %dma_wait3A_527] : memref<25x80xi32, #tpu.memory_space<vmem>> -> memref<1x80xi32, #tpu.memory_space<vmem>>
        %dma_wait3A_529 = tpu.memref_squeeze %dma_wait3A_528 : memref<1x80xi32, #tpu.memory_space<vmem>> -> memref<80xi32, #tpu.memory_space<vmem>>
        %dma_wait3A_530 = arith.constant 0 : i32
        %dma_wait3A_531 = arith.constant 0 : i32
        %dma_wait3A_532 = tpu.memref_slice %arg21[%dma_wait3A_530, %dma_wait3A_531] : memref<100352x8xf32, #tpu.memory_space<vmem_shared>> -> memref<100352x8xf32, #tpu.memory_space<vmem_shared>>
        tpu.wait_indirect_dma semaphore(%run_scoped3A_514 : memref<!tpu.dma_semaphore, #tpu.memory_space<semaphore_mem>>) src(%dma_wait3A_526 : memref<80x8xf32, #tpu.memory_space<vmem>>) dst(%dma_wait3A_532 : memref<100352x8xf32, #tpu.memory_space<vmem_shared>>)
        tpu.yield
      }) : () -> ()
      %run_scoped3A_491 = arith.constant 2 : i32
      "tpu.region"() ({
        %run_scoped3A_514 = tpu.sem_alloc : memref<!tpu.dma_semaphore, #tpu.memory_space<semaphore_mem>>
        %dma_start3A_515 = arith.constant 160 : i32
        %dma_start3A_516 = arith.constant 0 : i32
        %dma_start3A_517 = tpu.memref_slice %arg18[%dma_start3A_515, %dma_start3A_516] : memref<2000x8xf32, #tpu.memory_space<vmem>> -> memref<80x8xf32, #tpu.memory_space<vmem>>
        %dma_start3A_518 = arith.constant 0 : i32
        %dma_start3A_519 = tpu.memref_slice %arg13[%run_scoped3A_491, %dma_start3A_518] : memref<25x80xi32, #tpu.memory_space<vmem>> -> memref<1x80xi32, #tpu.memory_space<vmem>>
        %dma_start3A_520 = tpu.memref_squeeze %dma_start3A_519 : memref<1x80xi32, #tpu.memory_space<vmem>> -> memref<80xi32, #tpu.memory_space<vmem>>
        %dma_start3A_521 = arith.constant 0 : i32
        %dma_start3A_522 = arith.constant 0 : i32
        %dma_start3A_523 = tpu.memref_slice %arg21[%dma_start3A_521, %dma_start3A_522] : memref<100352x8xf32, #tpu.memory_space<vmem_shared>> -> memref<100352x8xf32, #tpu.memory_space<vmem_shared>>
        tpu.enqueue_indirect_dma source(%dma_start3A_517 : memref<80x8xf32, #tpu.memory_space<vmem>>) target(%dma_start3A_523 : memref<100352x8xf32, #tpu.memory_space<vmem_shared>>) offsets(%dma_start3A_520 : memref<80xi32, #tpu.memory_space<vmem>>) semaphore(%run_scoped3A_514 : memref<!tpu.dma_semaphore, #tpu.memory_space<semaphore_mem>>) {add = true}
        %dma_wait3A_524 = arith.constant 160 : i32
        %dma_wait3A_525 = arith.constant 0 : i32
        %dma_wait3A_526 = tpu.memref_slice %arg18[%dma_wait3A_524, %dma_wait3A_525] : memref<2000x8xf32, #tpu.memory_space<vmem>> -> memref<80x8xf32, #tpu.memory_space<vmem>>
        %dma_wait3A_527 = arith.constant 0 : i32
        %dma_wait3A_528 = tpu.memref_slice %arg13[%run_scoped3A_491, %dma_wait3A_527] : memref<25x80xi32, #tpu.memory_space<vmem>> -> memref<1x80xi32, #tpu.memory_space<vmem>>
        %dma_wait3A_529 = tpu.memref_squeeze %dma_wait3A_528 : memref<1x80xi32, #tpu.memory_space<vmem>> -> memref<80xi32, #tpu.memory_space<vmem>>
        %dma_wait3A_530 = arith.constant 0 : i32
        %dma_wait3A_531 = arith.constant 0 : i32
        %dma_wait3A_532 = tpu.memref_slice %arg21[%dma_wait3A_530, %dma_wait3A_531] : memref<100352x8xf32, #tpu.memory_space<vmem_shared>> -> memref<100352x8xf32, #tpu.memory_space<vmem_shared>>
        tpu.wait_indirect_dma semaphore(%run_scoped3A_514 : memref<!tpu.dma_semaphore, #tpu.memory_space<semaphore_mem>>) src(%dma_wait3A_526 : memref<80x8xf32, #tpu.memory_space<vmem>>) dst(%dma_wait3A_532 : memref<100352x8xf32, #tpu.memory_space<vmem_shared>>)
        tpu.yield
      }) : () -> ()
      %run_scoped3A_492 = arith.constant 3 : i32
      "tpu.region"() ({
        %run_scoped3A_514 = tpu.sem_alloc : memref<!tpu.dma_semaphore, #tpu.memory_space<semaphore_mem>>
        %dma_start3A_515 = arith.constant 240 : i32
        %dma_start3A_516 = arith.constant 0 : i32
        %dma_start3A_517 = tpu.memref_slice %arg18[%dma_start3A_515, %dma_start3A_516] : memref<2000x8xf32, #tpu.memory_space<vmem>> -> memref<80x8xf32, #tpu.memory_space<vmem>>
        %dma_start3A_518 = arith.constant 0 : i32
        %dma_start3A_519 = tpu.memref_slice %arg13[%run_scoped3A_492, %dma_start3A_518] : memref<25x80xi32, #tpu.memory_space<vmem>> -> memref<1x80xi32, #tpu.memory_space<vmem>>
        %dma_start3A_520 = tpu.memref_squeeze %dma_start3A_519 : memref<1x80xi32, #tpu.memory_space<vmem>> -> memref<80xi32, #tpu.memory_space<vmem>>
        %dma_start3A_521 = arith.constant 0 : i32
        %dma_start3A_522 = arith.constant 0 : i32
        %dma_start3A_523 = tpu.memref_slice %arg21[%dma_start3A_521, %dma_start3A_522] : memref<100352x8xf32, #tpu.memory_space<vmem_shared>> -> memref<100352x8xf32, #tpu.memory_space<vmem_shared>>
        tpu.enqueue_indirect_dma source(%dma_start3A_517 : memref<80x8xf32, #tpu.memory_space<vmem>>) target(%dma_start3A_523 : memref<100352x8xf32, #tpu.memory_space<vmem_shared>>) offsets(%dma_start3A_520 : memref<80xi32, #tpu.memory_space<vmem>>) semaphore(%run_scoped3A_514 : memref<!tpu.dma_semaphore, #tpu.memory_space<semaphore_mem>>) {add = true}
        %dma_wait3A_524 = arith.constant 240 : i32
        %dma_wait3A_525 = arith.constant 0 : i32
        %dma_wait3A_526 = tpu.memref_slice %arg18[%dma_wait3A_524, %dma_wait3A_525] : memref<2000x8xf32, #tpu.memory_space<vmem>> -> memref<80x8xf32, #tpu.memory_space<vmem>>
        %dma_wait3A_527 = arith.constant 0 : i32
        %dma_wait3A_528 = tpu.memref_slice %arg13[%run_scoped3A_492, %dma_wait3A_527] : memref<25x80xi32, #tpu.memory_space<vmem>> -> memref<1x80xi32, #tpu.memory_space<vmem>>
        %dma_wait3A_529 = tpu.memref_squeeze %dma_wait3A_528 : memref<1x80xi32, #tpu.memory_space<vmem>> -> memref<80xi32, #tpu.memory_space<vmem>>
        %dma_wait3A_530 = arith.constant 0 : i32
        %dma_wait3A_531 = arith.constant 0 : i32
        %dma_wait3A_532 = tpu.memref_slice %arg21[%dma_wait3A_530, %dma_wait3A_531] : memref<100352x8xf32, #tpu.memory_space<vmem_shared>> -> memref<100352x8xf32, #tpu.memory_space<vmem_shared>>
        tpu.wait_indirect_dma semaphore(%run_scoped3A_514 : memref<!tpu.dma_semaphore, #tpu.memory_space<semaphore_mem>>) src(%dma_wait3A_526 : memref<80x8xf32, #tpu.memory_space<vmem>>) dst(%dma_wait3A_532 : memref<100352x8xf32, #tpu.memory_space<vmem_shared>>)
        tpu.yield
      }) : () -> ()
      %run_scoped3A_493 = arith.constant 4 : i32
      "tpu.region"() ({
        %run_scoped3A_514 = tpu.sem_alloc : memref<!tpu.dma_semaphore, #tpu.memory_space<semaphore_mem>>
        %dma_start3A_515 = arith.constant 320 : i32
        %dma_start3A_516 = arith.constant 0 : i32
        %dma_start3A_517 = tpu.memref_slice %arg18[%dma_start3A_515, %dma_start3A_516] : memref<2000x8xf32, #tpu.memory_space<vmem>> -> memref<80x8xf32, #tpu.memory_space<vmem>>
        %dma_start3A_518 = arith.constant 0 : i32
        %dma_start3A_519 = tpu.memref_slice %arg13[%run_scoped3A_493, %dma_start3A_518] : memref<25x80xi32, #tpu.memory_space<vmem>> -> memref<1x80xi32, #tpu.memory_space<vmem>>
        %dma_start3A_520 = tpu.memref_squeeze %dma_start3A_519 : memref<1x80xi32, #tpu.memory_space<vmem>> -> memref<80xi32, #tpu.memory_space<vmem>>
        %dma_start3A_521 = arith.constant 0 : i32
        %dma_start3A_522 = arith.constant 0 : i32
        %dma_start3A_523 = tpu.memref_slice %arg21[%dma_start3A_521, %dma_start3A_522] : memref<100352x8xf32, #tpu.memory_space<vmem_shared>> -> memref<100352x8xf32, #tpu.memory_space<vmem_shared>>
        tpu.enqueue_indirect_dma source(%dma_start3A_517 : memref<80x8xf32, #tpu.memory_space<vmem>>) target(%dma_start3A_523 : memref<100352x8xf32, #tpu.memory_space<vmem_shared>>) offsets(%dma_start3A_520 : memref<80xi32, #tpu.memory_space<vmem>>) semaphore(%run_scoped3A_514 : memref<!tpu.dma_semaphore, #tpu.memory_space<semaphore_mem>>) {add = true}
        %dma_wait3A_524 = arith.constant 320 : i32
        %dma_wait3A_525 = arith.constant 0 : i32
        %dma_wait3A_526 = tpu.memref_slice %arg18[%dma_wait3A_524, %dma_wait3A_525] : memref<2000x8xf32, #tpu.memory_space<vmem>> -> memref<80x8xf32, #tpu.memory_space<vmem>>
        %dma_wait3A_527 = arith.constant 0 : i32
        %dma_wait3A_528 = tpu.memref_slice %arg13[%run_scoped3A_493, %dma_wait3A_527] : memref<25x80xi32, #tpu.memory_space<vmem>> -> memref<1x80xi32, #tpu.memory_space<vmem>>
        %dma_wait3A_529 = tpu.memref_squeeze %dma_wait3A_528 : memref<1x80xi32, #tpu.memory_space<vmem>> -> memref<80xi32, #tpu.memory_space<vmem>>
        %dma_wait3A_530 = arith.constant 0 : i32
        %dma_wait3A_531 = arith.constant 0 : i32
        %dma_wait3A_532 = tpu.memref_slice %arg21[%dma_wait3A_530, %dma_wait3A_531] : memref<100352x8xf32, #tpu.memory_space<vmem_shared>> -> memref<100352x8xf32, #tpu.memory_space<vmem_shared>>
        tpu.wait_indirect_dma semaphore(%run_scoped3A_514 : memref<!tpu.dma_semaphore, #tpu.memory_space<semaphore_mem>>) src(%dma_wait3A_526 : memref<80x8xf32, #tpu.memory_space<vmem>>) dst(%dma_wait3A_532 : memref<100352x8xf32, #tpu.memory_space<vmem_shared>>)
        tpu.yield
      }) : () -> ()
      %run_scoped3A_494 = arith.constant 5 : i32
      "tpu.region"() ({
        %run_scoped3A_514 = tpu.sem_alloc : memref<!tpu.dma_semaphore, #tpu.memory_space<semaphore_mem>>
        %dma_start3A_515 = arith.constant 400 : i32
        %dma_start3A_516 = arith.constant 0 : i32
        %dma_start3A_517 = tpu.memref_slice %arg18[%dma_start3A_515, %dma_start3A_516] : memref<2000x8xf32, #tpu.memory_space<vmem>> -> memref<80x8xf32, #tpu.memory_space<vmem>>
        %dma_start3A_518 = arith.constant 0 : i32
        %dma_start3A_519 = tpu.memref_slice %arg13[%run_scoped3A_494, %dma_start3A_518] : memref<25x80xi32, #tpu.memory_space<vmem>> -> memref<1x80xi32, #tpu.memory_space<vmem>>
        %dma_start3A_520 = tpu.memref_squeeze %dma_start3A_519 : memref<1x80xi32, #tpu.memory_space<vmem>> -> memref<80xi32, #tpu.memory_space<vmem>>
        %dma_start3A_521 = arith.constant 0 : i32
        %dma_start3A_522 = arith.constant 0 : i32
        %dma_start3A_523 = tpu.memref_slice %arg21[%dma_start3A_521, %dma_start3A_522] : memref<100352x8xf32, #tpu.memory_space<vmem_shared>> -> memref<100352x8xf32, #tpu.memory_space<vmem_shared>>
        tpu.enqueue_indirect_dma source(%dma_start3A_517 : memref<80x8xf32, #tpu.memory_space<vmem>>) target(%dma_start3A_523 : memref<100352x8xf32, #tpu.memory_space<vmem_shared>>) offsets(%dma_start3A_520 : memref<80xi32, #tpu.memory_space<vmem>>) semaphore(%run_scoped3A_514 : memref<!tpu.dma_semaphore, #tpu.memory_space<semaphore_mem>>) {add = true}
        %dma_wait3A_524 = arith.constant 400 : i32
        %dma_wait3A_525 = arith.constant 0 : i32
        %dma_wait3A_526 = tpu.memref_slice %arg18[%dma_wait3A_524, %dma_wait3A_525] : memref<2000x8xf32, #tpu.memory_space<vmem>> -> memref<80x8xf32, #tpu.memory_space<vmem>>
        %dma_wait3A_527 = arith.constant 0 : i32
        %dma_wait3A_528 = tpu.memref_slice %arg13[%run_scoped3A_494, %dma_wait3A_527] : memref<25x80xi32, #tpu.memory_space<vmem>> -> memref<1x80xi32, #tpu.memory_space<vmem>>
        %dma_wait3A_529 = tpu.memref_squeeze %dma_wait3A_528 : memref<1x80xi32, #tpu.memory_space<vmem>> -> memref<80xi32, #tpu.memory_space<vmem>>
        %dma_wait3A_530 = arith.constant 0 : i32
        %dma_wait3A_531 = arith.constant 0 : i32
        %dma_wait3A_532 = tpu.memref_slice %arg21[%dma_wait3A_530, %dma_wait3A_531] : memref<100352x8xf32, #tpu.memory_space<vmem_shared>> -> memref<100352x8xf32, #tpu.memory_space<vmem_shared>>
        tpu.wait_indirect_dma semaphore(%run_scoped3A_514 : memref<!tpu.dma_semaphore, #tpu.memory_space<semaphore_mem>>) src(%dma_wait3A_526 : memref<80x8xf32, #tpu.memory_space<vmem>>) dst(%dma_wait3A_532 : memref<100352x8xf32, #tpu.memory_space<vmem_shared>>)
        tpu.yield
      }) : () -> ()
      %run_scoped3A_495 = arith.constant 6 : i32
      "tpu.region"() ({
        %run_scoped3A_514 = tpu.sem_alloc : memref<!tpu.dma_semaphore, #tpu.memory_space<semaphore_mem>>
        %dma_start3A_515 = arith.constant 480 : i32
        %dma_start3A_516 = arith.constant 0 : i32
        %dma_start3A_517 = tpu.memref_slice %arg18[%dma_start3A_515, %dma_start3A_516] : memref<2000x8xf32, #tpu.memory_space<vmem>> -> memref<80x8xf32, #tpu.memory_space<vmem>>
        %dma_start3A_518 = arith.constant 0 : i32
        %dma_start3A_519 = tpu.memref_slice %arg13[%run_scoped3A_495, %dma_start3A_518] : memref<25x80xi32, #tpu.memory_space<vmem>> -> memref<1x80xi32, #tpu.memory_space<vmem>>
        %dma_start3A_520 = tpu.memref_squeeze %dma_start3A_519 : memref<1x80xi32, #tpu.memory_space<vmem>> -> memref<80xi32, #tpu.memory_space<vmem>>
        %dma_start3A_521 = arith.constant 0 : i32
        %dma_start3A_522 = arith.constant 0 : i32
        %dma_start3A_523 = tpu.memref_slice %arg21[%dma_start3A_521, %dma_start3A_522] : memref<100352x8xf32, #tpu.memory_space<vmem_shared>> -> memref<100352x8xf32, #tpu.memory_space<vmem_shared>>
        tpu.enqueue_indirect_dma source(%dma_start3A_517 : memref<80x8xf32, #tpu.memory_space<vmem>>) target(%dma_start3A_523 : memref<100352x8xf32, #tpu.memory_space<vmem_shared>>) offsets(%dma_start3A_520 : memref<80xi32, #tpu.memory_space<vmem>>) semaphore(%run_scoped3A_514 : memref<!tpu.dma_semaphore, #tpu.memory_space<semaphore_mem>>) {add = true}
        %dma_wait3A_524 = arith.constant 480 : i32
        %dma_wait3A_525 = arith.constant 0 : i32
        %dma_wait3A_526 = tpu.memref_slice %arg18[%dma_wait3A_524, %dma_wait3A_525] : memref<2000x8xf32, #tpu.memory_space<vmem>> -> memref<80x8xf32, #tpu.memory_space<vmem>>
        %dma_wait3A_527 = arith.constant 0 : i32
        %dma_wait3A_528 = tpu.memref_slice %arg13[%run_scoped3A_495, %dma_wait3A_527] : memref<25x80xi32, #tpu.memory_space<vmem>> -> memref<1x80xi32, #tpu.memory_space<vmem>>
        %dma_wait3A_529 = tpu.memref_squeeze %dma_wait3A_528 : memref<1x80xi32, #tpu.memory_space<vmem>> -> memref<80xi32, #tpu.memory_space<vmem>>
        %dma_wait3A_530 = arith.constant 0 : i32
        %dma_wait3A_531 = arith.constant 0 : i32
        %dma_wait3A_532 = tpu.memref_slice %arg21[%dma_wait3A_530, %dma_wait3A_531] : memref<100352x8xf32, #tpu.memory_space<vmem_shared>> -> memref<100352x8xf32, #tpu.memory_space<vmem_shared>>
        tpu.wait_indirect_dma semaphore(%run_scoped3A_514 : memref<!tpu.dma_semaphore, #tpu.memory_space<semaphore_mem>>) src(%dma_wait3A_526 : memref<80x8xf32, #tpu.memory_space<vmem>>) dst(%dma_wait3A_532 : memref<100352x8xf32, #tpu.memory_space<vmem_shared>>)
        tpu.yield
      }) : () -> ()
      %run_scoped3A_496 = arith.constant 7 : i32
      "tpu.region"() ({
        %run_scoped3A_514 = tpu.sem_alloc : memref<!tpu.dma_semaphore, #tpu.memory_space<semaphore_mem>>
        %dma_start3A_515 = arith.constant 560 : i32
        %dma_start3A_516 = arith.constant 0 : i32
        %dma_start3A_517 = tpu.memref_slice %arg18[%dma_start3A_515, %dma_start3A_516] : memref<2000x8xf32, #tpu.memory_space<vmem>> -> memref<80x8xf32, #tpu.memory_space<vmem>>
        %dma_start3A_518 = arith.constant 0 : i32
        %dma_start3A_519 = tpu.memref_slice %arg13[%run_scoped3A_496, %dma_start3A_518] : memref<25x80xi32, #tpu.memory_space<vmem>> -> memref<1x80xi32, #tpu.memory_space<vmem>>
        %dma_start3A_520 = tpu.memref_squeeze %dma_start3A_519 : memref<1x80xi32, #tpu.memory_space<vmem>> -> memref<80xi32, #tpu.memory_space<vmem>>
        %dma_start3A_521 = arith.constant 0 : i32
        %dma_start3A_522 = arith.constant 0 : i32
        %dma_start3A_523 = tpu.memref_slice %arg21[%dma_start3A_521, %dma_start3A_522] : memref<100352x8xf32, #tpu.memory_space<vmem_shared>> -> memref<100352x8xf32, #tpu.memory_space<vmem_shared>>
        tpu.enqueue_indirect_dma source(%dma_start3A_517 : memref<80x8xf32, #tpu.memory_space<vmem>>) target(%dma_start3A_523 : memref<100352x8xf32, #tpu.memory_space<vmem_shared>>) offsets(%dma_start3A_520 : memref<80xi32, #tpu.memory_space<vmem>>) semaphore(%run_scoped3A_514 : memref<!tpu.dma_semaphore, #tpu.memory_space<semaphore_mem>>) {add = true}
        %dma_wait3A_524 = arith.constant 560 : i32
        %dma_wait3A_525 = arith.constant 0 : i32
        %dma_wait3A_526 = tpu.memref_slice %arg18[%dma_wait3A_524, %dma_wait3A_525] : memref<2000x8xf32, #tpu.memory_space<vmem>> -> memref<80x8xf32, #tpu.memory_space<vmem>>
        %dma_wait3A_527 = arith.constant 0 : i32
        %dma_wait3A_528 = tpu.memref_slice %arg13[%run_scoped3A_496, %dma_wait3A_527] : memref<25x80xi32, #tpu.memory_space<vmem>> -> memref<1x80xi32, #tpu.memory_space<vmem>>
        %dma_wait3A_529 = tpu.memref_squeeze %dma_wait3A_528 : memref<1x80xi32, #tpu.memory_space<vmem>> -> memref<80xi32, #tpu.memory_space<vmem>>
        %dma_wait3A_530 = arith.constant 0 : i32
        %dma_wait3A_531 = arith.constant 0 : i32
        %dma_wait3A_532 = tpu.memref_slice %arg21[%dma_wait3A_530, %dma_wait3A_531] : memref<100352x8xf32, #tpu.memory_space<vmem_shared>> -> memref<100352x8xf32, #tpu.memory_space<vmem_shared>>
        tpu.wait_indirect_dma semaphore(%run_scoped3A_514 : memref<!tpu.dma_semaphore, #tpu.memory_space<semaphore_mem>>) src(%dma_wait3A_526 : memref<80x8xf32, #tpu.memory_space<vmem>>) dst(%dma_wait3A_532 : memref<100352x8xf32, #tpu.memory_space<vmem_shared>>)
        tpu.yield
      }) : () -> ()
      %run_scoped3A_497 = arith.constant 8 : i32
      "tpu.region"() ({
        %run_scoped3A_514 = tpu.sem_alloc : memref<!tpu.dma_semaphore, #tpu.memory_space<semaphore_mem>>
        %dma_start3A_515 = arith.constant 640 : i32
        %dma_start3A_516 = arith.constant 0 : i32
        %dma_start3A_517 = tpu.memref_slice %arg18[%dma_start3A_515, %dma_start3A_516] : memref<2000x8xf32, #tpu.memory_space<vmem>> -> memref<80x8xf32, #tpu.memory_space<vmem>>
        %dma_start3A_518 = arith.constant 0 : i32
        %dma_start3A_519 = tpu.memref_slice %arg13[%run_scoped3A_497, %dma_start3A_518] : memref<25x80xi32, #tpu.memory_space<vmem>> -> memref<1x80xi32, #tpu.memory_space<vmem>>
        %dma_start3A_520 = tpu.memref_squeeze %dma_start3A_519 : memref<1x80xi32, #tpu.memory_space<vmem>> -> memref<80xi32, #tpu.memory_space<vmem>>
        %dma_start3A_521 = arith.constant 0 : i32
        %dma_start3A_522 = arith.constant 0 : i32
        %dma_start3A_523 = tpu.memref_slice %arg21[%dma_start3A_521, %dma_start3A_522] : memref<100352x8xf32, #tpu.memory_space<vmem_shared>> -> memref<100352x8xf32, #tpu.memory_space<vmem_shared>>
        tpu.enqueue_indirect_dma source(%dma_start3A_517 : memref<80x8xf32, #tpu.memory_space<vmem>>) target(%dma_start3A_523 : memref<100352x8xf32, #tpu.memory_space<vmem_shared>>) offsets(%dma_start3A_520 : memref<80xi32, #tpu.memory_space<vmem>>) semaphore(%run_scoped3A_514 : memref<!tpu.dma_semaphore, #tpu.memory_space<semaphore_mem>>) {add = true}
        %dma_wait3A_524 = arith.constant 640 : i32
        %dma_wait3A_525 = arith.constant 0 : i32
        %dma_wait3A_526 = tpu.memref_slice %arg18[%dma_wait3A_524, %dma_wait3A_525] : memref<2000x8xf32, #tpu.memory_space<vmem>> -> memref<80x8xf32, #tpu.memory_space<vmem>>
        %dma_wait3A_527 = arith.constant 0 : i32
        %dma_wait3A_528 = tpu.memref_slice %arg13[%run_scoped3A_497, %dma_wait3A_527] : memref<25x80xi32, #tpu.memory_space<vmem>> -> memref<1x80xi32, #tpu.memory_space<vmem>>
        %dma_wait3A_529 = tpu.memref_squeeze %dma_wait3A_528 : memref<1x80xi32, #tpu.memory_space<vmem>> -> memref<80xi32, #tpu.memory_space<vmem>>
        %dma_wait3A_530 = arith.constant 0 : i32
        %dma_wait3A_531 = arith.constant 0 : i32
        %dma_wait3A_532 = tpu.memref_slice %arg21[%dma_wait3A_530, %dma_wait3A_531] : memref<100352x8xf32, #tpu.memory_space<vmem_shared>> -> memref<100352x8xf32, #tpu.memory_space<vmem_shared>>
        tpu.wait_indirect_dma semaphore(%run_scoped3A_514 : memref<!tpu.dma_semaphore, #tpu.memory_space<semaphore_mem>>) src(%dma_wait3A_526 : memref<80x8xf32, #tpu.memory_space<vmem>>) dst(%dma_wait3A_532 : memref<100352x8xf32, #tpu.memory_space<vmem_shared>>)
        tpu.yield
      }) : () -> ()
      %run_scoped3A_498 = arith.constant 9 : i32
      "tpu.region"() ({
        %run_scoped3A_514 = tpu.sem_alloc : memref<!tpu.dma_semaphore, #tpu.memory_space<semaphore_mem>>
        %dma_start3A_515 = arith.constant 720 : i32
        %dma_start3A_516 = arith.constant 0 : i32
        %dma_start3A_517 = tpu.memref_slice %arg18[%dma_start3A_515, %dma_start3A_516] : memref<2000x8xf32, #tpu.memory_space<vmem>> -> memref<80x8xf32, #tpu.memory_space<vmem>>
        %dma_start3A_518 = arith.constant 0 : i32
        %dma_start3A_519 = tpu.memref_slice %arg13[%run_scoped3A_498, %dma_start3A_518] : memref<25x80xi32, #tpu.memory_space<vmem>> -> memref<1x80xi32, #tpu.memory_space<vmem>>
        %dma_start3A_520 = tpu.memref_squeeze %dma_start3A_519 : memref<1x80xi32, #tpu.memory_space<vmem>> -> memref<80xi32, #tpu.memory_space<vmem>>
        %dma_start3A_521 = arith.constant 0 : i32
        %dma_start3A_522 = arith.constant 0 : i32
        %dma_start3A_523 = tpu.memref_slice %arg21[%dma_start3A_521, %dma_start3A_522] : memref<100352x8xf32, #tpu.memory_space<vmem_shared>> -> memref<100352x8xf32, #tpu.memory_space<vmem_shared>>
        tpu.enqueue_indirect_dma source(%dma_start3A_517 : memref<80x8xf32, #tpu.memory_space<vmem>>) target(%dma_start3A_523 : memref<100352x8xf32, #tpu.memory_space<vmem_shared>>) offsets(%dma_start3A_520 : memref<80xi32, #tpu.memory_space<vmem>>) semaphore(%run_scoped3A_514 : memref<!tpu.dma_semaphore, #tpu.memory_space<semaphore_mem>>) {add = true}
        %dma_wait3A_524 = arith.constant 720 : i32
        %dma_wait3A_525 = arith.constant 0 : i32
        %dma_wait3A_526 = tpu.memref_slice %arg18[%dma_wait3A_524, %dma_wait3A_525] : memref<2000x8xf32, #tpu.memory_space<vmem>> -> memref<80x8xf32, #tpu.memory_space<vmem>>
        %dma_wait3A_527 = arith.constant 0 : i32
        %dma_wait3A_528 = tpu.memref_slice %arg13[%run_scoped3A_498, %dma_wait3A_527] : memref<25x80xi32, #tpu.memory_space<vmem>> -> memref<1x80xi32, #tpu.memory_space<vmem>>
        %dma_wait3A_529 = tpu.memref_squeeze %dma_wait3A_528 : memref<1x80xi32, #tpu.memory_space<vmem>> -> memref<80xi32, #tpu.memory_space<vmem>>
        %dma_wait3A_530 = arith.constant 0 : i32
        %dma_wait3A_531 = arith.constant 0 : i32
        %dma_wait3A_532 = tpu.memref_slice %arg21[%dma_wait3A_530, %dma_wait3A_531] : memref<100352x8xf32, #tpu.memory_space<vmem_shared>> -> memref<100352x8xf32, #tpu.memory_space<vmem_shared>>
        tpu.wait_indirect_dma semaphore(%run_scoped3A_514 : memref<!tpu.dma_semaphore, #tpu.memory_space<semaphore_mem>>) src(%dma_wait3A_526 : memref<80x8xf32, #tpu.memory_space<vmem>>) dst(%dma_wait3A_532 : memref<100352x8xf32, #tpu.memory_space<vmem_shared>>)
        tpu.yield
      }) : () -> ()
      %run_scoped3A_499 = arith.constant 10 : i32
      "tpu.region"() ({
        %run_scoped3A_514 = tpu.sem_alloc : memref<!tpu.dma_semaphore, #tpu.memory_space<semaphore_mem>>
        %dma_start3A_515 = arith.constant 800 : i32
        %dma_start3A_516 = arith.constant 0 : i32
        %dma_start3A_517 = tpu.memref_slice %arg18[%dma_start3A_515, %dma_start3A_516] : memref<2000x8xf32, #tpu.memory_space<vmem>> -> memref<80x8xf32, #tpu.memory_space<vmem>>
        %dma_start3A_518 = arith.constant 0 : i32
        %dma_start3A_519 = tpu.memref_slice %arg13[%run_scoped3A_499, %dma_start3A_518] : memref<25x80xi32, #tpu.memory_space<vmem>> -> memref<1x80xi32, #tpu.memory_space<vmem>>
        %dma_start3A_520 = tpu.memref_squeeze %dma_start3A_519 : memref<1x80xi32, #tpu.memory_space<vmem>> -> memref<80xi32, #tpu.memory_space<vmem>>
        %dma_start3A_521 = arith.constant 0 : i32
        %dma_start3A_522 = arith.constant 0 : i32
        %dma_start3A_523 = tpu.memref_slice %arg21[%dma_start3A_521, %dma_start3A_522] : memref<100352x8xf32, #tpu.memory_space<vmem_shared>> -> memref<100352x8xf32, #tpu.memory_space<vmem_shared>>
        tpu.enqueue_indirect_dma source(%dma_start3A_517 : memref<80x8xf32, #tpu.memory_space<vmem>>) target(%dma_start3A_523 : memref<100352x8xf32, #tpu.memory_space<vmem_shared>>) offsets(%dma_start3A_520 : memref<80xi32, #tpu.memory_space<vmem>>) semaphore(%run_scoped3A_514 : memref<!tpu.dma_semaphore, #tpu.memory_space<semaphore_mem>>) {add = true}
        %dma_wait3A_524 = arith.constant 800 : i32
        %dma_wait3A_525 = arith.constant 0 : i32
        %dma_wait3A_526 = tpu.memref_slice %arg18[%dma_wait3A_524, %dma_wait3A_525] : memref<2000x8xf32, #tpu.memory_space<vmem>> -> memref<80x8xf32, #tpu.memory_space<vmem>>
        %dma_wait3A_527 = arith.constant 0 : i32
        %dma_wait3A_528 = tpu.memref_slice %arg13[%run_scoped3A_499, %dma_wait3A_527] : memref<25x80xi32, #tpu.memory_space<vmem>> -> memref<1x80xi32, #tpu.memory_space<vmem>>
        %dma_wait3A_529 = tpu.memref_squeeze %dma_wait3A_528 : memref<1x80xi32, #tpu.memory_space<vmem>> -> memref<80xi32, #tpu.memory_space<vmem>>
        %dma_wait3A_530 = arith.constant 0 : i32
        %dma_wait3A_531 = arith.constant 0 : i32
        %dma_wait3A_532 = tpu.memref_slice %arg21[%dma_wait3A_530, %dma_wait3A_531] : memref<100352x8xf32, #tpu.memory_space<vmem_shared>> -> memref<100352x8xf32, #tpu.memory_space<vmem_shared>>
        tpu.wait_indirect_dma semaphore(%run_scoped3A_514 : memref<!tpu.dma_semaphore, #tpu.memory_space<semaphore_mem>>) src(%dma_wait3A_526 : memref<80x8xf32, #tpu.memory_space<vmem>>) dst(%dma_wait3A_532 : memref<100352x8xf32, #tpu.memory_space<vmem_shared>>)
        tpu.yield
      }) : () -> ()
      %run_scoped3A_500 = arith.constant 11 : i32
      "tpu.region"() ({
        %run_scoped3A_514 = tpu.sem_alloc : memref<!tpu.dma_semaphore, #tpu.memory_space<semaphore_mem>>
        %dma_start3A_515 = arith.constant 880 : i32
        %dma_start3A_516 = arith.constant 0 : i32
        %dma_start3A_517 = tpu.memref_slice %arg18[%dma_start3A_515, %dma_start3A_516] : memref<2000x8xf32, #tpu.memory_space<vmem>> -> memref<80x8xf32, #tpu.memory_space<vmem>>
        %dma_start3A_518 = arith.constant 0 : i32
        %dma_start3A_519 = tpu.memref_slice %arg13[%run_scoped3A_500, %dma_start3A_518] : memref<25x80xi32, #tpu.memory_space<vmem>> -> memref<1x80xi32, #tpu.memory_space<vmem>>
        %dma_start3A_520 = tpu.memref_squeeze %dma_start3A_519 : memref<1x80xi32, #tpu.memory_space<vmem>> -> memref<80xi32, #tpu.memory_space<vmem>>
        %dma_start3A_521 = arith.constant 0 : i32
        %dma_start3A_522 = arith.constant 0 : i32
        %dma_start3A_523 = tpu.memref_slice %arg21[%dma_start3A_521, %dma_start3A_522] : memref<100352x8xf32, #tpu.memory_space<vmem_shared>> -> memref<100352x8xf32, #tpu.memory_space<vmem_shared>>
        tpu.enqueue_indirect_dma source(%dma_start3A_517 : memref<80x8xf32, #tpu.memory_space<vmem>>) target(%dma_start3A_523 : memref<100352x8xf32, #tpu.memory_space<vmem_shared>>) offsets(%dma_start3A_520 : memref<80xi32, #tpu.memory_space<vmem>>) semaphore(%run_scoped3A_514 : memref<!tpu.dma_semaphore, #tpu.memory_space<semaphore_mem>>) {add = true}
        %dma_wait3A_524 = arith.constant 880 : i32
        %dma_wait3A_525 = arith.constant 0 : i32
        %dma_wait3A_526 = tpu.memref_slice %arg18[%dma_wait3A_524, %dma_wait3A_525] : memref<2000x8xf32, #tpu.memory_space<vmem>> -> memref<80x8xf32, #tpu.memory_space<vmem>>
        %dma_wait3A_527 = arith.constant 0 : i32
        %dma_wait3A_528 = tpu.memref_slice %arg13[%run_scoped3A_500, %dma_wait3A_527] : memref<25x80xi32, #tpu.memory_space<vmem>> -> memref<1x80xi32, #tpu.memory_space<vmem>>
        %dma_wait3A_529 = tpu.memref_squeeze %dma_wait3A_528 : memref<1x80xi32, #tpu.memory_space<vmem>> -> memref<80xi32, #tpu.memory_space<vmem>>
        %dma_wait3A_530 = arith.constant 0 : i32
        %dma_wait3A_531 = arith.constant 0 : i32
        %dma_wait3A_532 = tpu.memref_slice %arg21[%dma_wait3A_530, %dma_wait3A_531] : memref<100352x8xf32, #tpu.memory_space<vmem_shared>> -> memref<100352x8xf32, #tpu.memory_space<vmem_shared>>
        tpu.wait_indirect_dma semaphore(%run_scoped3A_514 : memref<!tpu.dma_semaphore, #tpu.memory_space<semaphore_mem>>) src(%dma_wait3A_526 : memref<80x8xf32, #tpu.memory_space<vmem>>) dst(%dma_wait3A_532 : memref<100352x8xf32, #tpu.memory_space<vmem_shared>>)
        tpu.yield
      }) : () -> ()
      %run_scoped3A_501 = arith.constant 12 : i32
      "tpu.region"() ({
        %run_scoped3A_514 = tpu.sem_alloc : memref<!tpu.dma_semaphore, #tpu.memory_space<semaphore_mem>>
        %dma_start3A_515 = arith.constant 960 : i32
        %dma_start3A_516 = arith.constant 0 : i32
        %dma_start3A_517 = tpu.memref_slice %arg18[%dma_start3A_515, %dma_start3A_516] : memref<2000x8xf32, #tpu.memory_space<vmem>> -> memref<80x8xf32, #tpu.memory_space<vmem>>
        %dma_start3A_518 = arith.constant 0 : i32
        %dma_start3A_519 = tpu.memref_slice %arg13[%run_scoped3A_501, %dma_start3A_518] : memref<25x80xi32, #tpu.memory_space<vmem>> -> memref<1x80xi32, #tpu.memory_space<vmem>>
        %dma_start3A_520 = tpu.memref_squeeze %dma_start3A_519 : memref<1x80xi32, #tpu.memory_space<vmem>> -> memref<80xi32, #tpu.memory_space<vmem>>
        %dma_start3A_521 = arith.constant 0 : i32
        %dma_start3A_522 = arith.constant 0 : i32
        %dma_start3A_523 = tpu.memref_slice %arg21[%dma_start3A_521, %dma_start3A_522] : memref<100352x8xf32, #tpu.memory_space<vmem_shared>> -> memref<100352x8xf32, #tpu.memory_space<vmem_shared>>
        tpu.enqueue_indirect_dma source(%dma_start3A_517 : memref<80x8xf32, #tpu.memory_space<vmem>>) target(%dma_start3A_523 : memref<100352x8xf32, #tpu.memory_space<vmem_shared>>) offsets(%dma_start3A_520 : memref<80xi32, #tpu.memory_space<vmem>>) semaphore(%run_scoped3A_514 : memref<!tpu.dma_semaphore, #tpu.memory_space<semaphore_mem>>) {add = true}
        %dma_wait3A_524 = arith.constant 960 : i32
        %dma_wait3A_525 = arith.constant 0 : i32
        %dma_wait3A_526 = tpu.memref_slice %arg18[%dma_wait3A_524, %dma_wait3A_525] : memref<2000x8xf32, #tpu.memory_space<vmem>> -> memref<80x8xf32, #tpu.memory_space<vmem>>
        %dma_wait3A_527 = arith.constant 0 : i32
        %dma_wait3A_528 = tpu.memref_slice %arg13[%run_scoped3A_501, %dma_wait3A_527] : memref<25x80xi32, #tpu.memory_space<vmem>> -> memref<1x80xi32, #tpu.memory_space<vmem>>
        %dma_wait3A_529 = tpu.memref_squeeze %dma_wait3A_528 : memref<1x80xi32, #tpu.memory_space<vmem>> -> memref<80xi32, #tpu.memory_space<vmem>>
        %dma_wait3A_530 = arith.constant 0 : i32
        %dma_wait3A_531 = arith.constant 0 : i32
        %dma_wait3A_532 = tpu.memref_slice %arg21[%dma_wait3A_530, %dma_wait3A_531] : memref<100352x8xf32, #tpu.memory_space<vmem_shared>> -> memref<100352x8xf32, #tpu.memory_space<vmem_shared>>
        tpu.wait_indirect_dma semaphore(%run_scoped3A_514 : memref<!tpu.dma_semaphore, #tpu.memory_space<semaphore_mem>>) src(%dma_wait3A_526 : memref<80x8xf32, #tpu.memory_space<vmem>>) dst(%dma_wait3A_532 : memref<100352x8xf32, #tpu.memory_space<vmem_shared>>)
        tpu.yield
      }) : () -> ()
      %run_scoped3A_502 = arith.constant 13 : i32
      "tpu.region"() ({
        %run_scoped3A_514 = tpu.sem_alloc : memref<!tpu.dma_semaphore, #tpu.memory_space<semaphore_mem>>
        %dma_start3A_515 = arith.constant 1040 : i32
        %dma_start3A_516 = arith.constant 0 : i32
        %dma_start3A_517 = tpu.memref_slice %arg18[%dma_start3A_515, %dma_start3A_516] : memref<2000x8xf32, #tpu.memory_space<vmem>> -> memref<80x8xf32, #tpu.memory_space<vmem>>
        %dma_start3A_518 = arith.constant 0 : i32
        %dma_start3A_519 = tpu.memref_slice %arg13[%run_scoped3A_502, %dma_start3A_518] : memref<25x80xi32, #tpu.memory_space<vmem>> -> memref<1x80xi32, #tpu.memory_space<vmem>>
        %dma_start3A_520 = tpu.memref_squeeze %dma_start3A_519 : memref<1x80xi32, #tpu.memory_space<vmem>> -> memref<80xi32, #tpu.memory_space<vmem>>
        %dma_start3A_521 = arith.constant 0 : i32
        %dma_start3A_522 = arith.constant 0 : i32
        %dma_start3A_523 = tpu.memref_slice %arg21[%dma_start3A_521, %dma_start3A_522] : memref<100352x8xf32, #tpu.memory_space<vmem_shared>> -> memref<100352x8xf32, #tpu.memory_space<vmem_shared>>
        tpu.enqueue_indirect_dma source(%dma_start3A_517 : memref<80x8xf32, #tpu.memory_space<vmem>>) target(%dma_start3A_523 : memref<100352x8xf32, #tpu.memory_space<vmem_shared>>) offsets(%dma_start3A_520 : memref<80xi32, #tpu.memory_space<vmem>>) semaphore(%run_scoped3A_514 : memref<!tpu.dma_semaphore, #tpu.memory_space<semaphore_mem>>) {add = true}
        %dma_wait3A_524 = arith.constant 1040 : i32
        %dma_wait3A_525 = arith.constant 0 : i32
        %dma_wait3A_526 = tpu.memref_slice %arg18[%dma_wait3A_524, %dma_wait3A_525] : memref<2000x8xf32, #tpu.memory_space<vmem>> -> memref<80x8xf32, #tpu.memory_space<vmem>>
        %dma_wait3A_527 = arith.constant 0 : i32
        %dma_wait3A_528 = tpu.memref_slice %arg13[%run_scoped3A_502, %dma_wait3A_527] : memref<25x80xi32, #tpu.memory_space<vmem>> -> memref<1x80xi32, #tpu.memory_space<vmem>>
        %dma_wait3A_529 = tpu.memref_squeeze %dma_wait3A_528 : memref<1x80xi32, #tpu.memory_space<vmem>> -> memref<80xi32, #tpu.memory_space<vmem>>
        %dma_wait3A_530 = arith.constant 0 : i32
        %dma_wait3A_531 = arith.constant 0 : i32
        %dma_wait3A_532 = tpu.memref_slice %arg21[%dma_wait3A_530, %dma_wait3A_531] : memref<100352x8xf32, #tpu.memory_space<vmem_shared>> -> memref<100352x8xf32, #tpu.memory_space<vmem_shared>>
        tpu.wait_indirect_dma semaphore(%run_scoped3A_514 : memref<!tpu.dma_semaphore, #tpu.memory_space<semaphore_mem>>) src(%dma_wait3A_526 : memref<80x8xf32, #tpu.memory_space<vmem>>) dst(%dma_wait3A_532 : memref<100352x8xf32, #tpu.memory_space<vmem_shared>>)
        tpu.yield
      }) : () -> ()
      %run_scoped3A_503 = arith.constant 14 : i32
      "tpu.region"() ({
        %run_scoped3A_514 = tpu.sem_alloc : memref<!tpu.dma_semaphore, #tpu.memory_space<semaphore_mem>>
        %dma_start3A_515 = arith.constant 1120 : i32
        %dma_start3A_516 = arith.constant 0 : i32
        %dma_start3A_517 = tpu.memref_slice %arg18[%dma_start3A_515, %dma_start3A_516] : memref<2000x8xf32, #tpu.memory_space<vmem>> -> memref<80x8xf32, #tpu.memory_space<vmem>>
        %dma_start3A_518 = arith.constant 0 : i32
        %dma_start3A_519 = tpu.memref_slice %arg13[%run_scoped3A_503, %dma_start3A_518] : memref<25x80xi32, #tpu.memory_space<vmem>> -> memref<1x80xi32, #tpu.memory_space<vmem>>
        %dma_start3A_520 = tpu.memref_squeeze %dma_start3A_519 : memref<1x80xi32, #tpu.memory_space<vmem>> -> memref<80xi32, #tpu.memory_space<vmem>>
        %dma_start3A_521 = arith.constant 0 : i32
        %dma_start3A_522 = arith.constant 0 : i32
        %dma_start3A_523 = tpu.memref_slice %arg21[%dma_start3A_521, %dma_start3A_522] : memref<100352x8xf32, #tpu.memory_space<vmem_shared>> -> memref<100352x8xf32, #tpu.memory_space<vmem_shared>>
        tpu.enqueue_indirect_dma source(%dma_start3A_517 : memref<80x8xf32, #tpu.memory_space<vmem>>) target(%dma_start3A_523 : memref<100352x8xf32, #tpu.memory_space<vmem_shared>>) offsets(%dma_start3A_520 : memref<80xi32, #tpu.memory_space<vmem>>) semaphore(%run_scoped3A_514 : memref<!tpu.dma_semaphore, #tpu.memory_space<semaphore_mem>>) {add = true}
        %dma_wait3A_524 = arith.constant 1120 : i32
        %dma_wait3A_525 = arith.constant 0 : i32
        %dma_wait3A_526 = tpu.memref_slice %arg18[%dma_wait3A_524, %dma_wait3A_525] : memref<2000x8xf32, #tpu.memory_space<vmem>> -> memref<80x8xf32, #tpu.memory_space<vmem>>
        %dma_wait3A_527 = arith.constant 0 : i32
        %dma_wait3A_528 = tpu.memref_slice %arg13[%run_scoped3A_503, %dma_wait3A_527] : memref<25x80xi32, #tpu.memory_space<vmem>> -> memref<1x80xi32, #tpu.memory_space<vmem>>
        %dma_wait3A_529 = tpu.memref_squeeze %dma_wait3A_528 : memref<1x80xi32, #tpu.memory_space<vmem>> -> memref<80xi32, #tpu.memory_space<vmem>>
        %dma_wait3A_530 = arith.constant 0 : i32
        %dma_wait3A_531 = arith.constant 0 : i32
        %dma_wait3A_532 = tpu.memref_slice %arg21[%dma_wait3A_530, %dma_wait3A_531] : memref<100352x8xf32, #tpu.memory_space<vmem_shared>> -> memref<100352x8xf32, #tpu.memory_space<vmem_shared>>
        tpu.wait_indirect_dma semaphore(%run_scoped3A_514 : memref<!tpu.dma_semaphore, #tpu.memory_space<semaphore_mem>>) src(%dma_wait3A_526 : memref<80x8xf32, #tpu.memory_space<vmem>>) dst(%dma_wait3A_532 : memref<100352x8xf32, #tpu.memory_space<vmem_shared>>)
        tpu.yield
      }) : () -> ()
      %run_scoped3A_504 = arith.constant 15 : i32
      "tpu.region"() ({
        %run_scoped3A_514 = tpu.sem_alloc : memref<!tpu.dma_semaphore, #tpu.memory_space<semaphore_mem>>
        %dma_start3A_515 = arith.constant 1200 : i32
        %dma_start3A_516 = arith.constant 0 : i32
        %dma_start3A_517 = tpu.memref_slice %arg18[%dma_start3A_515, %dma_start3A_516] : memref<2000x8xf32, #tpu.memory_space<vmem>> -> memref<80x8xf32, #tpu.memory_space<vmem>>
        %dma_start3A_518 = arith.constant 0 : i32
        %dma_start3A_519 = tpu.memref_slice %arg13[%run_scoped3A_504, %dma_start3A_518] : memref<25x80xi32, #tpu.memory_space<vmem>> -> memref<1x80xi32, #tpu.memory_space<vmem>>
        %dma_start3A_520 = tpu.memref_squeeze %dma_start3A_519 : memref<1x80xi32, #tpu.memory_space<vmem>> -> memref<80xi32, #tpu.memory_space<vmem>>
        %dma_start3A_521 = arith.constant 0 : i32
        %dma_start3A_522 = arith.constant 0 : i32
        %dma_start3A_523 = tpu.memref_slice %arg21[%dma_start3A_521, %dma_start3A_522] : memref<100352x8xf32, #tpu.memory_space<vmem_shared>> -> memref<100352x8xf32, #tpu.memory_space<vmem_shared>>
        tpu.enqueue_indirect_dma source(%dma_start3A_517 : memref<80x8xf32, #tpu.memory_space<vmem>>) target(%dma_start3A_523 : memref<100352x8xf32, #tpu.memory_space<vmem_shared>>) offsets(%dma_start3A_520 : memref<80xi32, #tpu.memory_space<vmem>>) semaphore(%run_scoped3A_514 : memref<!tpu.dma_semaphore, #tpu.memory_space<semaphore_mem>>) {add = true}
        %dma_wait3A_524 = arith.constant 1200 : i32
        %dma_wait3A_525 = arith.constant 0 : i32
        %dma_wait3A_526 = tpu.memref_slice %arg18[%dma_wait3A_524, %dma_wait3A_525] : memref<2000x8xf32, #tpu.memory_space<vmem>> -> memref<80x8xf32, #tpu.memory_space<vmem>>
        %dma_wait3A_527 = arith.constant 0 : i32
        %dma_wait3A_528 = tpu.memref_slice %arg13[%run_scoped3A_504, %dma_wait3A_527] : memref<25x80xi32, #tpu.memory_space<vmem>> -> memref<1x80xi32, #tpu.memory_space<vmem>>
        %dma_wait3A_529 = tpu.memref_squeeze %dma_wait3A_528 : memref<1x80xi32, #tpu.memory_space<vmem>> -> memref<80xi32, #tpu.memory_space<vmem>>
        %dma_wait3A_530 = arith.constant 0 : i32
        %dma_wait3A_531 = arith.constant 0 : i32
        %dma_wait3A_532 = tpu.memref_slice %arg21[%dma_wait3A_530, %dma_wait3A_531] : memref<100352x8xf32, #tpu.memory_space<vmem_shared>> -> memref<100352x8xf32, #tpu.memory_space<vmem_shared>>
        tpu.wait_indirect_dma semaphore(%run_scoped3A_514 : memref<!tpu.dma_semaphore, #tpu.memory_space<semaphore_mem>>) src(%dma_wait3A_526 : memref<80x8xf32, #tpu.memory_space<vmem>>) dst(%dma_wait3A_532 : memref<100352x8xf32, #tpu.memory_space<vmem_shared>>)
        tpu.yield
      }) : () -> ()
      %run_scoped3A_505 = arith.constant 16 : i32
      "tpu.region"() ({
        %run_scoped3A_514 = tpu.sem_alloc : memref<!tpu.dma_semaphore, #tpu.memory_space<semaphore_mem>>
        %dma_start3A_515 = arith.constant 1280 : i32
        %dma_start3A_516 = arith.constant 0 : i32
        %dma_start3A_517 = tpu.memref_slice %arg18[%dma_start3A_515, %dma_start3A_516] : memref<2000x8xf32, #tpu.memory_space<vmem>> -> memref<80x8xf32, #tpu.memory_space<vmem>>
        %dma_start3A_518 = arith.constant 0 : i32
        %dma_start3A_519 = tpu.memref_slice %arg13[%run_scoped3A_505, %dma_start3A_518] : memref<25x80xi32, #tpu.memory_space<vmem>> -> memref<1x80xi32, #tpu.memory_space<vmem>>
        %dma_start3A_520 = tpu.memref_squeeze %dma_start3A_519 : memref<1x80xi32, #tpu.memory_space<vmem>> -> memref<80xi32, #tpu.memory_space<vmem>>
        %dma_start3A_521 = arith.constant 0 : i32
        %dma_start3A_522 = arith.constant 0 : i32
        %dma_start3A_523 = tpu.memref_slice %arg21[%dma_start3A_521, %dma_start3A_522] : memref<100352x8xf32, #tpu.memory_space<vmem_shared>> -> memref<100352x8xf32, #tpu.memory_space<vmem_shared>>
        tpu.enqueue_indirect_dma source(%dma_start3A_517 : memref<80x8xf32, #tpu.memory_space<vmem>>) target(%dma_start3A_523 : memref<100352x8xf32, #tpu.memory_space<vmem_shared>>) offsets(%dma_start3A_520 : memref<80xi32, #tpu.memory_space<vmem>>) semaphore(%run_scoped3A_514 : memref<!tpu.dma_semaphore, #tpu.memory_space<semaphore_mem>>) {add = true}
        %dma_wait3A_524 = arith.constant 1280 : i32
        %dma_wait3A_525 = arith.constant 0 : i32
        %dma_wait3A_526 = tpu.memref_slice %arg18[%dma_wait3A_524, %dma_wait3A_525] : memref<2000x8xf32, #tpu.memory_space<vmem>> -> memref<80x8xf32, #tpu.memory_space<vmem>>
        %dma_wait3A_527 = arith.constant 0 : i32
        %dma_wait3A_528 = tpu.memref_slice %arg13[%run_scoped3A_505, %dma_wait3A_527] : memref<25x80xi32, #tpu.memory_space<vmem>> -> memref<1x80xi32, #tpu.memory_space<vmem>>
        %dma_wait3A_529 = tpu.memref_squeeze %dma_wait3A_528 : memref<1x80xi32, #tpu.memory_space<vmem>> -> memref<80xi32, #tpu.memory_space<vmem>>
        %dma_wait3A_530 = arith.constant 0 : i32
        %dma_wait3A_531 = arith.constant 0 : i32
        %dma_wait3A_532 = tpu.memref_slice %arg21[%dma_wait3A_530, %dma_wait3A_531] : memref<100352x8xf32, #tpu.memory_space<vmem_shared>> -> memref<100352x8xf32, #tpu.memory_space<vmem_shared>>
        tpu.wait_indirect_dma semaphore(%run_scoped3A_514 : memref<!tpu.dma_semaphore, #tpu.memory_space<semaphore_mem>>) src(%dma_wait3A_526 : memref<80x8xf32, #tpu.memory_space<vmem>>) dst(%dma_wait3A_532 : memref<100352x8xf32, #tpu.memory_space<vmem_shared>>)
        tpu.yield
      }) : () -> ()
      %run_scoped3A_506 = arith.constant 17 : i32
      "tpu.region"() ({
        %run_scoped3A_514 = tpu.sem_alloc : memref<!tpu.dma_semaphore, #tpu.memory_space<semaphore_mem>>
        %dma_start3A_515 = arith.constant 1360 : i32
        %dma_start3A_516 = arith.constant 0 : i32
        %dma_start3A_517 = tpu.memref_slice %arg18[%dma_start3A_515, %dma_start3A_516] : memref<2000x8xf32, #tpu.memory_space<vmem>> -> memref<80x8xf32, #tpu.memory_space<vmem>>
        %dma_start3A_518 = arith.constant 0 : i32
        %dma_start3A_519 = tpu.memref_slice %arg13[%run_scoped3A_506, %dma_start3A_518] : memref<25x80xi32, #tpu.memory_space<vmem>> -> memref<1x80xi32, #tpu.memory_space<vmem>>
        %dma_start3A_520 = tpu.memref_squeeze %dma_start3A_519 : memref<1x80xi32, #tpu.memory_space<vmem>> -> memref<80xi32, #tpu.memory_space<vmem>>
        %dma_start3A_521 = arith.constant 0 : i32
        %dma_start3A_522 = arith.constant 0 : i32
        %dma_start3A_523 = tpu.memref_slice %arg21[%dma_start3A_521, %dma_start3A_522] : memref<100352x8xf32, #tpu.memory_space<vmem_shared>> -> memref<100352x8xf32, #tpu.memory_space<vmem_shared>>
        tpu.enqueue_indirect_dma source(%dma_start3A_517 : memref<80x8xf32, #tpu.memory_space<vmem>>) target(%dma_start3A_523 : memref<100352x8xf32, #tpu.memory_space<vmem_shared>>) offsets(%dma_start3A_520 : memref<80xi32, #tpu.memory_space<vmem>>) semaphore(%run_scoped3A_514 : memref<!tpu.dma_semaphore, #tpu.memory_space<semaphore_mem>>) {add = true}
        %dma_wait3A_524 = arith.constant 1360 : i32
        %dma_wait3A_525 = arith.constant 0 : i32
        %dma_wait3A_526 = tpu.memref_slice %arg18[%dma_wait3A_524, %dma_wait3A_525] : memref<2000x8xf32, #tpu.memory_space<vmem>> -> memref<80x8xf32, #tpu.memory_space<vmem>>
        %dma_wait3A_527 = arith.constant 0 : i32
        %dma_wait3A_528 = tpu.memref_slice %arg13[%run_scoped3A_506, %dma_wait3A_527] : memref<25x80xi32, #tpu.memory_space<vmem>> -> memref<1x80xi32, #tpu.memory_space<vmem>>
        %dma_wait3A_529 = tpu.memref_squeeze %dma_wait3A_528 : memref<1x80xi32, #tpu.memory_space<vmem>> -> memref<80xi32, #tpu.memory_space<vmem>>
        %dma_wait3A_530 = arith.constant 0 : i32
        %dma_wait3A_531 = arith.constant 0 : i32
        %dma_wait3A_532 = tpu.memref_slice %arg21[%dma_wait3A_530, %dma_wait3A_531] : memref<100352x8xf32, #tpu.memory_space<vmem_shared>> -> memref<100352x8xf32, #tpu.memory_space<vmem_shared>>
        tpu.wait_indirect_dma semaphore(%run_scoped3A_514 : memref<!tpu.dma_semaphore, #tpu.memory_space<semaphore_mem>>) src(%dma_wait3A_526 : memref<80x8xf32, #tpu.memory_space<vmem>>) dst(%dma_wait3A_532 : memref<100352x8xf32, #tpu.memory_space<vmem_shared>>)
        tpu.yield
      }) : () -> ()
      %run_scoped3A_507 = arith.constant 18 : i32
      "tpu.region"() ({
        %run_scoped3A_514 = tpu.sem_alloc : memref<!tpu.dma_semaphore, #tpu.memory_space<semaphore_mem>>
        %dma_start3A_515 = arith.constant 1440 : i32
        %dma_start3A_516 = arith.constant 0 : i32
        %dma_start3A_517 = tpu.memref_slice %arg18[%dma_start3A_515, %dma_start3A_516] : memref<2000x8xf32, #tpu.memory_space<vmem>> -> memref<80x8xf32, #tpu.memory_space<vmem>>
        %dma_start3A_518 = arith.constant 0 : i32
        %dma_start3A_519 = tpu.memref_slice %arg13[%run_scoped3A_507, %dma_start3A_518] : memref<25x80xi32, #tpu.memory_space<vmem>> -> memref<1x80xi32, #tpu.memory_space<vmem>>
        %dma_start3A_520 = tpu.memref_squeeze %dma_start3A_519 : memref<1x80xi32, #tpu.memory_space<vmem>> -> memref<80xi32, #tpu.memory_space<vmem>>
        %dma_start3A_521 = arith.constant 0 : i32
        %dma_start3A_522 = arith.constant 0 : i32
        %dma_start3A_523 = tpu.memref_slice %arg21[%dma_start3A_521, %dma_start3A_522] : memref<100352x8xf32, #tpu.memory_space<vmem_shared>> -> memref<100352x8xf32, #tpu.memory_space<vmem_shared>>
        tpu.enqueue_indirect_dma source(%dma_start3A_517 : memref<80x8xf32, #tpu.memory_space<vmem>>) target(%dma_start3A_523 : memref<100352x8xf32, #tpu.memory_space<vmem_shared>>) offsets(%dma_start3A_520 : memref<80xi32, #tpu.memory_space<vmem>>) semaphore(%run_scoped3A_514 : memref<!tpu.dma_semaphore, #tpu.memory_space<semaphore_mem>>) {add = true}
        %dma_wait3A_524 = arith.constant 1440 : i32
        %dma_wait3A_525 = arith.constant 0 : i32
        %dma_wait3A_526 = tpu.memref_slice %arg18[%dma_wait3A_524, %dma_wait3A_525] : memref<2000x8xf32, #tpu.memory_space<vmem>> -> memref<80x8xf32, #tpu.memory_space<vmem>>
        %dma_wait3A_527 = arith.constant 0 : i32
        %dma_wait3A_528 = tpu.memref_slice %arg13[%run_scoped3A_507, %dma_wait3A_527] : memref<25x80xi32, #tpu.memory_space<vmem>> -> memref<1x80xi32, #tpu.memory_space<vmem>>
        %dma_wait3A_529 = tpu.memref_squeeze %dma_wait3A_528 : memref<1x80xi32, #tpu.memory_space<vmem>> -> memref<80xi32, #tpu.memory_space<vmem>>
        %dma_wait3A_530 = arith.constant 0 : i32
        %dma_wait3A_531 = arith.constant 0 : i32
        %dma_wait3A_532 = tpu.memref_slice %arg21[%dma_wait3A_530, %dma_wait3A_531] : memref<100352x8xf32, #tpu.memory_space<vmem_shared>> -> memref<100352x8xf32, #tpu.memory_space<vmem_shared>>
        tpu.wait_indirect_dma semaphore(%run_scoped3A_514 : memref<!tpu.dma_semaphore, #tpu.memory_space<semaphore_mem>>) src(%dma_wait3A_526 : memref<80x8xf32, #tpu.memory_space<vmem>>) dst(%dma_wait3A_532 : memref<100352x8xf32, #tpu.memory_space<vmem_shared>>)
        tpu.yield
      }) : () -> ()
      %run_scoped3A_508 = arith.constant 19 : i32
      "tpu.region"() ({
        %run_scoped3A_514 = tpu.sem_alloc : memref<!tpu.dma_semaphore, #tpu.memory_space<semaphore_mem>>
        %dma_start3A_515 = arith.constant 1520 : i32
        %dma_start3A_516 = arith.constant 0 : i32
        %dma_start3A_517 = tpu.memref_slice %arg18[%dma_start3A_515, %dma_start3A_516] : memref<2000x8xf32, #tpu.memory_space<vmem>> -> memref<80x8xf32, #tpu.memory_space<vmem>>
        %dma_start3A_518 = arith.constant 0 : i32
        %dma_start3A_519 = tpu.memref_slice %arg13[%run_scoped3A_508, %dma_start3A_518] : memref<25x80xi32, #tpu.memory_space<vmem>> -> memref<1x80xi32, #tpu.memory_space<vmem>>
        %dma_start3A_520 = tpu.memref_squeeze %dma_start3A_519 : memref<1x80xi32, #tpu.memory_space<vmem>> -> memref<80xi32, #tpu.memory_space<vmem>>
        %dma_start3A_521 = arith.constant 0 : i32
        %dma_start3A_522 = arith.constant 0 : i32
        %dma_start3A_523 = tpu.memref_slice %arg21[%dma_start3A_521, %dma_start3A_522] : memref<100352x8xf32, #tpu.memory_space<vmem_shared>> -> memref<100352x8xf32, #tpu.memory_space<vmem_shared>>
        tpu.enqueue_indirect_dma source(%dma_start3A_517 : memref<80x8xf32, #tpu.memory_space<vmem>>) target(%dma_start3A_523 : memref<100352x8xf32, #tpu.memory_space<vmem_shared>>) offsets(%dma_start3A_520 : memref<80xi32, #tpu.memory_space<vmem>>) semaphore(%run_scoped3A_514 : memref<!tpu.dma_semaphore, #tpu.memory_space<semaphore_mem>>) {add = true}
        %dma_wait3A_524 = arith.constant 1520 : i32
        %dma_wait3A_525 = arith.constant 0 : i32
        %dma_wait3A_526 = tpu.memref_slice %arg18[%dma_wait3A_524, %dma_wait3A_525] : memref<2000x8xf32, #tpu.memory_space<vmem>> -> memref<80x8xf32, #tpu.memory_space<vmem>>
        %dma_wait3A_527 = arith.constant 0 : i32
        %dma_wait3A_528 = tpu.memref_slice %arg13[%run_scoped3A_508, %dma_wait3A_527] : memref<25x80xi32, #tpu.memory_space<vmem>> -> memref<1x80xi32, #tpu.memory_space<vmem>>
        %dma_wait3A_529 = tpu.memref_squeeze %dma_wait3A_528 : memref<1x80xi32, #tpu.memory_space<vmem>> -> memref<80xi32, #tpu.memory_space<vmem>>
        %dma_wait3A_530 = arith.constant 0 : i32
        %dma_wait3A_531 = arith.constant 0 : i32
        %dma_wait3A_532 = tpu.memref_slice %arg21[%dma_wait3A_530, %dma_wait3A_531] : memref<100352x8xf32, #tpu.memory_space<vmem_shared>> -> memref<100352x8xf32, #tpu.memory_space<vmem_shared>>
        tpu.wait_indirect_dma semaphore(%run_scoped3A_514 : memref<!tpu.dma_semaphore, #tpu.memory_space<semaphore_mem>>) src(%dma_wait3A_526 : memref<80x8xf32, #tpu.memory_space<vmem>>) dst(%dma_wait3A_532 : memref<100352x8xf32, #tpu.memory_space<vmem_shared>>)
        tpu.yield
      }) : () -> ()
      %run_scoped3A_509 = arith.constant 20 : i32
      "tpu.region"() ({
        %run_scoped3A_514 = tpu.sem_alloc : memref<!tpu.dma_semaphore, #tpu.memory_space<semaphore_mem>>
        %dma_start3A_515 = arith.constant 1600 : i32
        %dma_start3A_516 = arith.constant 0 : i32
        %dma_start3A_517 = tpu.memref_slice %arg18[%dma_start3A_515, %dma_start3A_516] : memref<2000x8xf32, #tpu.memory_space<vmem>> -> memref<80x8xf32, #tpu.memory_space<vmem>>
        %dma_start3A_518 = arith.constant 0 : i32
        %dma_start3A_519 = tpu.memref_slice %arg13[%run_scoped3A_509, %dma_start3A_518] : memref<25x80xi32, #tpu.memory_space<vmem>> -> memref<1x80xi32, #tpu.memory_space<vmem>>
        %dma_start3A_520 = tpu.memref_squeeze %dma_start3A_519 : memref<1x80xi32, #tpu.memory_space<vmem>> -> memref<80xi32, #tpu.memory_space<vmem>>
        %dma_start3A_521 = arith.constant 0 : i32
        %dma_start3A_522 = arith.constant 0 : i32
        %dma_start3A_523 = tpu.memref_slice %arg21[%dma_start3A_521, %dma_start3A_522] : memref<100352x8xf32, #tpu.memory_space<vmem_shared>> -> memref<100352x8xf32, #tpu.memory_space<vmem_shared>>
        tpu.enqueue_indirect_dma source(%dma_start3A_517 : memref<80x8xf32, #tpu.memory_space<vmem>>) target(%dma_start3A_523 : memref<100352x8xf32, #tpu.memory_space<vmem_shared>>) offsets(%dma_start3A_520 : memref<80xi32, #tpu.memory_space<vmem>>) semaphore(%run_scoped3A_514 : memref<!tpu.dma_semaphore, #tpu.memory_space<semaphore_mem>>) {add = true}
        %dma_wait3A_524 = arith.constant 1600 : i32
        %dma_wait3A_525 = arith.constant 0 : i32
        %dma_wait3A_526 = tpu.memref_slice %arg18[%dma_wait3A_524, %dma_wait3A_525] : memref<2000x8xf32, #tpu.memory_space<vmem>> -> memref<80x8xf32, #tpu.memory_space<vmem>>
        %dma_wait3A_527 = arith.constant 0 : i32
        %dma_wait3A_528 = tpu.memref_slice %arg13[%run_scoped3A_509, %dma_wait3A_527] : memref<25x80xi32, #tpu.memory_space<vmem>> -> memref<1x80xi32, #tpu.memory_space<vmem>>
        %dma_wait3A_529 = tpu.memref_squeeze %dma_wait3A_528 : memref<1x80xi32, #tpu.memory_space<vmem>> -> memref<80xi32, #tpu.memory_space<vmem>>
        %dma_wait3A_530 = arith.constant 0 : i32
        %dma_wait3A_531 = arith.constant 0 : i32
        %dma_wait3A_532 = tpu.memref_slice %arg21[%dma_wait3A_530, %dma_wait3A_531] : memref<100352x8xf32, #tpu.memory_space<vmem_shared>> -> memref<100352x8xf32, #tpu.memory_space<vmem_shared>>
        tpu.wait_indirect_dma semaphore(%run_scoped3A_514 : memref<!tpu.dma_semaphore, #tpu.memory_space<semaphore_mem>>) src(%dma_wait3A_526 : memref<80x8xf32, #tpu.memory_space<vmem>>) dst(%dma_wait3A_532 : memref<100352x8xf32, #tpu.memory_space<vmem_shared>>)
        tpu.yield
      }) : () -> ()
      %run_scoped3A_510 = arith.constant 21 : i32
      "tpu.region"() ({
        %run_scoped3A_514 = tpu.sem_alloc : memref<!tpu.dma_semaphore, #tpu.memory_space<semaphore_mem>>
        %dma_start3A_515 = arith.constant 1680 : i32
        %dma_start3A_516 = arith.constant 0 : i32
        %dma_start3A_517 = tpu.memref_slice %arg18[%dma_start3A_515, %dma_start3A_516] : memref<2000x8xf32, #tpu.memory_space<vmem>> -> memref<80x8xf32, #tpu.memory_space<vmem>>
        %dma_start3A_518 = arith.constant 0 : i32
        %dma_start3A_519 = tpu.memref_slice %arg13[%run_scoped3A_510, %dma_start3A_518] : memref<25x80xi32, #tpu.memory_space<vmem>> -> memref<1x80xi32, #tpu.memory_space<vmem>>
        %dma_start3A_520 = tpu.memref_squeeze %dma_start3A_519 : memref<1x80xi32, #tpu.memory_space<vmem>> -> memref<80xi32, #tpu.memory_space<vmem>>
        %dma_start3A_521 = arith.constant 0 : i32
        %dma_start3A_522 = arith.constant 0 : i32
        %dma_start3A_523 = tpu.memref_slice %arg21[%dma_start3A_521, %dma_start3A_522] : memref<100352x8xf32, #tpu.memory_space<vmem_shared>> -> memref<100352x8xf32, #tpu.memory_space<vmem_shared>>
        tpu.enqueue_indirect_dma source(%dma_start3A_517 : memref<80x8xf32, #tpu.memory_space<vmem>>) target(%dma_start3A_523 : memref<100352x8xf32, #tpu.memory_space<vmem_shared>>) offsets(%dma_start3A_520 : memref<80xi32, #tpu.memory_space<vmem>>) semaphore(%run_scoped3A_514 : memref<!tpu.dma_semaphore, #tpu.memory_space<semaphore_mem>>) {add = true}
        %dma_wait3A_524 = arith.constant 1680 : i32
        %dma_wait3A_525 = arith.constant 0 : i32
        %dma_wait3A_526 = tpu.memref_slice %arg18[%dma_wait3A_524, %dma_wait3A_525] : memref<2000x8xf32, #tpu.memory_space<vmem>> -> memref<80x8xf32, #tpu.memory_space<vmem>>
        %dma_wait3A_527 = arith.constant 0 : i32
        %dma_wait3A_528 = tpu.memref_slice %arg13[%run_scoped3A_510, %dma_wait3A_527] : memref<25x80xi32, #tpu.memory_space<vmem>> -> memref<1x80xi32, #tpu.memory_space<vmem>>
        %dma_wait3A_529 = tpu.memref_squeeze %dma_wait3A_528 : memref<1x80xi32, #tpu.memory_space<vmem>> -> memref<80xi32, #tpu.memory_space<vmem>>
        %dma_wait3A_530 = arith.constant 0 : i32
        %dma_wait3A_531 = arith.constant 0 : i32
        %dma_wait3A_532 = tpu.memref_slice %arg21[%dma_wait3A_530, %dma_wait3A_531] : memref<100352x8xf32, #tpu.memory_space<vmem_shared>> -> memref<100352x8xf32, #tpu.memory_space<vmem_shared>>
        tpu.wait_indirect_dma semaphore(%run_scoped3A_514 : memref<!tpu.dma_semaphore, #tpu.memory_space<semaphore_mem>>) src(%dma_wait3A_526 : memref<80x8xf32, #tpu.memory_space<vmem>>) dst(%dma_wait3A_532 : memref<100352x8xf32, #tpu.memory_space<vmem_shared>>)
        tpu.yield
      }) : () -> ()
      %run_scoped3A_511 = arith.constant 22 : i32
      "tpu.region"() ({
        %run_scoped3A_514 = tpu.sem_alloc : memref<!tpu.dma_semaphore, #tpu.memory_space<semaphore_mem>>
        %dma_start3A_515 = arith.constant 1760 : i32
        %dma_start3A_516 = arith.constant 0 : i32
        %dma_start3A_517 = tpu.memref_slice %arg18[%dma_start3A_515, %dma_start3A_516] : memref<2000x8xf32, #tpu.memory_space<vmem>> -> memref<80x8xf32, #tpu.memory_space<vmem>>
        %dma_start3A_518 = arith.constant 0 : i32
        %dma_start3A_519 = tpu.memref_slice %arg13[%run_scoped3A_511, %dma_start3A_518] : memref<25x80xi32, #tpu.memory_space<vmem>> -> memref<1x80xi32, #tpu.memory_space<vmem>>
        %dma_start3A_520 = tpu.memref_squeeze %dma_start3A_519 : memref<1x80xi32, #tpu.memory_space<vmem>> -> memref<80xi32, #tpu.memory_space<vmem>>
        %dma_start3A_521 = arith.constant 0 : i32
        %dma_start3A_522 = arith.constant 0 : i32
        %dma_start3A_523 = tpu.memref_slice %arg21[%dma_start3A_521, %dma_start3A_522] : memref<100352x8xf32, #tpu.memory_space<vmem_shared>> -> memref<100352x8xf32, #tpu.memory_space<vmem_shared>>
        tpu.enqueue_indirect_dma source(%dma_start3A_517 : memref<80x8xf32, #tpu.memory_space<vmem>>) target(%dma_start3A_523 : memref<100352x8xf32, #tpu.memory_space<vmem_shared>>) offsets(%dma_start3A_520 : memref<80xi32, #tpu.memory_space<vmem>>) semaphore(%run_scoped3A_514 : memref<!tpu.dma_semaphore, #tpu.memory_space<semaphore_mem>>) {add = true}
        %dma_wait3A_524 = arith.constant 1760 : i32
        %dma_wait3A_525 = arith.constant 0 : i32
        %dma_wait3A_526 = tpu.memref_slice %arg18[%dma_wait3A_524, %dma_wait3A_525] : memref<2000x8xf32, #tpu.memory_space<vmem>> -> memref<80x8xf32, #tpu.memory_space<vmem>>
        %dma_wait3A_527 = arith.constant 0 : i32
        %dma_wait3A_528 = tpu.memref_slice %arg13[%run_scoped3A_511, %dma_wait3A_527] : memref<25x80xi32, #tpu.memory_space<vmem>> -> memref<1x80xi32, #tpu.memory_space<vmem>>
        %dma_wait3A_529 = tpu.memref_squeeze %dma_wait3A_528 : memref<1x80xi32, #tpu.memory_space<vmem>> -> memref<80xi32, #tpu.memory_space<vmem>>
        %dma_wait3A_530 = arith.constant 0 : i32
        %dma_wait3A_531 = arith.constant 0 : i32
        %dma_wait3A_532 = tpu.memref_slice %arg21[%dma_wait3A_530, %dma_wait3A_531] : memref<100352x8xf32, #tpu.memory_space<vmem_shared>> -> memref<100352x8xf32, #tpu.memory_space<vmem_shared>>
        tpu.wait_indirect_dma semaphore(%run_scoped3A_514 : memref<!tpu.dma_semaphore, #tpu.memory_space<semaphore_mem>>) src(%dma_wait3A_526 : memref<80x8xf32, #tpu.memory_space<vmem>>) dst(%dma_wait3A_532 : memref<100352x8xf32, #tpu.memory_space<vmem_shared>>)
        tpu.yield
      }) : () -> ()
      %run_scoped3A_512 = arith.constant 23 : i32
      "tpu.region"() ({
        %run_scoped3A_514 = tpu.sem_alloc : memref<!tpu.dma_semaphore, #tpu.memory_space<semaphore_mem>>
        %dma_start3A_515 = arith.constant 1840 : i32
        %dma_start3A_516 = arith.constant 0 : i32
        %dma_start3A_517 = tpu.memref_slice %arg18[%dma_start3A_515, %dma_start3A_516] : memref<2000x8xf32, #tpu.memory_space<vmem>> -> memref<80x8xf32, #tpu.memory_space<vmem>>
        %dma_start3A_518 = arith.constant 0 : i32
        %dma_start3A_519 = tpu.memref_slice %arg13[%run_scoped3A_512, %dma_start3A_518] : memref<25x80xi32, #tpu.memory_space<vmem>> -> memref<1x80xi32, #tpu.memory_space<vmem>>
        %dma_start3A_520 = tpu.memref_squeeze %dma_start3A_519 : memref<1x80xi32, #tpu.memory_space<vmem>> -> memref<80xi32, #tpu.memory_space<vmem>>
        %dma_start3A_521 = arith.constant 0 : i32
        %dma_start3A_522 = arith.constant 0 : i32
        %dma_start3A_523 = tpu.memref_slice %arg21[%dma_start3A_521, %dma_start3A_522] : memref<100352x8xf32, #tpu.memory_space<vmem_shared>> -> memref<100352x8xf32, #tpu.memory_space<vmem_shared>>
        tpu.enqueue_indirect_dma source(%dma_start3A_517 : memref<80x8xf32, #tpu.memory_space<vmem>>) target(%dma_start3A_523 : memref<100352x8xf32, #tpu.memory_space<vmem_shared>>) offsets(%dma_start3A_520 : memref<80xi32, #tpu.memory_space<vmem>>) semaphore(%run_scoped3A_514 : memref<!tpu.dma_semaphore, #tpu.memory_space<semaphore_mem>>) {add = true}
        %dma_wait3A_524 = arith.constant 1840 : i32
        %dma_wait3A_525 = arith.constant 0 : i32
        %dma_wait3A_526 = tpu.memref_slice %arg18[%dma_wait3A_524, %dma_wait3A_525] : memref<2000x8xf32, #tpu.memory_space<vmem>> -> memref<80x8xf32, #tpu.memory_space<vmem>>
        %dma_wait3A_527 = arith.constant 0 : i32
        %dma_wait3A_528 = tpu.memref_slice %arg13[%run_scoped3A_512, %dma_wait3A_527] : memref<25x80xi32, #tpu.memory_space<vmem>> -> memref<1x80xi32, #tpu.memory_space<vmem>>
        %dma_wait3A_529 = tpu.memref_squeeze %dma_wait3A_528 : memref<1x80xi32, #tpu.memory_space<vmem>> -> memref<80xi32, #tpu.memory_space<vmem>>
        %dma_wait3A_530 = arith.constant 0 : i32
        %dma_wait3A_531 = arith.constant 0 : i32
        %dma_wait3A_532 = tpu.memref_slice %arg21[%dma_wait3A_530, %dma_wait3A_531] : memref<100352x8xf32, #tpu.memory_space<vmem_shared>> -> memref<100352x8xf32, #tpu.memory_space<vmem_shared>>
        tpu.wait_indirect_dma semaphore(%run_scoped3A_514 : memref<!tpu.dma_semaphore, #tpu.memory_space<semaphore_mem>>) src(%dma_wait3A_526 : memref<80x8xf32, #tpu.memory_space<vmem>>) dst(%dma_wait3A_532 : memref<100352x8xf32, #tpu.memory_space<vmem_shared>>)
        tpu.yield
      }) : () -> ()
      %run_scoped3A_513 = arith.constant 24 : i32
      "tpu.region"() ({
        %run_scoped3A_514 = tpu.sem_alloc : memref<!tpu.dma_semaphore, #tpu.memory_space<semaphore_mem>>
        %dma_start3A_515 = arith.constant 1920 : i32
        %dma_start3A_516 = arith.constant 0 : i32
        %dma_start3A_517 = tpu.memref_slice %arg18[%dma_start3A_515, %dma_start3A_516] : memref<2000x8xf32, #tpu.memory_space<vmem>> -> memref<80x8xf32, #tpu.memory_space<vmem>>
        %dma_start3A_518 = arith.constant 0 : i32
        %dma_start3A_519 = tpu.memref_slice %arg13[%run_scoped3A_513, %dma_start3A_518] : memref<25x80xi32, #tpu.memory_space<vmem>> -> memref<1x80xi32, #tpu.memory_space<vmem>>
        %dma_start3A_520 = tpu.memref_squeeze %dma_start3A_519 : memref<1x80xi32, #tpu.memory_space<vmem>> -> memref<80xi32, #tpu.memory_space<vmem>>
        %dma_start3A_521 = arith.constant 0 : i32
        %dma_start3A_522 = arith.constant 0 : i32
        %dma_start3A_523 = tpu.memref_slice %arg21[%dma_start3A_521, %dma_start3A_522] : memref<100352x8xf32, #tpu.memory_space<vmem_shared>> -> memref<100352x8xf32, #tpu.memory_space<vmem_shared>>
        tpu.enqueue_indirect_dma source(%dma_start3A_517 : memref<80x8xf32, #tpu.memory_space<vmem>>) target(%dma_start3A_523 : memref<100352x8xf32, #tpu.memory_space<vmem_shared>>) offsets(%dma_start3A_520 : memref<80xi32, #tpu.memory_space<vmem>>) semaphore(%run_scoped3A_514 : memref<!tpu.dma_semaphore, #tpu.memory_space<semaphore_mem>>) {add = true}
        %dma_wait3A_524 = arith.constant 1920 : i32
        %dma_wait3A_525 = arith.constant 0 : i32
        %dma_wait3A_526 = tpu.memref_slice %arg18[%dma_wait3A_524, %dma_wait3A_525] : memref<2000x8xf32, #tpu.memory_space<vmem>> -> memref<80x8xf32, #tpu.memory_space<vmem>>
        %dma_wait3A_527 = arith.constant 0 : i32
        %dma_wait3A_528 = tpu.memref_slice %arg13[%run_scoped3A_513, %dma_wait3A_527] : memref<25x80xi32, #tpu.memory_space<vmem>> -> memref<1x80xi32, #tpu.memory_space<vmem>>
        %dma_wait3A_529 = tpu.memref_squeeze %dma_wait3A_528 : memref<1x80xi32, #tpu.memory_space<vmem>> -> memref<80xi32, #tpu.memory_space<vmem>>
        %dma_wait3A_530 = arith.constant 0 : i32
        %dma_wait3A_531 = arith.constant 0 : i32
        %dma_wait3A_532 = tpu.memref_slice %arg21[%dma_wait3A_530, %dma_wait3A_531] : memref<100352x8xf32, #tpu.memory_space<vmem_shared>> -> memref<100352x8xf32, #tpu.memory_space<vmem_shared>>
        tpu.wait_indirect_dma semaphore(%run_scoped3A_514 : memref<!tpu.dma_semaphore, #tpu.memory_space<semaphore_mem>>) src(%dma_wait3A_526 : memref<80x8xf32, #tpu.memory_space<vmem>>) dst(%dma_wait3A_532 : memref<100352x8xf32, #tpu.memory_space<vmem_shared>>)
        tpu.yield
      }) : () -> ()
    }
    %scan3A_69 = arith.constant 50 : i32
    %barrier3A_70 = arith.constant 0 : index
    tpu.barrier barrier_id(%barrier3A_70)
    %mul3A_71 = arith.constant 6272 : i32
    %mul3A_72 = arith.muli %arg1, %mul3A_71 : i32
    %mul3A_73 = arith.constant 6272 : i32
    %mul3A_74 = arith.muli %arg1, %mul3A_73 : i32
    "tpu.region"() ({
      %run_scoped3A = tpu.sem_alloc : memref<!tpu.dma_semaphore, #tpu.memory_space<semaphore_mem>>
      %dma_start3A = arith.constant 0 : i32
      %dma_start3A_75 = tpu.memref_slice %arg11[%arg0, %mul3A_74, %dma_start3A] : memref<2x100352x8xf32, #tpu.memory_space<hbm>> -> memref<1x6272x8xf32, #tpu.memory_space<hbm>>
      %dma_start3A_76 = tpu.memref_squeeze %dma_start3A_75 : memref<1x6272x8xf32, #tpu.memory_space<hbm>> -> memref<6272x8xf32, #tpu.memory_space<hbm>>
      %dma_start3A_77 = arith.constant 0 : i32
      %dma_start3A_78 = tpu.memref_slice %arg21[%mul3A_72, %dma_start3A_77] : memref<100352x8xf32, #tpu.memory_space<vmem_shared>> -> memref<6272x8xf32, #tpu.memory_space<vmem_shared>>
      tpu.enqueue_dma source(%dma_start3A_78 : memref<6272x8xf32, #tpu.memory_space<vmem_shared>>) target(%dma_start3A_76 : memref<6272x8xf32, #tpu.memory_space<hbm>>) target_semaphore(%run_scoped3A : memref<!tpu.dma_semaphore, #tpu.memory_space<semaphore_mem>>)
      %dma_wait3A = arith.constant 0 : i32
      %dma_wait3A_79 = tpu.memref_slice %arg11[%arg0, %mul3A_74, %dma_wait3A] : memref<2x100352x8xf32, #tpu.memory_space<hbm>> -> memref<1x6272x8xf32, #tpu.memory_space<hbm>>
      %dma_wait3A_80 = tpu.memref_squeeze %dma_wait3A_79 : memref<1x6272x8xf32, #tpu.memory_space<hbm>> -> memref<6272x8xf32, #tpu.memory_space<hbm>>
      %dma_wait3A_81 = arith.constant 0 : i32
      %dma_wait3A_82 = tpu.memref_slice %arg21[%mul3A_72, %dma_wait3A_81] : memref<100352x8xf32, #tpu.memory_space<vmem_shared>> -> memref<6272x8xf32, #tpu.memory_space<vmem_shared>>
      tpu.wait_dma2 semaphore(%run_scoped3A : memref<!tpu.dma_semaphore, #tpu.memory_space<semaphore_mem>>) src(%dma_wait3A_82 : memref<6272x8xf32, #tpu.memory_space<vmem_shared>>) dst(%dma_wait3A_80 : memref<6272x8xf32, #tpu.memory_space<hbm>>)
      tpu.yield
    }) : () -> ()
    return
  }
}

module attributes {stable_mosaic.version = 14 : i64} {
  func.func @_tc_body(%arg0: i32, %arg1: memref<1000x8xf32, #tpu.memory_space<vmem>>, %arg2: memref<1x1000x8xf32, #tpu.memory_space<vmem>>, %arg3: memref<1x1000x8xf32, #tpu.memory_space<vmem>>, %arg4: memref<1x1x1000xi32, #tpu.memory_space<vmem>>, %arg5: memref<8x128xf32, #tpu.memory_space<vmem>>, %arg6: memref<1x128xf32, #tpu.memory_space<vmem>>, %arg7: memref<128x8xf32, #tpu.memory_space<vmem>>, %arg8: memref<1x8xf32, #tpu.memory_space<vmem>>, %arg9: memref<8x128xf32, #tpu.memory_space<vmem>>, %arg10: memref<1x128xf32, #tpu.memory_space<vmem>>, %arg11: memref<128x128xf32, #tpu.memory_space<vmem>>, %arg12: memref<1x128xf32, #tpu.memory_space<vmem>>, %arg13: memref<1024x128xf32, #tpu.memory_space<vmem>>, %arg14: memref<1024x8xf32, #tpu.memory_space<vmem>>) attributes {dimension_semantics = [#tpu.dimension_semantics<arbitrary>], iteration_bounds = array<i64: 100>, scalar_prefetch = 0 : i64, scratch_operands = 1 : i64, tpu.core_type = #tpu.core_type<tc>, window_params = [{transform_indices = @transform_0, window_bounds = array<i64: 1000, 8>}, {transform_indices = @transform_1, window_bounds = array<i64: 1, 1000, 8>}, {transform_indices = @transform_2, window_bounds = array<i64: 1, 1000, 8>}, {transform_indices = @transform_3, window_bounds = array<i64: 1, 1, 1000>}, {pipeline_mode = #tpu.pipeline_mode<synchronous>, transform_indices = @transform_4, window_bounds = array<i64: 8, 128>}, {pipeline_mode = #tpu.pipeline_mode<synchronous>, transform_indices = @transform_5, window_bounds = array<i64: 1, 128>}, {pipeline_mode = #tpu.pipeline_mode<synchronous>, transform_indices = @transform_6, window_bounds = array<i64: 128, 8>}, {pipeline_mode = #tpu.pipeline_mode<synchronous>, transform_indices = @transform_7, window_bounds = array<i64: 1, 8>}, {pipeline_mode = #tpu.pipeline_mode<synchronous>, transform_indices = @transform_8, window_bounds = array<i64: 8, 128>}, {pipeline_mode = #tpu.pipeline_mode<synchronous>, transform_indices = @transform_9, window_bounds = array<i64: 1, 128>}, {pipeline_mode = #tpu.pipeline_mode<synchronous>, transform_indices = @transform_10, window_bounds = array<i64: 128, 128>}, {pipeline_mode = #tpu.pipeline_mode<synchronous>, transform_indices = @transform_11, window_bounds = array<i64: 1, 128>}, {pipeline_mode = #tpu.pipeline_mode<synchronous>, transform_indices = @transform_12, window_bounds = array<i64: 1024, 128>}]} {
    %eq3A = arith.constant 0 : i32
    %eq3A_0 = arith.cmpi eq, %arg0, %eq3A : i32
    %convert_element_type3A = arith.extui %eq3A_0 : i1 to i32
    %cond3A = arith.constant 0 : i32
    %cond3A_1 = arith.cmpi ne, %convert_element_type3A, %cond3A : i32
    scf.if %cond3A_1 {
      %broadcast_in_dim3A = arith.constant 0.000000e+00 : f32
      %broadcast_in_dim3A_62 = vector.broadcast %broadcast_in_dim3A : f32 to vector<1024x8xf32>
      %swap3A_63 = arith.constant 0 : index
      %swap3A_64 = arith.constant 0 : index
      %swap3A_65 = vector.load %arg14[%swap3A_63, %swap3A_64] : memref<1024x8xf32, #tpu.memory_space<vmem>>, vector<1024x8xf32>
      tpu.vector_store %arg14[%swap3A_63, %swap3A_64], %broadcast_in_dim3A_62 {strides = array<i32>} : memref<1024x8xf32, #tpu.memory_space<vmem>>, vector<1024x8xf32>,
    } else {
    }
    %get3A = arith.constant 0 : index
    %get3A_2 = arith.constant 0 : index
    %get3A_3 = vector.load %arg1[%get3A, %get3A_2] : memref<1000x8xf32, #tpu.memory_space<vmem>>, vector<1000x8xf32>
    %get3A_4 = arith.constant 0 : index
    %get3A_5 = arith.constant 0 : index
    %get3A_6 = arith.constant 0 : index
    %get3A_7 = vector.load %arg2[%get3A_4, %get3A_5, %get3A_6] : memref<1x1000x8xf32, #tpu.memory_space<vmem>>, vector<1x1000x8xf32>
    %get3A_8 = vector.shape_cast %get3A_7 : vector<1x1000x8xf32> to vector<1000x8xf32>
    %add3A = arith.addf %get3A_3, %get3A_8 : vector<1000x8xf32>
    %get3A_9 = arith.constant 0 : index
    %get3A_10 = arith.constant 0 : index
    %get3A_11 = arith.constant 0 : index
    %get3A_12 = vector.load %arg3[%get3A_9, %get3A_10, %get3A_11] : memref<1x1000x8xf32, #tpu.memory_space<vmem>>, vector<1x1000x8xf32>
    %get3A_13 = vector.shape_cast %get3A_12 : vector<1x1000x8xf32> to vector<1000x8xf32>
    %add3A_14 = arith.addf %add3A, %get3A_13 : vector<1000x8xf32>
    %convert_element_type3A_15 = arith.truncf %add3A_14 : vector<1000x8xf32> to vector<1000x8xbf16>
    %convert_element_type3A_16 = arith.extf %convert_element_type3A_15 : vector<1000x8xbf16> to vector<1000x8xf32>
    %get3A_17 = arith.constant 0 : index
    %get3A_18 = arith.constant 0 : index
    %get3A_19 = vector.load %arg5[%get3A_17, %get3A_18] : memref<8x128xf32, #tpu.memory_space<vmem>>, vector<8x128xf32>
    %dot_general3A = arith.constant dense<0.000000e+00> : vector<1000x128xf32>
    %dot_general3A_20 = tpu.matmul %convert_element_type3A_16, %get3A_19, %dot_general3A {dimension_numbers = #tpu.dot_dimension_numbers<[1], [0], [0], [1], [0, 0, 1, 1], [], []>, transpose_lhs_hint = false} : vector<1000x8xf32>, vector<8x128xf32>, vector<1000x128xf32> -> vector<1000x128xf32>
    %get3A_21 = arith.constant 0 : index
    %get3A_22 = arith.constant 0 : index
    %get3A_23 = vector.load %arg6[%get3A_21, %get3A_22] : memref<1x128xf32, #tpu.memory_space<vmem>>, vector<1x128xf32>
    %add3A_24 = vector.broadcast %get3A_23 : vector<1x128xf32> to vector<1000x128xf32>
    %add3A_25 = arith.addf %dot_general3A_20, %add3A_24 : vector<1000x128xf32>
    %max3A = arith.constant 0.000000e+00 : f32
    %max3A_26 = vector.broadcast %max3A : f32 to vector<1000x128xf32>
    %max3A_27 = arith.maximumf %add3A_25, %max3A_26 : vector<1000x128xf32>
    %convert_element_type3A_28 = arith.truncf %max3A_27 : vector<1000x128xf32> to vector<1000x128xbf16>
    %convert_element_type3A_29 = arith.extf %convert_element_type3A_28 : vector<1000x128xbf16> to vector<1000x128xf32>
    %get3A_30 = arith.constant 0 : index
    %get3A_31 = arith.constant 0 : index
    %get3A_32 = vector.load %arg7[%get3A_30, %get3A_31] : memref<128x8xf32, #tpu.memory_space<vmem>>, vector<128x8xf32>
    %dot_general3A_33 = arith.constant dense<0.000000e+00> : vector<1000x8xf32>
    %dot_general3A_34 = tpu.matmul %convert_element_type3A_29, %get3A_32, %dot_general3A_33 {dimension_numbers = #tpu.dot_dimension_numbers<[1], [0], [0], [1], [0, 0, 1, 1], [], []>, transpose_lhs_hint = false} : vector<1000x128xf32>, vector<128x8xf32>, vector<1000x8xf32> -> vector<1000x8xf32>
    %get3A_35 = arith.constant 0 : index
    %get3A_36 = arith.constant 0 : index
    %get3A_37 = vector.load %arg8[%get3A_35, %get3A_36] : memref<1x8xf32, #tpu.memory_space<vmem>>, vector<1x8xf32>
    %add3A_38 = vector.broadcast %get3A_37 : vector<1x8xf32> to vector<1000x8xf32>
    %add3A_39 = arith.addf %dot_general3A_34, %add3A_38 : vector<1000x8xf32>
    %iota3A = tpu.iota {dimensions = array<i32: 0>} : vector<1024x1000xi32>
    %get3A_40 = arith.constant 0 : index
    %get3A_41 = arith.constant 0 : index
    %get3A_42 = arith.constant 0 : index
    %get3A_43 = vector.load %arg4[%get3A_40, %get3A_41, %get3A_42] : memref<1x1x1000xi32, #tpu.memory_space<vmem>>, vector<1x1x1000xi32>
    %get3A_44 = vector.shape_cast %get3A_43 : vector<1x1x1000xi32> to vector<1x1000xi32>
    %eq3A_45 = vector.broadcast %get3A_44 : vector<1x1000xi32> to vector<1024x1000xi32>
    %eq3A_46 = arith.cmpi eq, %iota3A, %eq3A_45 : vector<1024x1000xi32>
    %convert_element_type3A_47 = arith.extui %eq3A_46 : vector<1024x1000xi1> to vector<1024x1000xi32>
    %convert_element_type3A_48 = arith.sitofp %convert_element_type3A_47 : vector<1024x1000xi32> to vector<1024x1000xf32>
    %get3A_49 = arith.constant 0 : index
    %get3A_50 = arith.constant 0 : index
    %get3A_51 = vector.load %arg14[%get3A_49, %get3A_50] : memref<1024x8xf32, #tpu.memory_space<vmem>>, vector<1024x8xf32>
    %dot_general3A_52 = arith.constant dense<0.000000e+00> : vector<1024x8xf32>
    %dot_general3A_53 = tpu.matmul %convert_element_type3A_48, %add3A_39, %dot_general3A_52 {dimension_numbers = #tpu.dot_dimension_numbers<[1], [0], [0], [1], [0, 0, 1, 1], [], []>, precision = #tpu.contract_precision<fp32>, transpose_lhs_hint = false} : vector<1024x1000xf32>, vector<1000x8xf32>, vector<1024x8xf32> -> vector<1024x8xf32>
    %add3A_54 = arith.addf %get3A_51, %dot_general3A_53 : vector<1024x8xf32>
    %swap3A = arith.constant 0 : index
    %swap3A_55 = arith.constant 0 : index
    %swap3A_56 = vector.load %arg14[%swap3A, %swap3A_55] : memref<1024x8xf32, #tpu.memory_space<vmem>>, vector<1024x8xf32>
    tpu.vector_store %arg14[%swap3A, %swap3A_55], %add3A_54 {strides = array<i32>} : memref<1024x8xf32, #tpu.memory_space<vmem>>, vector<1024x8xf32>,
    %eq3A_57 = arith.constant 99 : i32
    %eq3A_58 = arith.cmpi eq, %arg0, %eq3A_57 : i32
    %convert_element_type3A_59 = arith.extui %eq3A_58 : i1 to i32
    %cond3A_60 = arith.constant 0 : i32
    %cond3A_61 = arith.cmpi ne, %convert_element_type3A_59, %cond3A_60 : i32
    scf.if %cond3A_61 {
      %get3A_62 = arith.constant 0 : index
      %get3A_63 = arith.constant 0 : index
      %get3A_64 = vector.load %arg14[%get3A_62, %get3A_63] : memref<1024x8xf32, #tpu.memory_space<vmem>>, vector<1024x8xf32>
      %slice3A = vector.extract_strided_slice %get3A_64 {offsets = [0, 7], sizes = [1024, 1], strides = [1, 1]} : vector<1024x8xf32> to vector<1024x1xf32>
      %max3A_65 = arith.constant 1.000000e+00 : f32
      %max3A_66 = vector.broadcast %max3A_65 : f32 to vector<1024x1xf32>
      %max3A_67 = arith.maximumf %slice3A, %max3A_66 : vector<1024x1xf32>
      %div3A = vector.broadcast %max3A_67 : vector<1024x1xf32> to vector<1024x8xf32>
      %div3A_68 = arith.divf %get3A_64, %div3A : vector<1024x8xf32>
      %convert_element_type3A_69 = arith.truncf %div3A_68 : vector<1024x8xf32> to vector<1024x8xbf16>
      %convert_element_type3A_70 = arith.extf %convert_element_type3A_69 : vector<1024x8xbf16> to vector<1024x8xf32>
      %get3A_71 = arith.constant 0 : index
      %get3A_72 = arith.constant 0 : index
      %get3A_73 = vector.load %arg9[%get3A_71, %get3A_72] : memref<8x128xf32, #tpu.memory_space<vmem>>, vector<8x128xf32>
      %dot_general3A_74 = arith.constant dense<0.000000e+00> : vector<1024x128xf32>
      %dot_general3A_75 = tpu.matmul %convert_element_type3A_70, %get3A_73, %dot_general3A_74 {dimension_numbers = #tpu.dot_dimension_numbers<[1], [0], [0], [1], [0, 0, 1, 1], [], []>, transpose_lhs_hint = false} : vector<1024x8xf32>, vector<8x128xf32>, vector<1024x128xf32> -> vector<1024x128xf32>
      %get3A_76 = arith.constant 0 : index
      %get3A_77 = arith.constant 0 : index
      %get3A_78 = vector.load %arg10[%get3A_76, %get3A_77] : memref<1x128xf32, #tpu.memory_space<vmem>>, vector<1x128xf32>
      %add3A_79 = vector.broadcast %get3A_78 : vector<1x128xf32> to vector<1024x128xf32>
      %add3A_80 = arith.addf %dot_general3A_75, %add3A_79 : vector<1024x128xf32>
      %max3A_81 = arith.constant 0.000000e+00 : f32
      %max3A_82 = vector.broadcast %max3A_81 : f32 to vector<1024x128xf32>
      %max3A_83 = arith.maximumf %add3A_80, %max3A_82 : vector<1024x128xf32>
      %convert_element_type3A_84 = arith.truncf %max3A_83 : vector<1024x128xf32> to vector<1024x128xbf16>
      %convert_element_type3A_85 = arith.extf %convert_element_type3A_84 : vector<1024x128xbf16> to vector<1024x128xf32>
      %get3A_86 = arith.constant 0 : index
      %get3A_87 = arith.constant 0 : index
      %get3A_88 = vector.load %arg11[%get3A_86, %get3A_87] : memref<128x128xf32, #tpu.memory_space<vmem>>, vector<128x128xf32>
      %dot_general3A_89 = arith.constant dense<0.000000e+00> : vector<1024x128xf32>
      %dot_general3A_90 = tpu.matmul %convert_element_type3A_85, %get3A_88, %dot_general3A_89 {dimension_numbers = #tpu.dot_dimension_numbers<[1], [0], [0], [1], [0, 0, 1, 1], [], []>, transpose_lhs_hint = false} : vector<1024x128xf32>, vector<128x128xf32>, vector<1024x128xf32> -> vector<1024x128xf32>
      %get3A_91 = arith.constant 0 : index
      %get3A_92 = arith.constant 0 : index
      %get3A_93 = vector.load %arg12[%get3A_91, %get3A_92] : memref<1x128xf32, #tpu.memory_space<vmem>>, vector<1x128xf32>
      %add3A_94 = vector.broadcast %get3A_93 : vector<1x128xf32> to vector<1024x128xf32>
      %add3A_95 = arith.addf %dot_general3A_90, %add3A_94 : vector<1024x128xf32>
      %logistic3A = arith.negf %add3A_95 : vector<1024x128xf32>
      %logistic3A_96 = math.exp %logistic3A : vector<1024x128xf32>
      %logistic3A_97 = arith.constant 1.000000e+00 : f32
      %logistic3A_98 = vector.broadcast %logistic3A_97 : f32 to vector<1024x128xf32>
      %logistic3A_99 = arith.addf %logistic3A_98, %logistic3A_96 : vector<1024x128xf32>
      %logistic3A_100 = arith.divf %logistic3A_98, %logistic3A_99 : vector<1024x128xf32>
      %swap3A_101 = arith.constant 0 : index
      %swap3A_102 = arith.constant 0 : index
      %swap3A_103 = vector.load %arg13[%swap3A_101, %swap3A_102] : memref<1024x128xf32, #tpu.memory_space<vmem>>, vector<1024x128xf32>
      tpu.vector_store %arg13[%swap3A_101, %swap3A_102], %logistic3A_100 {strides = array<i32>} : memref<1024x128xf32, #tpu.memory_space<vmem>>, vector<1024x128xf32>,
    } else {
    }
    return
  }
  func.func @transform_0(%arg0: i32) -> (i32, i32) {
    %c0_i32 = arith.constant 0 : i32
    %c0_i32_0 = arith.constant 0 : i32
    return %arg0, %c0_i32 : i32, i32
  }
  func.func @transform_1(%arg0: i32) -> (i32, i32, i32) {
    %c0_i32 = arith.constant 0 : i32
    %c0_i32_0 = arith.constant 0 : i32
    %c0_i32_1 = arith.constant 0 : i32
    return %c0_i32, %arg0, %c0_i32_0 : i32, i32, i32
  }
  func.func @transform_2(%arg0: i32) -> (i32, i32, i32) {
    %c1_i32 = arith.constant 1 : i32
    %c0_i32 = arith.constant 0 : i32
    %c0_i32_0 = arith.constant 0 : i32
    return %c1_i32, %arg0, %c0_i32 : i32, i32, i32
  }
  func.func @transform_3(%arg0: i32) -> (i32, i32, i32) {
    %c0_i32 = arith.constant 0 : i32
    %c0_i32_0 = arith.constant 0 : i32
    %c0_i32_1 = arith.constant 0 : i32
    return %arg0, %c0_i32, %c0_i32_0 : i32, i32, i32
  }
  func.func @transform_4(%arg0: i32) -> (i32, i32) {
    %c0_i32 = arith.constant 0 : i32
    %c0_i32_0 = arith.constant 0 : i32
    %c0_i32_1 = arith.constant 0 : i32
    return %c0_i32, %c0_i32_0 : i32, i32
  }
  func.func @transform_5(%arg0: i32) -> (i32, i32) {
    %c0_i32 = arith.constant 0 : i32
    %c0_i32_0 = arith.constant 0 : i32
    %c0_i32_1 = arith.constant 0 : i32
    return %c0_i32, %c0_i32_0 : i32, i32
  }
  func.func @transform_6(%arg0: i32) -> (i32, i32) {
    %c0_i32 = arith.constant 0 : i32
    %c0_i32_0 = arith.constant 0 : i32
    %c0_i32_1 = arith.constant 0 : i32
    return %c0_i32, %c0_i32_0 : i32, i32
  }
  func.func @transform_7(%arg0: i32) -> (i32, i32) {
    %c0_i32 = arith.constant 0 : i32
    %c0_i32_0 = arith.constant 0 : i32
    %c0_i32_1 = arith.constant 0 : i32
    return %c0_i32, %c0_i32_0 : i32, i32
  }
  func.func @transform_8(%arg0: i32) -> (i32, i32) {
    %c0_i32 = arith.constant 0 : i32
    %c0_i32_0 = arith.constant 0 : i32
    %c0_i32_1 = arith.constant 0 : i32
    return %c0_i32, %c0_i32_0 : i32, i32
  }
  func.func @transform_9(%arg0: i32) -> (i32, i32) {
    %c0_i32 = arith.constant 0 : i32
    %c0_i32_0 = arith.constant 0 : i32
    %c0_i32_1 = arith.constant 0 : i32
    return %c0_i32, %c0_i32_0 : i32, i32
  }
  func.func @transform_10(%arg0: i32) -> (i32, i32) {
    %c0_i32 = arith.constant 0 : i32
    %c0_i32_0 = arith.constant 0 : i32
    %c0_i32_1 = arith.constant 0 : i32
    return %c0_i32, %c0_i32_0 : i32, i32
  }
  func.func @transform_11(%arg0: i32) -> (i32, i32) {
    %c0_i32 = arith.constant 0 : i32
    %c0_i32_0 = arith.constant 0 : i32
    %c0_i32_1 = arith.constant 0 : i32
    return %c0_i32, %c0_i32_0 : i32, i32
  }
  func.func @transform_12(%arg0: i32) -> (i32, i32) {
    %c0_i32 = arith.constant 0 : i32
    %c0_i32_0 = arith.constant 0 : i32
    %c0_i32_1 = arith.constant 0 : i32
    return %c0_i32, %c0_i32_0 : i32, i32
  }
}

</mosaic_0001>

<sc_bundles>
// kernel: kernel.4.cloned.1.call-start
scs
__scs_entry_jumppad:
0x0: {  	(pc) =	sbr.rel $0x88, $3  }
0x1: {  	(tag) =	ssettag $0x0;
	lr =	simm.s32 $0x1  }
0x2: {  	[smem:$0x3F93] =	sst lr;
	_ =	strace $0xD0000000  }
0x3: {  	_ = 	snop  }
0x4: {  	_ = 	snop  }
0x5: {  	_ = 	snop  }
0x6: {  	_ = 	snop  }
0x7: {  	_ = 	snop  }
__scs_overlays_trampoline_lowered:
0x8: {  	[smem:$0x3FA2] =	sst s0  }
0x9: {  	[smem:$0x3FA3] =	sst s1  }
0xa: {  	[smem:$0x3FA4] =	sst s2  }
0xb: {  	[smem:$0x3FA5] =	sst s3  }
0xc: {  	[smem:$0x3FA6] =	sst s4  }
0xd: {  	[smem:$0x3FA7] =	sst s5  }
0xe: {  	[smem:$0x3FA8] =	sst s6  }
0xf: {  	[smem:$0x3FA9] =	sst s7  }
0x10: {  	[smem:$0x3FAA] =	sst s8  }
0x11: {  	[smem:$0x3FAB] =	sst s9;
	s0 =	simm.s32 @!p0 $0x0  }
0x12: {  	s1 =	sld [smem:$0x3F91];
	s0 =	simm.s32 @p0 $0x1  }
0x13: {  	[smem:$0x3FAC] =	sst s0;
	s0 =	simm.s32 @!p1 $0x0  }
0x14: {  	s2 =	sld [smem:$0x3F90];
	s0 =	simm.s32 @p1 $0x1  }
0x15: {  	[smem:$0x3FAD] =	sst s0;
	s0 =	simm.s32 @!p2 $0x0  }
0x16: {  	s3 =	sld [smem:$0x3FDB];
	s0 =	simm.s32 @p2 $0x1  }
0x17: {  	s4 =	simm.s32 $0x1BF5;
	[smem:$0x3FAF] =	sst s0  }
0x18: {  	s0 =	sld [smem:$0x3F92];
	_ =	swait.ge [sflag:s4], $0x0  }
0x19: {  	s7 =	sld [smem:$0x3F93]  }
0x1a: {  	s8 =	sadd.s32 $0xFFFFE003, lr  }
0x1b: {  	s9 =	sadd.s32 $0xFFFFFEF7, lr;
	s5 =	simm.s32 $0xFFFFFFFF;
	p2 =	slt.u32 s8, $0xFFFFF086  }
0x1c: {  	p1 =	slt.u32 s9, $0xF7A;
	s5 =	simm.s32 @!p2 $0x0  }
0x1d: {  	s5 =	simm.s32 @p1 $0x1;
	p0 =	seq.s32 s7, s2  }
0x1e: {  	s7 =	smul.u32 @!p0 $0xF7A, s2;
	p2 =	seq.s32 @!p0 s5, $0x0  }
0x1f: {  	s9 =	smul.u32 $0xF7A, s1;
	s8 =	simm.s32 @!p0 $0x1BF5;
	p2 =	por !p2, p0  }
0x20: {  	[sflag:s8] =	ssyncset.s32 @!p0 $0xFFFFF086;
	s6 =	sadd.s32 @!p0 s3, s7;
	s7 =	simm.s32 @!p0 $0x108  }
0x21: {  	s3 =	sadd.s32 s3, s9;
	s6 =	sadd.s32 @!p0 $0x88, s6;
	s7 =	simm.s32 @p2 $0x1082  }
0x22: {  	[simem:s7], [sflag:s8] =	dma.local @!p0 [hbm:s6], $0xF7A  }
0x23: {  	s9 =	sor.u32 $0xD0000000, s2;
	s6 =	simm.s32 $0x108;
	_ =	swait.ge @!p0 [sflag:s8], $0x0  }
0x24: {  	s3 =	sadd.s32 $0x88, s3;
	s6 =	simm.s32 @!p1 $0x1082;
	[sflag:s4] =	ssyncset.s32 $0xFFFFF086  }
0x25: {  	[simem:s6], [sflag:s4] =	dma.local [hbm:s3], $0xF7A  }
0x26: {  	[smem:$0x3F93] =	sst s1;
	(tag) =	ssettag s2;
	_ =	strace s9  }
0x27: {  	s1 =	sld [smem:$0x3FA3]  }
0x28: {  	s2 =	sld [smem:$0x3FA4]  }
0x29: {  	s4 =	sld [smem:$0x3FA6]  }
0x2a: {  	p0 =	seq.s32 s5, $0x0;
	s5 =	sld [smem:$0x3FA7]  }
0x2b: {  	s6 =	sld [smem:$0x3FA8]  }
0x2c: {  	s7 =	sld [smem:$0x3FA9]  }
0x2d: {  	s3 =	simm.s32 $0x108;
	s8 =	sld [smem:$0x3FAA]  }
0x2e: {  	s3 =	simm.s32 @!p0 $0x1082;
	s9 =	sld [smem:$0x3FAB]  }
0x2f: {  	lr =	sadd.s32 s0, s3;
	s0 =	sld [smem:$0x3FA2]  }
0x30: {  	s3 =	sld [smem:$0x3FA5]  }
0x31: {  	[smem:$0x3FAE] =	sst s10  }
0x32: {  	s10 =	sld [smem:$0x3FAC];
	_ =	sdelay $0x3  }
0x33: {  	p0 =	seq.s32 s10, $0x1;
	s10 =	sld [smem:$0x3FAE];
	_ =	sdelay $0x3  }
0x34: {  	[smem:$0x3FAE] =	sst s10  }
0x35: {  	s10 =	sld [smem:$0x3FAD];
	_ =	sdelay $0x3  }
0x36: {  	p1 =	seq.s32 s10, $0x1;
	s10 =	sld [smem:$0x3FAE];
	_ =	sdelay $0x3  }
0x37: {  	[smem:$0x3FAE] =	sst s10  }
0x38: {  	s10 =	sld [smem:$0x3FAF]  }
0x39: {  	_ = 	snop;
	(pc) =	sbr.ind lr, $3  }
0x3a: {  	_ = 	snop  }
0x3b: {  	_ = 	snop  }
0x3c: {  	p2 =	seq.s32 s10, $0x1;
	s10 =	sld [smem:$0x3FAE]  }
0x3d: {  	_ =	shalt  }
0x3e: {  	_ =	shalt  }
0x3f: {  	_ =	shalt  }
0x40: {  	_ =	shalt  }
0x41: {  	_ =	shalt  }
0x42: {  	_ =	shalt  }
0x43: {  	_ =	shalt  }
0x44: {  	_ =	shalt  }
0x45: {  	_ =	shalt  }
0x46: {  	_ =	shalt  }
0x47: {  	_ =	shalt  }
0x48: {  	_ =	shalt  }
0x49: {  	_ =	shalt  }
0x4a: {  	_ =	shalt  }
0x4b: {  	_ =	shalt  }
0x4c: {  	_ =	shalt  }
0x4d: {  	_ =	shalt  }
0x4e: {  	_ =	shalt  }
0x4f: {  	_ =	shalt  }
0x50: {  	_ =	shalt  }
0x51: {  	_ =	shalt  }
0x52: {  	_ =	shalt  }
0x53: {  	_ =	shalt  }
0x54: {  	_ =	shalt  }
0x55: {  	_ =	shalt  }
0x56: {  	_ =	shalt  }
0x57: {  	_ =	shalt  }
0x58: {  	_ =	shalt  }
0x59: {  	_ =	shalt  }
0x5a: {  	_ =	shalt  }
0x5b: {  	_ =	shalt  }
0x5c: {  	_ =	shalt  }
0x5d: {  	_ =	shalt  }
0x5e: {  	_ =	shalt  }
0x5f: {  	_ =	shalt  }
0x60: {  	_ =	shalt  }
0x61: {  	_ =	shalt  }
0x62: {  	_ =	shalt  }
0x63: {  	_ =	shalt  }
0x64: {  	_ =	shalt  }
0x65: {  	_ =	shalt  }
0x66: {  	_ =	shalt  }
0x67: {  	_ =	shalt  }
0x68: {  	_ =	shalt  }
0x69: {  	_ =	shalt  }
0x6a: {  	_ =	shalt  }
0x6b: {  	_ =	shalt  }
0x6c: {  	_ =	shalt  }
0x6d: {  	_ =	shalt  }
0x6e: {  	_ =	shalt  }
0x6f: {  	_ =	shalt  }
0x70: {  	_ =	shalt  }
0x71: {  	_ =	shalt  }
0x72: {  	_ =	shalt  }
0x73: {  	_ =	shalt  }
0x74: {  	_ =	shalt  }
0x75: {  	_ =	shalt  }
0x76: {  	_ =	shalt  }
0x77: {  	_ =	shalt  }
0x78: {  	_ =	shalt  }
0x79: {  	_ =	shalt  }
0x7a: {  	_ =	shalt  }
0x7b: {  	_ =	shalt  }
0x7c: {  	_ =	shalt  }
0x7d: {  	_ =	shalt  }
0x7e: {  	_ =	shalt  }
0x7f: {  	_ =	shalt  }
0x80: {  	_ =	shalt  }
0x81: {  	_ =	shalt  }
0x82: {  	_ =	shalt  }
0x83: {  	_ =	shalt  }
0x84: {  	_ =	shalt  }
0x85: {  	_ =	shalt  }
0x86: {  	_ =	shalt  }
0x87: {  	_ =	shalt  }
.Lfunc_end0:
.L_simem_size_0:
called_computation_lowered:
.L_overlay_start_0:
0x88: {  	s2 =	sld [smem:$0x3FD9]  }
0x89: {  	s3 =	sld [smem:$0x3FFE];
	_ =	sdelay $0x1  }
0x8a: {  	s1 =	srdreg.scid  }
0x8b: {  	s0 =	sand.u32 $0x1, s1  }
0x8c: {  	s16 =	sshll.u32 s0, $0xA;
	s2 =	sadd.s32 s3, s2  }
0x8d: {  	s2 =	sadd.s32 s2, s16  }
0x8e: {  	[smem:$0x3FBA] =	sst s2  }
0x8f: {  	_ = 	snop  }
0x90: {  	(tm) =	ssettm $0x1  }
0x91: {  	s17 =	sld [smem:$0x3FFB];
	_ =	sdelay $0x3  }
0x92: {  	_ =	strace s17  }
0x93: {  	s2 =	sld [smem:$0x3FFC];
	_ =	sdelay $0x3  }
0x94: {  	_ =	strace s2  }
0x95: {  	s2 =	sld [smem:$0x3FFD];
	_ =	sdelay $0x3  }
0x96: {  	_ =	strace s2  }
0x97: {  	_ =	strace $0x8FFFFFFF  }
0x98: {  	s18 =	sld [smem:$0x3FDB];
	_ =	sdelay $0x1  }
0x99: {  	s19 =	simm.s32 $_scs_section_size  }
0x9a: {  	s4 =	simm.s32 $_size__tile_overlayer_lowered;
	s5 =	simm.s32 $_tile_overlayer_lowered  }
0x9b: {  	s22 =	simm.s32 $0x1BFF;
	s21 =	sshll.u32 s5, $0x1;
	s2 =	sadd.s32 s19, s18  }
0x9c: {  	s6 =	simm.s32 $0x0;
	s20 =	sshll.u32 s4, $0x1;
	s4 =	sadd.s32 s21, s2  }
0x9d: {  	[timem:s6], [sflag:s22] =	dma.local [hbm:s4], s20  }
0x9e: {  	_ =	swait.ge [sflag:s22], s20  }
0x9f: {  	s3 =	ssub.s32 $0x0, s20;
	[sflag:s22] =	ssyncset.done $0x0  }
0xa0: {  	[sflag:s22] =	ssyncadd.s32 s3;
	_ =	sdelay $0x1  }
0xa1: {  	s23 =	simm.s32 $0x1B8B  }
0xa2: {  	_ =	swait.ge [sflag:s23], $0x1  }
0xa3: {  	[sflag:s23] =	ssyncset.done $0x0  }
0xa4: {  	s25 =	simm.s32 $0x1B8E;
	s24 =	sld [smem:$0x3FFE];
	[sflag:s23] =	ssyncadd.s32 $0xFFFFFFFF  }
0xa5: {  	s26 =	simm.s32 $execute0_lowered;
	[smem:$0x3FD2] =	sst s25  }
0xa6: {  	s4 =	sshll.u32 s26, $0x1;
	_ =	strace $0x80000046;
	[dreg:$0x1] =	wrdreg $0xFFFFFFFF  }
0xa7: {  	s28 =	simm.s32 $_size_execute0_lowered;
	s2 =	sadd.s32 s2, s4;
	[dreg:$0x0] =	wrdreg $0x0  }
0xa8: {  	s4 =	sshll.u32 s28, $0x1;
	[dreg:$0x2] =	wrdreg s2  }
0xa9: {  	[dreg:$0x3] =	wrdreg s4  }
0xaa: {  	[dreg:$0x4] =	wrdreg $0xC0  }
0xab: {  	_ =	task [dreg:s6], $0x5FFFF  }
0xac: {  	[dreg:$0x1] =	wrdreg $0xFFFFFFFF  }
0xad: {  	[dreg:$0x0] =	wrdreg $0x60  }
0xae: {  	[dreg:$0x2] =	wrdreg s24  }
0xaf: {  	[dreg:$0x3] =	wrdreg $0xE2D00  }
0xb0: {  	[dreg:$0x4] =	wrdreg $0x9  }
0xb1: {  	_ =	task.clear_ibuf [dreg:s6], $0x5FFFF;
	_ =	strace $0x90000046  }
0xb2: {  	s29 =	simm.s32 $0x9;
	_ =	strace $0x80000048  }
0xb3: {  	_ =	swait.ge [sflag:s29], $0x1  }
0xb4: {  	[sflag:s29] =	ssyncadd.s32 $0xFFFFFFFF  }
0xb5: {  	_ =	strace $0x90000048  }
0xb6: {  	_ =	sfence  }
0xb7: {  	s30 =	sld [smem:$0x0];
	_ =	sdelay $0x2  }
0xb8: {  	s31 =	sshll.u32 s1, $0xD;
	s1 =	sshrl.u32 s1, $0x2  }
0xb9: {  	s3 =	sand.u32 $0x4000, s31;
	s1 =	sadd.s32 s1, s30  }
0xba: {  	s0 =	sor.u32 s3, s0;
	s1 =	sshll.u32 s1, $0x11  }
0xbb: {  	s0 =	sor.u32 s1, s0  }
0xbc: {  	s0 =	sadd.s32 $0x8F2B, s0  }
0xbd: {  	[sflag:s0] =	ssyncadd.remote.s32 $0x1  }
0xbe: {  	_ =	sfence.sel $0xFFFF  }
0xbf: {  	[dreg:$0x0] =	wrdreg $0xFFFFFFFF;
	(pc) =	sbr.abs _section_cstart, $3  }
0xc0: {  	[dreg:$0x1] =	wrdreg $0xFFFFFFFF  }
0xc1: {  	_ =	task.clear_ibuf [dreg:s6], $0x2FFFF;
	_ =	strace $0x9FFFFFFF  }
0xc2: {  	(tm) =	ssettm $0x7FFFFFFF  }
0xc3: {  	_ =	shalt  }
tec
execute0_lowered:
.L_overlay_start_1:
0x0: {  	(tag) =	ssettag $0x1  }
0x1: {  	s0 =	rddreg [dreg:$0x0]  }
0x2: {  	s2 =	rddreg [dreg:$0x1];
	s3 =	simm.s32 $0x0  }
0x3: {  	s1 =	srdreg.scid;
	s13 =	stileid.u32;
	s20 =	simm.s32 $0xA410  }
0x4: {  	s18 =	simm.s32 $0xD610;
	s28 =	simm.s32 $0xD890;
	s29 =	simm.s32 $0xEB0  }
0x5: {  	s30 =	simm.s32 $0xDB10;
	s31 =	simm.s32 $0xF00;
	[smem:$0x7FF] =	sst s3  }
0x6: {  	s19 =	simm.s32 $0x2;
	s4 =	sadd.s32 $0x435E00, s0;
	s5 =	sadd.s32 $0x30FA00, s0  }
0x7: {  	s1 =	sand.u32 $0x1, s1;
	s9 =	smul.u32 $0xC400, s13;
	s6 =	sadd.s32 $0x24C200, s0  }
0x8: {  	s21 =	sshll.u32 s13, $0x1;
	s8 =	sadd.s32 $0x188A00, s0;
	s12 =	sadd.s32 $0x371600, s0  }
0x9: {  	s22 =	sadd.s32 $0x371800, s0;
	s14 =	sadd.s32 $0x371A00, s0;
	s25 =	sshll.u32 s13, $0x6  }
0xa: {  	s13 =	simm.s32 $0xE10;
	_ =	strace $0x80000047;
	[dreg:$0x3] =	wrdreg s12  }
0xb: {  	s3 =	sor.u32 s1, s21;
	s10 =	smul.u32 $0xC4000, s1;
	[dreg:$0x4] =	wrdreg s22  }
0xc: {  	s1 =	ssub.s32 $0x2, s1;
	[dreg:$0x5] =	wrdreg s14;
	s12 =	simm.s32 $0x1  }
0xd: {  	s21 =	simm.s32 $0xE010;
	s7 =	smul.u32 $0x30D4, s3;
	s23 =	sshrl.u32 s1, $0x1  }
0xe: {  	s24 =	sadd.s32 s9, s2;
	s10 =	sadd.s32 s9, s10;
	s1 =	ssub.s32 s1, s23  }
0xf: {  	s9 =	sshrl.u32 s9, $0x3;
	s23 =	simm.s32 $0x7D0;
	s11 =	sadd.s32 s7, s0  }
0x10: {  	s7 =	sadd.s32 $0x1EA600, s0;
	s10 =	sshrl.u32 s10, $0x3;
	s9 =	sadd.s32 s14, s9  }
0x11: {  	s14 =	smul.u32 $0x186A0, s3;
	s26 =	smax.u32 s1, $0x1;
	s1 =	simm.s32 $0xF50  }
0x12: {  	s0 =	sadd.s32 s10, s0;
	[dreg:$0x6] =	wrdreg s9;
	s9 =	sor.u32 $0x1C02, s25  }
0x13: {  	s15 =	sadd.s32 $0x2ADE00, s11;
	[dreg:$0x9] =	wrdreg s26;
	s10 =	sshrl.u32 s24, $0x3  }
0x14: {  	s24 =	simm.s32 $0x50;
	s25 =	simm.s32 $0x2710;
	[dreg:$0x7] =	wrdreg s9  }
0x15: {  	s26 =	simm.s32 $0xE60;
	s0 =	sadd.s32 $0x38A200, s0;
	[dreg:$0xa] =	wrdreg s10  }
0x16: {  	v0 =	vlaneseq.u32;
	s11 =	simm.s32 $0x0;
	[dreg:$0x8] =	wrdreg s0;
	s0 =	simm.s32 $0xDD90  }
.LBB2_1:
0x17: {  	[dreg:$0xb] =	wrdreg s11  }
0x18: {  	s3 =	rddreg [dreg:$0x6]  }
0x19: {  	[spmem:s10], [sflag:s9] =	dma.local [hbm:s3], $0x1880  }
0x1a: {  	_ =	swait.ge [sflag:s19], $0x1880  }
0x1b: {  	[sflag:s19] =	ssyncset.done $0x0  }
0x1c: {  	s3 =	simm.s32 $0x0;
	s10 =	rddreg [dreg:$0x5];
	[sflag:s19] =	ssyncadd.s32 $0xFFFFE780  }
0x1d: {  	[tilespmem:s20], [sflag:$0x2] =	stream.linear.gather [hbm4b:s10+s3], $0x3E80, $0x38;
	[tilespmem:$0x1A6D0] =	vst v63  }
0x1e: {  	_ =	swait.ge [sflag:s19], $0x3E80  }
0x1f: {  	[sflag:s19] =	ssyncset.done $0x0  }
0x20: {  	s16 =	simm.s32 $0xE290;
	s11 =	rddreg [dreg:$0x3];
	[sflag:s19] =	ssyncadd.s32 $0xFFFFC180  }
0x21: {  	[tilespmem:s16], [sflag:$0x2] =	stream.linear.gather [hbm4b:s11+s3], $0x30, $0x38;
	[tilespmem:$0x1A6D0] =	vst v63  }
0x22: {  	_ =	swait.ge [sflag:s19], $0x30  }
0x23: {  	[sflag:s19] =	ssyncset.done $0x0  }
0x24: {  	s22 =	simm.s32 $0xE2C0;
	s17 =	rddreg [dreg:$0x4];
	[sflag:s19] =	ssyncadd.s32 $0xFFFFFFD0  }
0x25: {  	[tilespmem:s22], [sflag:$0x2] =	stream.linear.gather [hbm4b:s17+s3], $0x10, $0x38;
	[tilespmem:$0x1A6D0] =	vst v63  }
0x26: {  	_ =	swait.ge [sflag:s19], $0x10  }
0x27: {  	[sflag:s19] =	ssyncset.done $0x0  }
0x28: {  	[sflag:s19] =	ssyncadd.s32 $0xFFFFFFF0  }
0x29: {  	[bflag:$0x0] =	sbarrier.arrive $0xFFFF  }
0x2a: {  	v17 =	vld [tilespmem:$0xE290]  }
0x2b: {  	v18 =	vld [tilespmem:$0xE2A0]  }
0x2c: {  	v19 =	vld [tilespmem:$0xE2B0]  }
0x2d: {  	v20 =	vld [tilespmem:$0xE2C0];
	_ =	sdelay $0x3  }
0x2e: {  	v1 =	vbroadcast v17, $0x0;
	v2 =	vbroadcast v18, $0x0  }
0x2f: {  	v3 =	vbroadcast v19, $0x0;
	v4 =	vbroadcast v20, $0x0  }
0x30: {  	v5 =	vbroadcast v17, $0x1;
	v6 =	vbroadcast v18, $0x1  }
0x31: {  	v7 =	vbroadcast v19, $0x1;
	v8 =	vbroadcast v20, $0x1  }
0x32: {  	v9 =	vbroadcast v17, $0x2;
	v10 =	vbroadcast v18, $0x2  }
0x33: {  	v11 =	vbroadcast v19, $0x2;
	v12 =	vbroadcast v20, $0x2  }
0x34: {  	v13 =	vbroadcast v17, $0x3;
	v14 =	vbroadcast v18, $0x3  }
0x35: {  	v15 =	vbroadcast v19, $0x3;
	v16 =	vbroadcast v20, $0x3  }
0x36: {  	v17 =	vbroadcast v17, $0x4;
	v18 =	vbroadcast v18, $0x4  }
0x37: {  	s22 =	simm.s32 $0x0;
	v19 =	vbroadcast v19, $0x4;
	v20 =	vbroadcast v20, $0x4  }
.LBB2_2:
0x38: {  	s3 =	smul.u32 $0x7D0, s22;
	_ =	sdelay $0x1  }
0x39: {  	s3 =	sadd.s32 s14, s3  }
0x3a: {  	s3 =	sshrl.u32 s3, $0x3  }
0x3b: {  	s11 =	simm.s32 $0x0;
	s9 =	sadd.s32 s5, s3  }
0x3c: {  	[tilespmem:s11], [sflag:$0x2] =	stream.linear.gather [hbm4b:s9+s11], $0x7D0, $0x38;
	[tilespmem:$0x1A6D0] =	vst v63  }
0x3d: {  	s16 =	smul.u32 $0xFA, s22;
	_ =	swait.ge [sflag:s19], $0x7D0  }
0x3e: {  	[sflag:s19] =	ssyncset.done $0x0  }
0x3f: {  	s9 =	sadd.s32 s15, s16;
	[sflag:s19] =	ssyncadd.s32 $0xFFFFF830  }
0x40: {  	[tilespmem:s23], [sflag:$0x2] =	stream.linear.gather [hbm4b:s9+s11], $0x7D0, $0x38;
	[tilespmem:$0x1A6D0] =	vst v63  }
0x41: {  	_ =	swait.ge [sflag:s19], $0x7D0  }
0x42: {  	[sflag:s19] =	ssyncset.done $0x0  }
0x43: {  	s10 =	sadd.s32 s6, s3;
	s9 =	simm.s32 $0xFA0;
	[sflag:s19] =	ssyncadd.s32 $0xFFFFF830  }
0x44: {  	[tilespmem:s9], [sflag:$0x2] =	stream.linear.gather [hbm4b:s10+s11], $0x7D0, $0x38;
	[tilespmem:$0x1A6D0] =	vst v63  }
0x45: {  	_ =	swait.ge [sflag:s19], $0x7D0  }
0x46: {  	[sflag:s19] =	ssyncset.done $0x0  }
0x47: {  	s16 =	sadd.s32 s7, s3;
	s10 =	simm.s32 $0x1770;
	[sflag:s19] =	ssyncadd.s32 $0xFFFFF830  }
0x48: {  	[tilespmem:s10], [sflag:$0x2] =	stream.linear.gather [hbm4b:s16+s11], $0x7D0, $0x38;
	[tilespmem:$0x1A6D0] =	vst v63  }
0x49: {  	_ =	swait.ge [sflag:s19], $0x7D0  }
0x4a: {  	[sflag:s19] =	ssyncset.done $0x0  }
0x4b: {  	s3 =	sadd.s32 s8, s3;
	s16 =	simm.s32 $0x1F40;
	[sflag:s19] =	ssyncadd.s32 $0xFFFFF830  }
0x4c: {  	[tilespmem:s16], [sflag:$0x2] =	stream.linear.gather [hbm4b:s3+s11], $0x7D0, $0x38;
	[tilespmem:$0x1A6D0] =	vst v63  }
0x4d: {  	_ =	swait.ge [sflag:s19], $0x7D0  }
0x4e: {  	[sflag:s19] =	ssyncset.done $0x0  }
0x4f: {  	[sflag:s19] =	ssyncadd.s32 $0xFFFFF830  }
0x50: {  	[tilespmem:s25], [sflag:$0x1] =	stream.indirect.gather [hbm4b:s4+s24], $0x10, s11, s24, $0xb8;
	[tilespmem:$0x1A6D0] =	vst v63  }
0x51: {  	s17 =	simm.s32 $0x2C10  }
0x52: {  	[tilespmem:s17], [sflag:$0x1] =	stream.indirect.gather [hbm4b:s4+s24], $0x10, s24, s24, $0xb8;
	[tilespmem:$0x1A6D0] =	vst v63  }
0x53: {  	s3 =	simm.s32 $0xA0;
	s17 =	simm.s32 $0x3110  }
0x54: {  	[tilespmem:s17], [sflag:$0x1] =	stream.indirect.gather [hbm4b:s4+s24], $0x10, s3, s24, $0xb8;
	[tilespmem:$0x1A6D0] =	vst v63  }
0x55: {  	s3 =	simm.s32 $0xF0;
	s17 =	simm.s32 $0x3610  }
0x56: {  	[tilespmem:s17], [sflag:$0x1] =	stream.indirect.gather [hbm4b:s4+s24], $0x10, s3, s24, $0xb8;
	[tilespmem:$0x1A6D0] =	vst v63  }
0x57: {  	s3 =	simm.s32 $0x140;
	s17 =	simm.s32 $0x3B10  }
0x58: {  	[tilespmem:s17], [sflag:$0x1] =	stream.indirect.gather [hbm4b:s4+s24], $0x10, s3, s24, $0xb8;
	[tilespmem:$0x1A6D0] =	vst v63  }
0x59: {  	s3 =	simm.s32 $0x190;
	s17 =	simm.s32 $0x4010  }
0x5a: {  	[tilespmem:s17], [sflag:$0x1] =	stream.indirect.gather [hbm4b:s4+s24], $0x10, s3, s24, $0xb8;
	[tilespmem:$0x1A6D0] =	vst v63  }
0x5b: {  	s3 =	simm.s32 $0x1E0;
	s17 =	simm.s32 $0x4510  }
0x5c: {  	[tilespmem:s17], [sflag:$0x1] =	stream.indirect.gather [hbm4b:s4+s24], $0x10, s3, s24, $0xb8;
	[tilespmem:$0x1A6D0] =	vst v63  }
0x5d: {  	s3 =	simm.s32 $0x230;
	s17 =	simm.s32 $0x4A10  }
0x5e: {  	[tilespmem:s17], [sflag:$0x1] =	stream.indirect.gather [hbm4b:s4+s24], $0x10, s3, s24, $0xb8;
	[tilespmem:$0x1A6D0] =	vst v63  }
0x5f: {  	s3 =	simm.s32 $0x280;
	s17 =	simm.s32 $0x4F10  }
0x60: {  	[tilespmem:s17], [sflag:$0x1] =	stream.indirect.gather [hbm4b:s4+s24], $0x10, s3, s24, $0xb8;
	[tilespmem:$0x1A6D0] =	vst v63  }
0x61: {  	s3 =	simm.s32 $0x2D0;
	s17 =	simm.s32 $0x5410  }
0x62: {  	[tilespmem:s17], [sflag:$0x1] =	stream.indirect.gather [hbm4b:s4+s24], $0x10, s3, s24, $0xb8;
	[tilespmem:$0x1A6D0] =	vst v63  }
0x63: {  	s3 =	simm.s32 $0x320;
	s17 =	simm.s32 $0x5910  }
0x64: {  	[tilespmem:s17], [sflag:$0x1] =	stream.indirect.gather [hbm4b:s4+s24], $0x10, s3, s24, $0xb8;
	[tilespmem:$0x1A6D0] =	vst v63  }
0x65: {  	s3 =	simm.s32 $0x370;
	s17 =	simm.s32 $0x5E10  }
0x66: {  	[tilespmem:s17], [sflag:$0x1] =	stream.indirect.gather [hbm4b:s4+s24], $0x10, s3, s24, $0xb8;
	[tilespmem:$0x1A6D0] =	vst v63  }
0x67: {  	s3 =	simm.s32 $0x3C0;
	s17 =	simm.s32 $0x6310  }
0x68: {  	[tilespmem:s17], [sflag:$0x1] =	stream.indirect.gather [hbm4b:s4+s24], $0x10, s3, s24, $0xb8;
	[tilespmem:$0x1A6D0] =	vst v63  }
0x69: {  	s3 =	simm.s32 $0x410;
	s17 =	simm.s32 $0x6810  }
0x6a: {  	[tilespmem:s17], [sflag:$0x1] =	stream.indirect.gather [hbm4b:s4+s24], $0x10, s3, s24, $0xb8;
	[tilespmem:$0x1A6D0] =	vst v63  }
0x6b: {  	s3 =	simm.s32 $0x460;
	s17 =	simm.s32 $0x6D10  }
0x6c: {  	[tilespmem:s17], [sflag:$0x1] =	stream.indirect.gather [hbm4b:s4+s24], $0x10, s3, s24, $0xb8;
	[tilespmem:$0x1A6D0] =	vst v63  }
0x6d: {  	s3 =	simm.s32 $0x4B0;
	s17 =	simm.s32 $0x7210  }
0x6e: {  	[tilespmem:s17], [sflag:$0x1] =	stream.indirect.gather [hbm4b:s4+s24], $0x10, s3, s24, $0xb8;
	[tilespmem:$0x1A6D0] =	vst v63  }
0x6f: {  	s3 =	simm.s32 $0x500;
	s17 =	simm.s32 $0x7710  }
0x70: {  	[tilespmem:s17], [sflag:$0x1] =	stream.indirect.gather [hbm4b:s4+s24], $0x10, s3, s24, $0xb8;
	[tilespmem:$0x1A6D0] =	vst v63  }
0x71: {  	s3 =	simm.s32 $0x550;
	s17 =	simm.s32 $0x7C10  }
0x72: {  	[tilespmem:s17], [sflag:$0x1] =	stream.indirect.gather [hbm4b:s4+s24], $0x10, s3, s24, $0xb8;
	[tilespmem:$0x1A6D0] =	vst v63  }
0x73: {  	s3 =	simm.s32 $0x5A0;
	s17 =	simm.s32 $0x8110  }
0x74: {  	[tilespmem:s17], [sflag:$0x1] =	stream.indirect.gather [hbm4b:s4+s24], $0x10, s3, s24, $0xb8;
	[tilespmem:$0x1A6D0] =	vst v63  }
0x75: {  	s3 =	simm.s32 $0x5F0;
	s17 =	simm.s32 $0x8610  }
0x76: {  	[tilespmem:s17], [sflag:$0x1] =	stream.indirect.gather [hbm4b:s4+s24], $0x10, s3, s24, $0xb8;
	[tilespmem:$0x1A6D0] =	vst v63  }
0x77: {  	s3 =	simm.s32 $0x640;
	s17 =	simm.s32 $0x8B10  }
0x78: {  	[tilespmem:s17], [sflag:$0x1] =	stream.indirect.gather [hbm4b:s4+s24], $0x10, s3, s24, $0xb8;
	[tilespmem:$0x1A6D0] =	vst v63  }
0x79: {  	s3 =	simm.s32 $0x690;
	s17 =	simm.s32 $0x9010  }
0x7a: {  	[tilespmem:s17], [sflag:$0x1] =	stream.indirect.gather [hbm4b:s4+s24], $0x10, s3, s24, $0xb8;
	[tilespmem:$0x1A6D0] =	vst v63  }
0x7b: {  	s3 =	simm.s32 $0x6E0;
	s17 =	simm.s32 $0x9510  }
0x7c: {  	[tilespmem:s17], [sflag:$0x1] =	stream.indirect.gather [hbm4b:s4+s24], $0x10, s3, s24, $0xb8;
	[tilespmem:$0x1A6D0] =	vst v63  }
0x7d: {  	s3 =	simm.s32 $0x730;
	s17 =	simm.s32 $0x9A10  }
0x7e: {  	[tilespmem:s17], [sflag:$0x1] =	stream.indirect.gather [hbm4b:s4+s24], $0x10, s3, s24, $0xb8;
	[tilespmem:$0x1A6D0] =	vst v63  }
0x7f: {  	s3 =	simm.s32 $0x780;
	s17 =	simm.s32 $0x9F10  }
0x80: {  	[tilespmem:s17], [sflag:$0x1] =	stream.indirect.gather [hbm4b:s4+s24], $0x10, s3, s24, $0xb8;
	[tilespmem:$0x1A6D0] =	vst v63  }
0x81: {  	_ =	swait.ge [sflag:s12], $0x500  }
0x82: {  	[sflag:s12] =	ssyncset.done $0x0  }
0x83: {  	[sflag:s12] =	ssyncadd.s32 $0xFFFFFB00  }
0x84: {  	_ =	swait.ge [sflag:s12], $0x500  }
0x85: {  	[sflag:s12] =	ssyncset.done $0x0  }
0x86: {  	[sflag:s12] =	ssyncadd.s32 $0xFFFFFB00  }
0x87: {  	_ =	swait.ge [sflag:s12], $0x500  }
0x88: {  	[sflag:s12] =	ssyncset.done $0x0  }
0x89: {  	[sflag:s12] =	ssyncadd.s32 $0xFFFFFB00  }
0x8a: {  	_ =	swait.ge [sflag:s12], $0x500  }
0x8b: {  	[sflag:s12] =	ssyncset.done $0x0  }
0x8c: {  	[sflag:s12] =	ssyncadd.s32 $0xFFFFFB00  }
0x8d: {  	_ =	swait.ge [sflag:s12], $0x500  }
0x8e: {  	[sflag:s12] =	ssyncset.done $0x0  }
0x8f: {  	[sflag:s12] =	ssyncadd.s32 $0xFFFFFB00  }
0x90: {  	_ =	swait.ge [sflag:s12], $0x500  }
0x91: {  	[sflag:s12] =	ssyncset.done $0x0  }
0x92: {  	[sflag:s12] =	ssyncadd.s32 $0xFFFFFB00  }
0x93: {  	_ =	swait.ge [sflag:s12], $0x500  }
0x94: {  	[sflag:s12] =	ssyncset.done $0x0  }
0x95: {  	[sflag:s12] =	ssyncadd.s32 $0xFFFFFB00  }
0x96: {  	_ =	swait.ge [sflag:s12], $0x500  }
0x97: {  	[sflag:s12] =	ssyncset.done $0x0  }
0x98: {  	[sflag:s12] =	ssyncadd.s32 $0xFFFFFB00  }
0x99: {  	_ =	swait.ge [sflag:s12], $0x500  }
0x9a: {  	[sflag:s12] =	ssyncset.done $0x0  }
0x9b: {  	[sflag:s12] =	ssyncadd.s32 $0xFFFFFB00  }
0x9c: {  	_ =	swait.ge [sflag:s12], $0x500  }
0x9d: {  	[sflag:s12] =	ssyncset.done $0x0  }
0x9e: {  	[sflag:s12] =	ssyncadd.s32 $0xFFFFFB00  }
0x9f: {  	_ =	swait.ge [sflag:s12], $0x500  }
0xa0: {  	[sflag:s12] =	ssyncset.done $0x0  }
0xa1: {  	[sflag:s12] =	ssyncadd.s32 $0xFFFFFB00  }
0xa2: {  	_ =	swait.ge [sflag:s12], $0x500  }
0xa3: {  	[sflag:s12] =	ssyncset.done $0x0  }
0xa4: {  	[sflag:s12] =	ssyncadd.s32 $0xFFFFFB00  }
0xa5: {  	_ =	swait.ge [sflag:s12], $0x500  }
0xa6: {  	[sflag:s12] =	ssyncset.done $0x0  }
0xa7: {  	[sflag:s12] =	ssyncadd.s32 $0xFFFFFB00  }
0xa8: {  	_ =	swait.ge [sflag:s12], $0x500  }
0xa9: {  	[sflag:s12] =	ssyncset.done $0x0  }
0xaa: {  	[sflag:s12] =	ssyncadd.s32 $0xFFFFFB00  }
0xab: {  	_ =	swait.ge [sflag:s12], $0x500  }
0xac: {  	[sflag:s12] =	ssyncset.done $0x0  }
0xad: {  	[sflag:s12] =	ssyncadd.s32 $0xFFFFFB00  }
0xae: {  	_ =	swait.ge [sflag:s12], $0x500  }
0xaf: {  	[sflag:s12] =	ssyncset.done $0x0  }
0xb0: {  	[sflag:s12] =	ssyncadd.s32 $0xFFFFFB00  }
0xb1: {  	_ =	swait.ge [sflag:s12], $0x500  }
0xb2: {  	[sflag:s12] =	ssyncset.done $0x0  }
0xb3: {  	[sflag:s12] =	ssyncadd.s32 $0xFFFFFB00  }
0xb4: {  	_ =	swait.ge [sflag:s12], $0x500  }
0xb5: {  	[sflag:s12] =	ssyncset.done $0x0  }
0xb6: {  	[sflag:s12] =	ssyncadd.s32 $0xFFFFFB00  }
0xb7: {  	_ =	swait.ge [sflag:s12], $0x500  }
0xb8: {  	[sflag:s12] =	ssyncset.done $0x0  }
0xb9: {  	[sflag:s12] =	ssyncadd.s32 $0xFFFFFB00  }
0xba: {  	_ =	swait.ge [sflag:s12], $0x500  }
0xbb: {  	[sflag:s12] =	ssyncset.done $0x0  }
0xbc: {  	[sflag:s12] =	ssyncadd.s32 $0xFFFFFB00  }
0xbd: {  	_ =	swait.ge [sflag:s12], $0x500  }
0xbe: {  	[sflag:s12] =	ssyncset.done $0x0  }
0xbf: {  	[sflag:s12] =	ssyncadd.s32 $0xFFFFFB00  }
0xc0: {  	_ =	swait.ge [sflag:s12], $0x500  }
0xc1: {  	[sflag:s12] =	ssyncset.done $0x0  }
0xc2: {  	[sflag:s12] =	ssyncadd.s32 $0xFFFFFB00  }
0xc3: {  	_ =	swait.ge [sflag:s12], $0x500  }
0xc4: {  	[sflag:s12] =	ssyncset.done $0x0  }
0xc5: {  	[sflag:s12] =	ssyncadd.s32 $0xFFFFFB00  }
0xc6: {  	_ =	swait.ge [sflag:s12], $0x500  }
0xc7: {  	v21 =	vor.u32 s11, v0;
	[sflag:s12] =	ssyncset.done $0x0  }
0xc8: {  	v22 =	vshll.u32 v21, $0x4;
	[sflag:s12] =	ssyncadd.s32 $0xFFFFFB00  }
0xc9: {  	_ =	swait.ge [sflag:s12], $0x500  }
0xca: {  	[sflag:s12] =	ssyncset.done $0x0  }
0xcb: {  	[sflag:s12] =	ssyncadd.s32 $0xFFFFFB00  }
0xcc: {  	v23 =	vld [tilespmem:s9+$0x0]  }
0xcd: {  	v24 =	vld.idx.msk [tilespmem:v22+s25+$0x0], $0xffff  }
0xce: {  	v25 =	vld [tilespmem:s10+$0x0];
	_ =	sdelay $0x1  }
0xcf: {  	v26 =	vld [tilespmem:s16+$0x0]  }
0xd0: {  	v27 =	vmul.f32 v23, v1;
	_ =	sdelay $0x1  }
0xd1: {  	v24 =	vadd.f32 v24, v27;
	v27 =	vmul.f32 v25, v2;
	_ =	sdelay $0x1  }
0xd2: {  	v24 =	vadd.f32 v24, v27;
	v27 =	vmul.f32 v26, v3;
	_ =	sdelay $0x1  }
0xd3: {  	v21 =	vshll.u32 v21, $0x3;
	v24 =	vadd.f32 v24, v27  }
0xd4: {  	v27 =	vor.u32 $0x1, v22  }
0xd5: {  	v24 =	vadd.f32 v24, v4;
	_ =	sdelay $0x1  }
0xd6: {  	v24 =	vmax.f32 v24, $0.0e+00  }
0xd7: {  	[tilespmem:v21+s20+$0x0] =	vst.idx.msk $0xffff, v24  }
0xd8: {  	v24 =	vld.idx.msk [tilespmem:v27+s25+$0x0], $0xffff;
	_ =	sdelay $0x2  }
0xd9: {  	v27 =	vmul.f32 v23, v5;
	_ =	sdelay $0x1  }
0xda: {  	v24 =	vadd.f32 v24, v27;
	v27 =	vmul.f32 v25, v6;
	_ =	sdelay $0x1  }
0xdb: {  	v24 =	vadd.f32 v24, v27;
	v27 =	vmul.f32 v26, v7;
	_ =	sdelay $0x1  }
0xdc: {  	v24 =	vadd.f32 v24, v27;
	v27 =	vor.u32 $0x1, v21  }
0xdd: {  	v28 =	vor.u32 $0x2, v22  }
0xde: {  	v24 =	vadd.f32 v24, v8;
	_ =	sdelay $0x1  }
0xdf: {  	v24 =	vmax.f32 v24, $0.0e+00  }
0xe0: {  	[tilespmem:v27+s20+$0x0] =	vst.idx.msk $0xffff, v24  }
0xe1: {  	v24 =	vld.idx.msk [tilespmem:v28+s25+$0x0], $0xffff;
	_ =	sdelay $0x2  }
0xe2: {  	v27 =	vmul.f32 v23, v9;
	_ =	sdelay $0x1  }
0xe3: {  	v24 =	vadd.f32 v24, v27;
	v27 =	vmul.f32 v25, v10;
	_ =	sdelay $0x1  }
0xe4: {  	v24 =	vadd.f32 v24, v27;
	v27 =	vmul.f32 v26, v11;
	_ =	sdelay $0x1  }
0xe5: {  	v24 =	vadd.f32 v24, v27;
	v27 =	vor.u32 $0x2, v21  }
0xe6: {  	v63 =	vor.u32 $0x3, v22  }
0xe7: {  	v24 =	vadd.f32 v24, v12;
	_ =	sdelay $0x1  }
0xe8: {  	v24 =	vmax.f32 v24, $0.0e+00  }
0xe9: {  	[tilespmem:v27+s20+$0x0] =	vst.idx.msk $0xffff, v24  }
0xea: {  	v24 =	vld.idx.msk [tilespmem:v63+s25+$0x0], $0xffff;
	_ =	sdelay $0x2  }
0xeb: {  	v27 =	vmul.f32 v23, v13;
	_ =	sdelay $0x1  }
0xec: {  	v24 =	vadd.f32 v24, v27;
	v27 =	vmul.f32 v25, v14;
	_ =	sdelay $0x1  }
0xed: {  	v24 =	vadd.f32 v24, v27;
	v27 =	vmul.f32 v26, v15;
	_ =	sdelay $0x1  }
0xee: {  	v24 =	vadd.f32 v24, v27;
	v27 =	vor.u32 $0x3, v21  }
0xef: {  	v22 =	vor.u32 $0x4, v22  }
0xf0: {  	v24 =	vadd.f32 v24, v16;
	_ =	sdelay $0x1  }
0xf1: {  	v24 =	vmax.f32 v24, $0.0e+00  }
0xf2: {  	[tilespmem:v27+s20+$0x0] =	vst.idx.msk $0xffff, v24  }
0xf3: {  	v22 =	vld.idx.msk [tilespmem:v22+s25+$0x0], $0xffff;
	_ =	sdelay $0x2  }
0xf4: {  	v23 =	vmul.f32 v23, v17;
	_ =	sdelay $0x1  }
0xf5: {  	v22 =	vadd.f32 v22, v23;
	v23 =	vmul.f32 v25, v18;
	_ =	sdelay $0x1  }
0xf6: {  	v22 =	vadd.f32 v22, v23;
	v23 =	vmul.f32 v26, v19;
	_ =	sdelay $0x1  }
0xf7: {  	v22 =	vadd.f32 v22, v23  }
0xf8: {  	s17 =	simm.s32 $0x10;
	v23 =	vor.u32 $0x4, v21  }
0xf9: {  	v24 =	vadd.f32 v22, v20;
	v22 =	vor.u32 s17, v0  }
0xfa: {  	v21 =	vshll.u32 v22, $0x4  }
0xfb: {  	s16 =	simm.s32 $0x1F50;
	s17 =	simm.s32 $0x20;
	v24 =	vmax.f32 v24, $0.0e+00  }
.LBB2_3:
0xfc: {  	s9 =	sadd.s32 $0x10, s9  }
0xfd: {  	[tilespmem:v23+s20+$0x0] =	vst.idx.msk $0xffff, v24;
	s10 =	sadd.s32 $0x10, s10;
	s11 =	smov.u32 s17;
	s3 =	sadd.s32 $0x10, s17  }
0xfe: {  	p0 =	sne.s32 s17, $0x7C0;
	v23 =	vld [tilespmem:s9+$0x0]  }
0xff: {  	v24 =	vld.idx.msk [tilespmem:v21+s25+$0x0], $0xffff  }
0x100: {  	v25 =	vld [tilespmem:s10+$0x0];
	_ =	sdelay $0x1  }
0x101: {  	v26 =	vld [tilespmem:s16+$0x0]  }
0x102: {  	v27 =	vmul.f32 v23, v1;
	_ =	sdelay $0x1  }
0x103: {  	v24 =	vadd.f32 v24, v27;
	v27 =	vmul.f32 v25, v2;
	_ =	sdelay $0x1  }
0x104: {  	v24 =	vadd.f32 v24, v27;
	v27 =	vmul.f32 v26, v3;
	_ =	sdelay $0x1  }
0x105: {  	v22 =	vshll.u32 v22, $0x3;
	v24 =	vadd.f32 v24, v27  }
0x106: {  	v27 =	vor.u32 $0x1, v21  }
0x107: {  	v24 =	vadd.f32 v24, v4;
	_ =	sdelay $0x1  }
0x108: {  	v24 =	vmax.f32 v24, $0.0e+00  }
0x109: {  	[tilespmem:v22+s20+$0x0] =	vst.idx.msk $0xffff, v24  }
0x10a: {  	v24 =	vld.idx.msk [tilespmem:v27+s25+$0x0], $0xffff;
	_ =	sdelay $0x3  }
0x10b: {  	v27 =	vmul.f32 v23, v5;
	_ =	sdelay $0x1  }
0x10c: {  	v24 =	vadd.f32 v24, v27;
	v27 =	vmul.f32 v25, v6;
	_ =	sdelay $0x1  }
0x10d: {  	v24 =	vadd.f32 v24, v27;
	v27 =	vmul.f32 v26, v7;
	_ =	sdelay $0x1  }
0x10e: {  	v24 =	vadd.f32 v24, v27;
	v27 =	vor.u32 $0x1, v22  }
0x10f: {  	v28 =	vor.u32 $0x2, v21  }
0x110: {  	v24 =	vadd.f32 v24, v8;
	_ =	sdelay $0x1  }
0x111: {  	v24 =	vmax.f32 v24, $0.0e+00  }
0x112: {  	[tilespmem:v27+s20+$0x0] =	vst.idx.msk $0xffff, v24  }
0x113: {  	v24 =	vld.idx.msk [tilespmem:v28+s25+$0x0], $0xffff;
	_ =	sdelay $0x3  }
0x114: {  	v27 =	vmul.f32 v23, v9;
	_ =	sdelay $0x1  }
0x115: {  	v24 =	vadd.f32 v24, v27;
	v27 =	vmul.f32 v25, v10;
	_ =	sdelay $0x1  }
0x116: {  	v24 =	vadd.f32 v24, v27;
	v27 =	vmul.f32 v26, v11;
	_ =	sdelay $0x1  }
0x117: {  	v24 =	vadd.f32 v24, v27;
	v27 =	vor.u32 $0x2, v22  }
0x118: {  	v28 =	vor.u32 $0x3, v21  }
0x119: {  	v24 =	vadd.f32 v24, v12;
	_ =	sdelay $0x1  }
0x11a: {  	v24 =	vmax.f32 v24, $0.0e+00  }
0x11b: {  	[tilespmem:v27+s20+$0x0] =	vst.idx.msk $0xffff, v24  }
0x11c: {  	v24 =	vld.idx.msk [tilespmem:v28+s25+$0x0], $0xffff;
	_ =	sdelay $0x3  }
0x11d: {  	v27 =	vmul.f32 v23, v13;
	_ =	sdelay $0x1  }
0x11e: {  	v24 =	vadd.f32 v24, v27;
	v27 =	vmul.f32 v25, v14;
	_ =	sdelay $0x1  }
0x11f: {  	v24 =	vadd.f32 v24, v27;
	v27 =	vmul.f32 v26, v15;
	_ =	sdelay $0x1  }
0x120: {  	v24 =	vadd.f32 v24, v27;
	v27 =	vor.u32 $0x3, v22  }
0x121: {  	v21 =	vor.u32 $0x4, v21  }
0x122: {  	v24 =	vadd.f32 v24, v16;
	_ =	sdelay $0x1  }
0x123: {  	v24 =	vmax.f32 v24, $0.0e+00  }
0x124: {  	[tilespmem:v27+s20+$0x0] =	vst.idx.msk $0xffff, v24  }
0x125: {  	v21 =	vld.idx.msk [tilespmem:v21+s25+$0x0], $0xffff;
	_ =	sdelay $0x3  }
0x126: {  	v23 =	vmul.f32 v23, v17;
	_ =	sdelay $0x1  }
0x127: {  	v21 =	vadd.f32 v21, v23;
	v23 =	vmul.f32 v25, v18;
	_ =	sdelay $0x1  }
0x128: {  	v21 =	vadd.f32 v21, v23;
	v23 =	vmul.f32 v26, v19;
	_ =	sdelay $0x1  }
.Ltmp0:
0x129: {  	v24 =	vadd.f32 v21, v23;
	v23 =	vor.u32 $0x4, v22;
	(pc) =	sbr.rel @p0 .LBB2_3-.Ltmp0, $3  }
0x12a: {  	v22 =	vor.u32 s11, v0  }
0x12b: {  	v21 =	vshll.u32 v22, $0x4;
	v24 =	vadd.f32 v24, v20;
	_ =	sdelay $0x1  }
0x12c: {  	s17 =	smov.u32 s3;
	s16 =	sadd.s32 $0x10, s16;
	v24 =	vmax.f32 v24, $0.0e+00  }
0x12d: {  	_ =	sdelay $0x3  }
0x12e: {  	[tilespmem:v23+s20+$0x0] =	vst.idx.msk $0xffff, v24;
	s3 =	sadd.s32 $0x10, s9  }
0x12f: {  	s11 =	sadd.s32 $0x10, s10;
	v23 =	vld [tilespmem:s3+$0x0]  }
0x130: {  	v24 =	vld [tilespmem:s11+$0x0]  }
0x131: {  	v25 =	vld.idx.msk [tilespmem:v21+s25+$0x0], $0xffff;
	_ =	sdelay $0x1  }
0x132: {  	v26 =	vld [tilespmem:s16+$0x0]  }
0x133: {  	v27 =	vmul.f32 v23, v1;
	_ =	sdelay $0x1  }
0x134: {  	v48 =	vmul.f32 v24, v2;
	v25 =	vadd.f32 v25, v27;
	_ =	sdelay $0x1  }
0x135: {  	v49 =	vmul.f32 v26, v3;
	v25 =	vadd.f32 v25, v48;
	_ =	sdelay $0x1  }
0x136: {  	v22 =	vshll.u32 v22, $0x3;
	v25 =	vadd.f32 v25, v49  }
0x137: {  	v50 =	vor.u32 $0x1, v21  }
0x138: {  	v25 =	vadd.f32 v25, v4;
	_ =	sdelay $0x1  }
0x139: {  	v25 =	vmax.f32 v25, $0.0e+00  }
0x13a: {  	[tilespmem:v22+s20+$0x0] =	vst.idx.msk $0xffff, v25  }
0x13b: {  	v25 =	vld.idx.msk [tilespmem:v50+s25+$0x0], $0xffff;
	_ =	sdelay $0x2  }
0x13c: {  	v51 =	vmul.f32 v23, v5;
	_ =	sdelay $0x1  }
0x13d: {  	v52 =	vmul.f32 v24, v6;
	v25 =	vadd.f32 v25, v51;
	_ =	sdelay $0x1  }
0x13e: {  	v53 =	vmul.f32 v26, v7;
	v25 =	vadd.f32 v25, v52;
	_ =	sdelay $0x1  }
0x13f: {  	v54 =	vor.u32 $0x1, v22;
	v25 =	vadd.f32 v25, v53  }
0x140: {  	v28 =	vor.u32 $0x2, v21  }
0x141: {  	v25 =	vadd.f32 v25, v8;
	_ =	sdelay $0x1  }
0x142: {  	v25 =	vmax.f32 v25, $0.0e+00  }
0x143: {  	[tilespmem:v54+s20+$0x0] =	vst.idx.msk $0xffff, v25  }
0x144: {  	v25 =	vld.idx.msk [tilespmem:v28+s25+$0x0], $0xffff;
	_ =	sdelay $0x2  }
0x145: {  	v55 =	vmul.f32 v23, v9;
	_ =	sdelay $0x1  }
0x146: {  	v56 =	vmul.f32 v24, v10;
	v25 =	vadd.f32 v25, v55;
	_ =	sdelay $0x1  }
0x147: {  	v57 =	vmul.f32 v26, v11;
	v25 =	vadd.f32 v25, v56;
	_ =	sdelay $0x1  }
0x148: {  	v58 =	vor.u32 $0x2, v22;
	v25 =	vadd.f32 v25, v57  }
0x149: {  	v59 =	vor.u32 $0x3, v21  }
0x14a: {  	v25 =	vadd.f32 v25, v12;
	_ =	sdelay $0x1  }
0x14b: {  	v25 =	vmax.f32 v25, $0.0e+00  }
0x14c: {  	[tilespmem:v58+s20+$0x0] =	vst.idx.msk $0xffff, v25  }
0x14d: {  	v25 =	vld.idx.msk [tilespmem:v59+s25+$0x0], $0xffff;
	_ =	sdelay $0x2  }
0x14e: {  	v60 =	vmul.f32 v23, v13;
	_ =	sdelay $0x1  }
0x14f: {  	v61 =	vmul.f32 v24, v14;
	v25 =	vadd.f32 v25, v60;
	_ =	sdelay $0x1  }
0x150: {  	v62 =	vmul.f32 v26, v15;
	v25 =	vadd.f32 v25, v61;
	_ =	sdelay $0x1  }
0x151: {  	v63 =	vor.u32 $0x3, v22;
	v25 =	vadd.f32 v25, v62  }
0x152: {  	v21 =	vor.u32 $0x4, v21  }
0x153: {  	v25 =	vadd.f32 v25, v16;
	_ =	sdelay $0x1  }
0x154: {  	v25 =	vmax.f32 v25, $0.0e+00  }
0x155: {  	[tilespmem:v63+s20+$0x0] =	vst.idx.msk $0xffff, v25  }
0x156: {  	v21 =	vld.idx.msk [tilespmem:v21+s25+$0x0], $0xffff;
	_ =	sdelay $0x2  }
0x157: {  	v23 =	vmul.f32 v23, v17;
	_ =	sdelay $0x1  }
0x158: {  	v21 =	vadd.f32 v21, v23;
	v23 =	vmul.f32 v24, v18;
	_ =	sdelay $0x1  }
0x159: {  	v21 =	vadd.f32 v21, v23;
	v23 =	vmul.f32 v26, v19;
	_ =	sdelay $0x1  }
0x15a: {  	v22 =	vor.u32 $0x4, v22;
	v21 =	vadd.f32 v21, v23;
	_ =	sdelay $0x1  }
0x15b: {  	v21 =	vadd.f32 v21, v20;
	_ =	sdelay $0x1  }
0x15c: {  	v21 =	vmax.f32 v21, $0.0e+00  }
0x15d: {  	[tilespmem:v22+s20+$0x0] =	vst.idx.msk $0xffff, v21  }
0x15e: {  	[spmem:s2] =	stream.indirect.scatter.add.f32 [tilespmem:s20], [sflag:$0x2], $0x8, s23, s24, $0xb8;
	[tilespmem:$0x1A6D0] =	vst v63  }
0x15f: {  	_ =	swait.ge [sflag:s19], $0x280  }
0x160: {  	[sflag:s19] =	ssyncset.done $0x0  }
0x161: {  	s17 =	simm.s32 $0xA690;
	s16 =	simm.s32 $0x820;
	[sflag:s19] =	ssyncadd.s32 $0xFFFFFD80  }
0x162: {  	[spmem:s2] =	stream.indirect.scatter.add.f32 [tilespmem:s17], [sflag:$0x2], $0x8, s16, s24, $0xb8;
	[tilespmem:$0x1A6D0] =	vst v63  }
0x163: {  	_ =	swait.ge [sflag:s19], $0x280  }
0x164: {  	[sflag:s19] =	ssyncset.done $0x0  }
0x165: {  	s10 =	simm.s32 $0x870;
	s11 =	simm.s32 $0xA910;
	[sflag:s19] =	ssyncadd.s32 $0xFFFFFD80  }
0x166: {  	[spmem:s2] =	stream.indirect.scatter.add.f32 [tilespmem:s11], [sflag:$0x2], $0x8, s10, s24, $0xb8;
	[tilespmem:$0x1A6D0] =	vst v63  }
0x167: {  	_ =	swait.ge [sflag:s19], $0x280  }
0x168: {  	[sflag:s19] =	ssyncset.done $0x0  }
0x169: {  	s16 =	simm.s32 $0x8C0;
	s17 =	simm.s32 $0xAB90;
	[sflag:s19] =	ssyncadd.s32 $0xFFFFFD80  }
0x16a: {  	[spmem:s2] =	stream.indirect.scatter.add.f32 [tilespmem:s17], [sflag:$0x2], $0x8, s16, s24, $0xb8;
	[tilespmem:$0x1A6D0] =	vst v63  }
0x16b: {  	_ =	swait.ge [sflag:s19], $0x280  }
0x16c: {  	[sflag:s19] =	ssyncset.done $0x0  }
0x16d: {  	s10 =	simm.s32 $0x910;
	s11 =	simm.s32 $0xAE10;
	[sflag:s19] =	ssyncadd.s32 $0xFFFFFD80  }
0x16e: {  	[spmem:s2] =	stream.indirect.scatter.add.f32 [tilespmem:s11], [sflag:$0x2], $0x8, s10, s24, $0xb8;
	[tilespmem:$0x1A6D0] =	vst v63  }
0x16f: {  	_ =	swait.ge [sflag:s19], $0x280  }
0x170: {  	[sflag:s19] =	ssyncset.done $0x0  }
0x171: {  	s16 =	simm.s32 $0x960;
	s17 =	simm.s32 $0xB090;
	[sflag:s19] =	ssyncadd.s32 $0xFFFFFD80  }
0x172: {  	[spmem:s2] =	stream.indirect.scatter.add.f32 [tilespmem:s17], [sflag:$0x2], $0x8, s16, s24, $0xb8;
	[tilespmem:$0x1A6D0] =	vst v63  }
0x173: {  	_ =	swait.ge [sflag:s19], $0x280  }
0x174: {  	[sflag:s19] =	ssyncset.done $0x0  }
0x175: {  	s10 =	simm.s32 $0x9B0;
	s11 =	simm.s32 $0xB310;
	[sflag:s19] =	ssyncadd.s32 $0xFFFFFD80  }
0x176: {  	[spmem:s2] =	stream.indirect.scatter.add.f32 [tilespmem:s11], [sflag:$0x2], $0x8, s10, s24, $0xb8;
	[tilespmem:$0x1A6D0] =	vst v63  }
0x177: {  	_ =	swait.ge [sflag:s19], $0x280  }
0x178: {  	[sflag:s19] =	ssyncset.done $0x0  }
0x179: {  	s16 =	simm.s32 $0xA00;
	s17 =	simm.s32 $0xB590;
	[sflag:s19] =	ssyncadd.s32 $0xFFFFFD80  }
0x17a: {  	[spmem:s2] =	stream.indirect.scatter.add.f32 [tilespmem:s17], [sflag:$0x2], $0x8, s16, s24, $0xb8;
	[tilespmem:$0x1A6D0] =	vst v63  }
0x17b: {  	_ =	swait.ge [sflag:s19], $0x280  }
0x17c: {  	[sflag:s19] =	ssyncset.done $0x0  }
0x17d: {  	s10 =	simm.s32 $0xA50;
	s11 =	simm.s32 $0xB810;
	[sflag:s19] =	ssyncadd.s32 $0xFFFFFD80  }
0x17e: {  	[spmem:s2] =	stream.indirect.scatter.add.f32 [tilespmem:s11], [sflag:$0x2], $0x8, s10, s24, $0xb8;
	[tilespmem:$0x1A6D0] =	vst v63  }
0x17f: {  	_ =	swait.ge [sflag:s19], $0x280  }
0x180: {  	[sflag:s19] =	ssyncset.done $0x0  }
0x181: {  	s16 =	simm.s32 $0xAA0;
	s17 =	simm.s32 $0xBA90;
	[sflag:s19] =	ssyncadd.s32 $0xFFFFFD80  }
0x182: {  	[spmem:s2] =	stream.indirect.scatter.add.f32 [tilespmem:s17], [sflag:$0x2], $0x8, s16, s24, $0xb8;
	[tilespmem:$0x1A6D0] =	vst v63  }
0x183: {  	_ =	swait.ge [sflag:s19], $0x280  }
0x184: {  	[sflag:s19] =	ssyncset.done $0x0  }
0x185: {  	s10 =	simm.s32 $0xAF0;
	s11 =	simm.s32 $0xBD10;
	[sflag:s19] =	ssyncadd.s32 $0xFFFFFD80  }
0x186: {  	[spmem:s2] =	stream.indirect.scatter.add.f32 [tilespmem:s11], [sflag:$0x2], $0x8, s10, s24, $0xb8;
	[tilespmem:$0x1A6D0] =	vst v63  }
0x187: {  	_ =	swait.ge [sflag:s19], $0x280  }
0x188: {  	[sflag:s19] =	ssyncset.done $0x0  }
0x189: {  	s16 =	simm.s32 $0xB40;
	s17 =	simm.s32 $0xBF90;
	[sflag:s19] =	ssyncadd.s32 $0xFFFFFD80  }
0x18a: {  	[spmem:s2] =	stream.indirect.scatter.add.f32 [tilespmem:s17], [sflag:$0x2], $0x8, s16, s24, $0xb8;
	[tilespmem:$0x1A6D0] =	vst v63  }
0x18b: {  	_ =	swait.ge [sflag:s19], $0x280  }
0x18c: {  	[sflag:s19] =	ssyncset.done $0x0  }
0x18d: {  	s10 =	simm.s32 $0xB90;
	s11 =	simm.s32 $0xC210;
	[sflag:s19] =	ssyncadd.s32 $0xFFFFFD80  }
0x18e: {  	[spmem:s2] =	stream.indirect.scatter.add.f32 [tilespmem:s11], [sflag:$0x2], $0x8, s10, s24, $0xb8;
	[tilespmem:$0x1A6D0] =	vst v63  }
0x18f: {  	_ =	swait.ge [sflag:s19], $0x280  }
0x190: {  	[sflag:s19] =	ssyncset.done $0x0  }
0x191: {  	s16 =	simm.s32 $0xBE0;
	s17 =	simm.s32 $0xC490;
	[sflag:s19] =	ssyncadd.s32 $0xFFFFFD80  }
0x192: {  	[spmem:s2] =	stream.indirect.scatter.add.f32 [tilespmem:s17], [sflag:$0x2], $0x8, s16, s24, $0xb8;
	[tilespmem:$0x1A6D0] =	vst v63  }
0x193: {  	_ =	swait.ge [sflag:s19], $0x280  }
0x194: {  	[sflag:s19] =	ssyncset.done $0x0  }
0x195: {  	s10 =	simm.s32 $0xC30;
	s11 =	simm.s32 $0xC710;
	[sflag:s19] =	ssyncadd.s32 $0xFFFFFD80  }
0x196: {  	[spmem:s2] =	stream.indirect.scatter.add.f32 [tilespmem:s11], [sflag:$0x2], $0x8, s10, s24, $0xb8;
	[tilespmem:$0x1A6D0] =	vst v63  }
0x197: {  	_ =	swait.ge [sflag:s19], $0x280  }
0x198: {  	[sflag:s19] =	ssyncset.done $0x0  }
0x199: {  	s16 =	simm.s32 $0xC80;
	s17 =	simm.s32 $0xC990;
	[sflag:s19] =	ssyncadd.s32 $0xFFFFFD80  }
0x19a: {  	[spmem:s2] =	stream.indirect.scatter.add.f32 [tilespmem:s17], [sflag:$0x2], $0x8, s16, s24, $0xb8;
	[tilespmem:$0x1A6D0] =	vst v63  }
0x19b: {  	_ =	swait.ge [sflag:s19], $0x280  }
0x19c: {  	[sflag:s19] =	ssyncset.done $0x0  }
0x19d: {  	s10 =	simm.s32 $0xCD0;
	s11 =	simm.s32 $0xCC10;
	[sflag:s19] =	ssyncadd.s32 $0xFFFFFD80  }
0x19e: {  	[spmem:s2] =	stream.indirect.scatter.add.f32 [tilespmem:s11], [sflag:$0x2], $0x8, s10, s24, $0xb8;
	[tilespmem:$0x1A6D0] =	vst v63  }
0x19f: {  	_ =	swait.ge [sflag:s19], $0x280  }
0x1a0: {  	[sflag:s19] =	ssyncset.done $0x0  }
0x1a1: {  	s16 =	simm.s32 $0xD20;
	s17 =	simm.s32 $0xCE90;
	[sflag:s19] =	ssyncadd.s32 $0xFFFFFD80  }
0x1a2: {  	[spmem:s2] =	stream.indirect.scatter.add.f32 [tilespmem:s17], [sflag:$0x2], $0x8, s16, s24, $0xb8;
	[tilespmem:$0x1A6D0] =	vst v63  }
0x1a3: {  	_ =	swait.ge [sflag:s19], $0x280  }
0x1a4: {  	[sflag:s19] =	ssyncset.done $0x0  }
0x1a5: {  	s10 =	simm.s32 $0xD70;
	s11 =	simm.s32 $0xD110;
	[sflag:s19] =	ssyncadd.s32 $0xFFFFFD80  }
0x1a6: {  	[spmem:s2] =	stream.indirect.scatter.add.f32 [tilespmem:s11], [sflag:$0x2], $0x8, s10, s24, $0xb8;
	[tilespmem:$0x1A6D0] =	vst v63  }
0x1a7: {  	_ =	swait.ge [sflag:s19], $0x280  }
0x1a8: {  	[sflag:s19] =	ssyncset.done $0x0  }
0x1a9: {  	s16 =	simm.s32 $0xDC0;
	s17 =	simm.s32 $0xD390;
	[sflag:s19] =	ssyncadd.s32 $0xFFFFFD80  }
0x1aa: {  	[spmem:s2] =	stream.indirect.scatter.add.f32 [tilespmem:s17], [sflag:$0x2], $0x8, s16, s24, $0xb8;
	[tilespmem:$0x1A6D0] =	vst v63  }
0x1ab: {  	_ =	swait.ge [sflag:s19], $0x280  }
0x1ac: {  	[sflag:s19] =	ssyncset.done $0x0  }
0x1ad: {  	[sflag:s19] =	ssyncadd.s32 $0xFFFFFD80  }
0x1ae: {  	[spmem:s2] =	stream.indirect.scatter.add.f32 [tilespmem:s18], [sflag:$0x2], $0x8, s13, s24, $0xb8;
	[tilespmem:$0x1A6D0] =	vst v63  }
0x1af: {  	_ =	swait.ge [sflag:s19], $0x280  }
0x1b0: {  	[sflag:s19] =	ssyncset.done $0x0  }
0x1b1: {  	[sflag:s19] =	ssyncadd.s32 $0xFFFFFD80  }
0x1b2: {  	[spmem:s2] =	stream.indirect.scatter.add.f32 [tilespmem:s28], [sflag:$0x2], $0x8, s26, s24, $0xb8;
	[tilespmem:$0x1A6D0] =	vst v63  }
0x1b3: {  	_ =	swait.ge [sflag:s19], $0x280  }
0x1b4: {  	[sflag:s19] =	ssyncset.done $0x0  }
0x1b5: {  	[sflag:s19] =	ssyncadd.s32 $0xFFFFFD80  }
0x1b6: {  	[spmem:s2] =	stream.indirect.scatter.add.f32 [tilespmem:s30], [sflag:$0x2], $0x8, s29, s24, $0xb8;
	[tilespmem:$0x1A6D0] =	vst v63  }
0x1b7: {  	_ =	swait.ge [sflag:s19], $0x280  }
0x1b8: {  	[sflag:s19] =	ssyncset.done $0x0  }
0x1b9: {  	[sflag:s19] =	ssyncadd.s32 $0xFFFFFD80  }
0x1ba: {  	[spmem:s2] =	stream.indirect.scatter.add.f32 [tilespmem:s0], [sflag:$0x2], $0x8, s31, s24, $0xb8;
	[tilespmem:$0x1A6D0] =	vst v63  }
0x1bb: {  	s22 =	sadd.s32 $0x1, s22;
	_ =	swait.ge [sflag:s19], $0x280  }
0x1bc: {  	p0 =	sne.s32 s22, $0x32;
	[sflag:s19] =	ssyncset.done $0x0  }
.Ltmp1:
0x1bd: {  	[sflag:s19] =	ssyncadd.s32 $0xFFFFFD80;
	(pc) =	sbr.rel @p0 .LBB2_2-.Ltmp1, $4  }
0x1be: {  	[spmem:s2] =	stream.indirect.scatter.add.f32 [tilespmem:s21], [sflag:$0x2], $0x8, s1, s24, $0xb8;
	[tilespmem:$0x1A6D0] =	vst v63  }
0x1bf: {  	_ =	swait.ge [sflag:s19], $0x280  }
0x1c0: {  	[sflag:s19] =	ssyncset.done $0x0  }
0x1c1: {  	[sflag:s19] =	ssyncadd.s32 $0xFFFFFD80  }
0x1c2: {  	[bflag:$0x0] =	sbarrier.arrive $0xFFFF  }
0x1c3: {  	s9 =	rddreg [dreg:$0x7]  }
0x1c4: {  	s3 =	rddreg [dreg:$0x8]  }
0x1c5: {  	s10 =	rddreg [dreg:$0xa]  }
0x1c6: {  	[hbm:s3], [sflag:s9] =	dma.local [spmem:s10], $0x1880  }
0x1c7: {  	_ =	swait.ge [sflag:s19], $0x1880  }
0x1c8: {  	s11 =	rddreg [dreg:$0xb]  }
0x1c9: {  	s22 =	rddreg [dreg:$0x9];
	s11 =	sadd.s32 $0x1, s11  }
0x1ca: {  	p0 =	sne.s32 s11, s22  }
.Ltmp2:
0x1cb: {  	_ = 	snop;
	(pc) =	sbr.rel @p0 .LBB2_1-.Ltmp2, $3  }
0x1cc: {  	_ =	sdelay $0x1  }
0x1cd: {  	[sflag:s19] =	ssyncset.done $0x0  }
0x1ce: {  	[sflag:s19] =	ssyncadd.s32 $0xFFFFE780  }
0x1cf: {  	_ =	sfence.sel $0x180000  }
0x1d0: {  	[bflag:$0x0] =	sbarrier.arrive $0xFFFF  }
0x1d1: {  	_ =	strace $0x90000047  }
0x1d2: {  	s0 =	stileid.u32;
	[bflag:$0x2] =	sbarrier.arrive $0xFFFF  }
0x1d3: {  	p0 =	sne.s32 s0, $0x0;
	s0 =	rddreg [dreg:$0x2]  }
0x1d4: {  	s0 =	sadd.s32 @!p0 $0x100000, s0  }
0x1d5: {  	[sflag:s0] =	ssyncadd.tile.s32 @!p0 $0x1;
	_ =	shalt  }
.Lfunc_end2:
_tile_overlayer_lowered:
.L_overlay_start_2:
0x1d6: {  	(tag) =	ssettag $0x2  }
0x1d7: {  	s0 =	rddreg [dreg:$0x0];
	s2 =	stileid.u32  }
0x1d8: {  	s1 =	rddreg [dreg:$0x1];
	p0 =	sne.s32 s2, $0x0  }
0x1d9: {  	s3 =	rddreg [dreg:$0x2];
	[bflag:$0x3] =	sbarrier.arrive $0xFFFF;
	s2 =	simm.s32 @!p0 $0x1C02  }
0x1da: {  	[timem:s3], [sflag:s2] =	dma.local @!p0 [hbm:s0], s1  }
0x1db: {  	s0 =	simm.s32 @!p0 $0x2  }
0x1dc: {  	_ =	swait.ge @!p0 [sflag:s0], s1  }
0x1dd: {  	s1 =	ssub.s32 @!p0 $0x0, s1;
	[sflag:s0] =	ssyncset.done @!p0 $0x0  }
0x1de: {  	[sflag:s0] =	ssyncadd.s32 @!p0 s1  }
0x1df: {  	[bflag:$0x3] =	sbarrier.arrive $0xFFFF  }
0x1e0: {  	_ =	shalt  }

</sc_bundles>
